<compile_context>
chip_gen: v7x
topology: tpu7x:2x2x1
jax: 0.10.2.dev20260603
libtpu: 0.0.44.dev20260713+nightly
codegen_flags: <defaults>
</compile_context>

<pallas_src>
import functools

import jax
import jax.numpy as jnp
from jax import lax
from jax.experimental import pallas as pl
from jax.experimental.pallas import tpu as pltpu
from jax.experimental.pallas import tpu_sc as plsc

N = 4096
E = 65536
D = 1024
P = 256

NW = 32
ROWS = 16
PASSES = N // (NW * ROWS)
CHUNK = 8192
LANES = 16


NSUB = 16
ESLICE = E // NSUB
CAP = 768
PASS_ROWS = NW * ROWS
SHIFT = PASS_ROWS.bit_length() - 1


def _adj_body(src_h, dst_h, dep_h, a_h, acc, srcb, dstb, binbuf, passbuf,
              shared):
    del dep_h
    nc = 2
    sid = lax.axis_index("s")
    wid = sid * nc + lax.axis_index("c")

    def sent_body(j, _):
        binbuf[pl.ds(j * LANES, LANES)] = jnp.full((LANES,), -1, jnp.int32)
        return ()
    lax.fori_loop(0, PASSES * CAP // LANES, sent_body, ())

    pltpu.sync_copy(src_h.at[pl.ds(sid * ESLICE, ESLICE)], srcb)
    pltpu.sync_copy(dst_h.at[pl.ds(sid * ESLICE, ESLICE)], dstb)

    zero16 = jnp.zeros((LANES,), jnp.int32)

    def bin_body(j, cnts):
        s = srcb[pl.ds(j * LANES, LANES)]
        d = dstb[pl.ds(j * LANES, LANES)]
        code = d * N + s
        bn = lax.shift_right_logical(d, SHIFT)
        out = []
        for b in range(PASSES):
            m = bn == b
            mi = jnp.where(m, 1, 0)
            cs = plsc.cumsum(mi)
            pos = jnp.minimum(cnts[b] + cs - 1, CAP - 1)
            plsc.store_scatter(binbuf, [b * CAP + pos], code, mask=m)
            tot = plsc.all_reduce_population_count(m)
            out.append(cnts[b] + tot)
        return tuple(out)

    lax.fori_loop(0, ESLICE // LANES, bin_body, (zero16,) * PASSES)

    for b in range(PASSES):
        pltpu.sync_copy(binbuf.at[pl.ds(b * CAP, CAP)],
                        shared.at[b, pl.ds(sid * CAP, CAP)])
    plsc.subcore_barrier()

    def pass_body(p, _):
        base = (p * NW + wid) * ROWS
        pltpu.sync_copy(shared.at[p], passbuf)

        def zero_body(j, _):
            for u in range(8):
                acc[pl.ds((j * 8 + u) * LANES, LANES)] = jnp.zeros(
                    (LANES,), jnp.float32)
            return ()
        lax.fori_loop(0, ROWS * N // (8 * LANES), zero_body, ())

        def scan_body(j, _):
            for u in range(8):
                code = passbuf[pl.ds((j * 8 + u) * LANES, LANES)]
                loc = lax.shift_right_arithmetic(code, 12) - base
                m = (code >= 0) & (loc >= 0) & (loc < ROWS)
                flat = jnp.where(m, loc * N + (code & (N - 1)), 0)
                val = jnp.where(m, jnp.float32(1.0), jnp.float32(0.0))
                plsc.addupdate_scatter(acc, [flat], val)
            return ()
        lax.fori_loop(0, NSUB * CAP // (8 * LANES), scan_body, ())

        pltpu.sync_copy(acc, a_h.at[pl.ds(base * N, ROWS * N)])
        return ()
    lax.fori_loop(0, PASSES, pass_body, ())


def _build_adj(src, dst, dep):
    mesh = plsc.VectorSubcoreMesh(core_axis_name="c", subcore_axis_name="s")
    a = pl.kernel(
        _adj_body,
        out_type=jax.ShapeDtypeStruct((N * N,), jnp.float32),
        mesh=mesh,
        compiler_params=pltpu.CompilerParams(needs_layout_passes=False),
        scratch_types=[
            pltpu.VMEM((ROWS * N,), jnp.float32),
            pltpu.VMEM((ESLICE,), jnp.int32),
            pltpu.VMEM((ESLICE,), jnp.int32),
            pltpu.VMEM((PASSES * CAP,), jnp.int32),
            pltpu.VMEM((NSUB * CAP,), jnp.int32),
            pltpu.VMEM_SHARED((PASSES, NSUB * CAP), jnp.int32),
        ],
    )(src, dst, dep)
    return a.reshape(N, N)


BM = 512
BK = 1024


def _main_body(a_ref, xk_ref, xi_ref, wm_ref, wr_ref, w1_ref, b1_ref,
               y1_ref, st_ref, acc_ref):
    k = pl.program_id(1)

    @pl.when(k == 0)
    def _():
        acc_ref[...] = jnp.zeros_like(acc_ref)

    acc_ref[...] += jnp.dot(a_ref[...], xk_ref[...],
                            preferred_element_type=jnp.float32)

    @pl.when(k == N // BK - 1)
    def _():
        i = pl.program_id(0)
        xi = xi_ref[...]
        t = jnp.dot(acc_ref[...], wm_ref[...],
                    preferred_element_type=jnp.float32)
        t += jnp.dot(xi, wr_ref[...], preferred_element_type=jnp.float32)
        h = xi + jnp.maximum(t, 0.0)
        y1 = jnp.dot(h, w1_ref[...],
                     preferred_element_type=jnp.float32) + b1_ref[...]
        y1_ref[...] = y1
        s = jnp.concatenate([jnp.sum(y1, axis=0, keepdims=True),
                             jnp.sum(y1 * y1, axis=0, keepdims=True)], axis=0)

        @pl.when(i == 0)
        def _():
            st_ref[...] = s

        @pl.when(i > 0)
        def _():
            st_ref[...] += s


def _main_stage(a, x, wm, wr, w1, b1):
    grid = (N // BM, N // BK)
    return pl.pallas_call(
        _main_body,
        grid=grid,
        in_specs=[
            pl.BlockSpec((BM, BK), lambda i, k: (i, k)),
            pl.BlockSpec((BK, D), lambda i, k: (k, 0)),
            pl.BlockSpec((BM, D), lambda i, k: (i, 0)),
            pl.BlockSpec((D, D), lambda i, k: (0, 0)),
            pl.BlockSpec((D, D), lambda i, k: (0, 0)),
            pl.BlockSpec((D, D), lambda i, k: (0, 0)),
            pl.BlockSpec((1, D), lambda i, k: (0, 0)),
        ],
        out_specs=[
            pl.BlockSpec((BM, D), lambda i, k: (i, 0)),
            pl.BlockSpec((2, D), lambda i, k: (0, 0)),
        ],
        out_shape=[
            jax.ShapeDtypeStruct((N, D), jnp.float32),
            jax.ShapeDtypeStruct((2, D), jnp.float32),
        ],
        scratch_shapes=[pltpu.VMEM((BM, D), jnp.float32)],
    )(a, x, x, wm, wr, w1, b1)


def _proj2_body(y1_ref, st_ref, g_ref, be_ref, w2_ref, b2_ref,
                y2_ref, st2_ref):
    st = st_ref[...]
    mean = st[0:1, :] * (1.0 / N)
    var = st[1:2, :] * (1.0 / N) - mean * mean
    z = g_ref[...] * (y1_ref[...] - mean) * lax.rsqrt(var + 1e-5) + be_ref[...]
    z = jnp.maximum(z, 0.0)
    y2 = jnp.dot(z, w2_ref[...], preferred_element_type=jnp.float32) + b2_ref[...]
    y2_ref[...] = y2
    s = jnp.concatenate([jnp.sum(y2, axis=0, keepdims=True),
                         jnp.sum(y2 * y2, axis=0, keepdims=True)], axis=0)
    i = pl.program_id(0)

    @pl.when(i == 0)
    def _():
        st2_ref[...] = s

    @pl.when(i > 0)
    def _():
        st2_ref[...] += s


def _proj2_stage(y1, st1, g1, be1, w2, b2):
    grid = (N // BM,)
    return pl.pallas_call(
        _proj2_body,
        grid=grid,
        in_specs=[
            pl.BlockSpec((BM, D), lambda i: (i, 0)),
            pl.BlockSpec((2, D), lambda i: (0, 0)),
            pl.BlockSpec((1, D), lambda i: (0, 0)),
            pl.BlockSpec((1, D), lambda i: (0, 0)),
            pl.BlockSpec((D, P), lambda i: (0, 0)),
            pl.BlockSpec((1, P), lambda i: (0, 0)),
        ],
        out_specs=[
            pl.BlockSpec((BM, P), lambda i: (i, 0)),
            pl.BlockSpec((2, P), lambda i: (0, 0)),
        ],
        out_shape=[
            jax.ShapeDtypeStruct((N, P), jnp.float32),
            jax.ShapeDtypeStruct((2, P), jnp.float32),
        ],
    )(y1, st1, g1, be1, w2, b2)


def _bn_relu_norm(y2, st, g, be):
    mean = st[0:1, :] * (1.0 / N)
    var = st[1:2, :] * (1.0 / N) - mean * mean
    z = g * (y2 - mean) * lax.rsqrt(var + 1e-5) + be
    z = jnp.maximum(z, 0.0)
    nrm = jnp.sqrt(jnp.sum(z * z, axis=1, keepdims=True))
    return z / jnp.maximum(nrm, 1e-12)


def _normaff_body(y2s_ref, sts_ref, y2t_ref, stt_ref, g_ref, be_ref, o_ref):
    es = _bn_relu_norm(y2s_ref[...], sts_ref[...], g_ref[...], be_ref[...])
    et = _bn_relu_norm(y2t_ref[...], stt_ref[...], g_ref[...], be_ref[...])
    o_ref[...] = lax.dot_general(
        es, et, (((1,), (1,)), ((), ())),
        preferred_element_type=jnp.float32)


def _normaff_stage(y2s, sts, y2t, stt, g2, be2):
    grid = (N // BM, N // BM)
    return pl.pallas_call(
        _normaff_body,
        grid=grid,
        in_specs=[
            pl.BlockSpec((BM, P), lambda i, j: (i, 0)),
            pl.BlockSpec((2, P), lambda i, j: (0, 0)),
            pl.BlockSpec((BM, P), lambda i, j: (j, 0)),
            pl.BlockSpec((2, P), lambda i, j: (0, 0)),
            pl.BlockSpec((1, P), lambda i, j: (0, 0)),
            pl.BlockSpec((1, P), lambda i, j: (0, 0)),
        ],
        out_specs=pl.BlockSpec((BM, BM), lambda i, j: (i, j)),
        out_shape=jax.ShapeDtypeStruct((N, N), jnp.float32),
    )(y2s, sts, y2t, stt, g2, be2)


def _graph_embed(a, x, W_msg, W_root, W1, b1, g1, be1, W2, b2):
    y1, st1 = _main_stage(a, x, W_msg, W_root, W1, b1.reshape(1, D))
    return _proj2_stage(y1, st1, g1.reshape(1, D), be1.reshape(1, D),
                        W2, b2.reshape(1, P))


def kernel(x_src, edge_index_src, x_tgt, edge_index_tgt,
           W_msg, W_root, W1, b1, g1, be1, W2, b2, g2, be2):
    src_s = edge_index_src[0].astype(jnp.int32)
    dst_s = edge_index_src[1].astype(jnp.int32)
    src_t = edge_index_tgt[0].astype(jnp.int32)
    dst_t = edge_index_tgt[1].astype(jnp.int32)

    a_s = _build_adj(src_s, dst_s, src_s[:8])
    a_t = _build_adj(src_t, dst_t, a_s[0, :8].astype(jnp.int32))

    mlp = (W1, b1, g1, be1, W2, b2)
    y2s, sts = _graph_embed(a_s, x_src, W_msg, W_root, *mlp)
    y2t, stt = _graph_embed(a_t, x_tgt, W_msg, W_root, *mlp)
    return _normaff_stage(y2s, sts, y2t, stt,
                          g2.reshape(1, P), be2.reshape(1, P))

# --- scband reference (transcript-rebuilt; emitter-appended) ---
"""Pipeline reference for scband-spline-cnn-33560874451125 (READ-ONLY COPY).

The authoritative reference and input builder live on the scoring server;
editing this copy changes nothing except your own understanding.
"""

import jax, jax.numpy as jnp
import numpy as np

N = 4096
E = 65536
D = 1024  # feature_channel * 2
P = 256


def setup_inputs(seed: int = 0) -> dict:
    key = jax.random.key(seed)
    ks = jax.random.split(key, 12)
    inp = {}
    inp["x_src"] = jax.random.normal(ks[0], (N, D), dtype=jnp.float32)
    inp["x_tgt"] = jax.random.normal(ks[1], (N, D), dtype=jnp.float32)
    inp["edge_index_src"] = jax.random.randint(ks[2], (2, E), 0, N)
    inp["edge_index_tgt"] = jax.random.randint(ks[3], (2, E), 0, N)
    # learned parameters
    inp["W_msg"] = jax.random.normal(ks[4], (D, D), dtype=jnp.float32) * 0.02
    inp["W_root"] = jax.random.normal(ks[5], (D, D), dtype=jnp.float32) * 0.02
    inp["W1"] = jax.random.normal(ks[6], (D, D), dtype=jnp.float32) * 0.02
    inp["b1"] = jnp.zeros((D,), dtype=jnp.float32)
    inp["g1"] = jnp.ones((D,), dtype=jnp.float32)
    inp["be1"] = jnp.zeros((D,), dtype=jnp.float32)
    inp["W2"] = jax.random.normal(ks[7], (D, P), dtype=jnp.float32) * 0.02
    inp["b2"] = jnp.zeros((P,), dtype=jnp.float32)
    inp["g2"] = jnp.ones((P,), dtype=jnp.float32)
    inp["be2"] = jnp.zeros((P,), dtype=jnp.float32)
    return inp


def _batch_norm(x, g, b):
    m = jnp.mean(x, axis=0)
    v = jnp.var(x, axis=0)
    return g * (x - m) / jnp.sqrt(v + 1e-5) + b


def _message_pass(x, edge_index, W_msg, W_root):
    # SiameseSConvOnNodes (SplineConv with residual), approximated as
    # gather -> per-edge linear -> scatter-add (segment_sum) -> root transform -> residual
    src = edge_index[0]
    dst = edge_index[1]
    msg = jnp.take(x, src, axis=0) @ W_msg
    agg = jax.ops.segment_sum(msg, dst, num_segments=x.shape[0])
    return x + jax.nn.relu(agg + x @ W_root)


def _projection(x, W1, b1, g1, be1, W2, b2, g2, be2):
    h = jax.nn.relu(_batch_norm(x @ W1 + b1, g1, be1))
    return jax.nn.relu(_batch_norm(h @ W2 + b2, g2, be2))


def _normalize(x):
    n = jnp.linalg.norm(x, axis=-1, keepdims=True)
    return x / jnp.maximum(n, 1e-12)


def reference(x_src, edge_index_src, x_tgt, edge_index_tgt,
              W_msg, W_root, W1, b1, g1, be1, W2, b2, g2, be2):
    hs = _message_pass(x_src, edge_index_src, W_msg, W_root)
    ht = _message_pass(x_tgt, edge_index_tgt, W_msg, W_root)
    es = _projection(hs, W1, b1, g1, be1, W2, b2, g2, be2)
    et = _projection(ht, W1, b1, g1, be1, W2, b2, g2, be2)
    # InnerProduct: L2-normalize then X @ Y^T -> unary affinity [N_src, N_tgt]
    unary_affinity = _normalize(es) @ _normalize(et).T
    return unary_affinity


if False:  # reference __main__ guard neutralized (emitter)
    out = reference(**setup_inputs())
    print(out.shape)

if __name__ == "__main__":
    import jax
    _d = setup_inputs()
    print(jax.jit(kernel)(*tuple(_d.values())))

</pallas_src>

<mosaic_0001>
#map = affine_map<(d0, d1) -> (0)>
module attributes {stable_mosaic.version = 14 : i64} {
  func.func @_adj_body(%arg0: i32, %arg1: i32, %arg2: memref<1024xi32, #tpu.memory_space<hbm>>, %arg3: memref<1024xi32, #tpu.memory_space<hbm>>, %arg4: memref<8xi32, #tpu.memory_space<hbm>>, %arg5: memref<16777216xf32, #tpu.memory_space<hbm>>, %arg6: memref<65536xf32, #tpu.memory_space<vmem>>, %arg7: memref<4096xi32, #tpu.memory_space<vmem>>, %arg8: memref<4096xi32, #tpu.memory_space<vmem>>, %arg9: memref<6144xi32, #tpu.memory_space<vmem>>, %arg10: memref<12288xi32, #tpu.memory_space<vmem>>, %arg11: memref<8x12288xi32, #tpu.memory_space<vmem_shared>>) attributes {dimension_semantics = [#tpu.dimension_semantics<core_parallel>, #tpu.dimension_semantics<subcore_parallel>], iteration_bounds = array<i64: 2, 16>, scalar_prefetch = 0 : i64, scratch_operands = 6 : i64, tpu.core_type = #tpu.core_type<sc_vector_subcore>, window_params = [{transform_indices = #map}, {transform_indices = #map}, {transform_indices = #map}, {transform_indices = #map}]} {
    %mul3A = arith.constant 2 : i32
    %mul3A_0 = arith.muli %arg1, %mul3A : i32
    %add3A = arith.addi %mul3A_0, %arg0 : i32
    %scan3A = arith.constant 0 : i32
    %scan3A_1 = arith.constant 384 : i32
    %scan3A_2 = arith.addi %scan3A, %scan3A_1 : i32
    %scan3A_3 = arith.constant 1 : i32
    scf.for %scan3A_44 = %scan3A to %scan3A_2 step %scan3A_3  : i32 {
      %broadcast_in_dim3A_45 = arith.constant -1 : i32
      %broadcast_in_dim3A_46 = vector.broadcast %broadcast_in_dim3A_45 : i32 to vector<16xi32>
      %mul3A_47 = arith.constant 16 : i32
      %mul3A_48 = arith.muli %scan3A_44, %mul3A_47 : i32
      %swap3A = arith.index_cast %mul3A_48 : i32 to index
      %swap3A_49 = tpu.vector_load %arg9[%swap3A] {strides = array<i32>} : memref<6144xi32, #tpu.memory_space<vmem>>, vector<16xi32>,
      tpu.vector_store %arg9[%swap3A], %broadcast_in_dim3A_46 {strides = array<i32>} : memref<6144xi32, #tpu.memory_space<vmem>>, vector<16xi32>,
    }
    %scan3A_4 = arith.constant 384 : i32
    %mul3A_5 = arith.constant 4096 : i32
    %mul3A_6 = arith.muli %arg1, %mul3A_5 : i32
    "tpu.region"() ({
      %run_scoped3A_44 = tpu.sem_alloc : memref<!tpu.dma_semaphore, #tpu.memory_space<semaphore_mem>>
      %dma_start3A = tpu.memref_slice %arg2[%mul3A_6] : memref<1024xi32, #tpu.memory_space<hbm>> -> memref<4096xi32, #tpu.memory_space<hbm>>
      %dma_start3A_45 = tpu.memref_slice %arg2[%mul3A_6] : memref<1024xi32, #tpu.memory_space<hbm>> -> memref<4096xi32, #tpu.memory_space<hbm>>
      tpu.enqueue_dma source(%dma_start3A_45 : memref<4096xi32, #tpu.memory_space<hbm>>) target(%arg7 : memref<4096xi32, #tpu.memory_space<vmem>>) target_semaphore(%run_scoped3A_44 : memref<!tpu.dma_semaphore, #tpu.memory_space<semaphore_mem>>)
      %dma_wait3A = tpu.memref_slice %arg2[%mul3A_6] : memref<1024xi32, #tpu.memory_space<hbm>> -> memref<4096xi32, #tpu.memory_space<hbm>>
      %dma_wait3A_46 = tpu.memref_slice %arg2[%mul3A_6] : memref<1024xi32, #tpu.memory_space<hbm>> -> memref<4096xi32, #tpu.memory_space<hbm>>
      tpu.wait_dma2 semaphore(%run_scoped3A_44 : memref<!tpu.dma_semaphore, #tpu.memory_space<semaphore_mem>>) src(%dma_wait3A_46 : memref<4096xi32, #tpu.memory_space<hbm>>) dst(%arg7 : memref<4096xi32, #tpu.memory_space<vmem>>)
      tpu.yield
    }) : () -> ()
    %mul3A_7 = arith.constant 4096 : i32
    %mul3A_8 = arith.muli %arg1, %mul3A_7 : i32
    "tpu.region"() ({
      %run_scoped3A_44 = tpu.sem_alloc : memref<!tpu.dma_semaphore, #tpu.memory_space<semaphore_mem>>
      %dma_start3A = tpu.memref_slice %arg3[%mul3A_8] : memref<1024xi32, #tpu.memory_space<hbm>> -> memref<4096xi32, #tpu.memory_space<hbm>>
      %dma_start3A_45 = tpu.memref_slice %arg3[%mul3A_8] : memref<1024xi32, #tpu.memory_space<hbm>> -> memref<4096xi32, #tpu.memory_space<hbm>>
      tpu.enqueue_dma source(%dma_start3A_45 : memref<4096xi32, #tpu.memory_space<hbm>>) target(%arg8 : memref<4096xi32, #tpu.memory_space<vmem>>) target_semaphore(%run_scoped3A_44 : memref<!tpu.dma_semaphore, #tpu.memory_space<semaphore_mem>>)
      %dma_wait3A = tpu.memref_slice %arg3[%mul3A_8] : memref<1024xi32, #tpu.memory_space<hbm>> -> memref<4096xi32, #tpu.memory_space<hbm>>
      %dma_wait3A_46 = tpu.memref_slice %arg3[%mul3A_8] : memref<1024xi32, #tpu.memory_space<hbm>> -> memref<4096xi32, #tpu.memory_space<hbm>>
      tpu.wait_dma2 semaphore(%run_scoped3A_44 : memref<!tpu.dma_semaphore, #tpu.memory_space<semaphore_mem>>) src(%dma_wait3A_46 : memref<4096xi32, #tpu.memory_space<hbm>>) dst(%arg8 : memref<4096xi32, #tpu.memory_space<vmem>>)
      tpu.yield
    }) : () -> ()
    %broadcast_in_dim3A = arith.constant 0 : i32
    %broadcast_in_dim3A_9 = vector.broadcast %broadcast_in_dim3A : i32 to vector<16xi32>
    %scan3A_10 = arith.constant 0 : i32
    %scan3A_11 = arith.constant 256 : i32
    %scan3A_12 = arith.addi %scan3A_10, %scan3A_11 : i32
    %scan3A_13 = arith.constant 1 : i32
    %scan3A_14:8 = scf.for %scan3A_44 = %scan3A_10 to %scan3A_12 step %scan3A_13 iter_args(%scan3A_45 = %broadcast_in_dim3A_9, %scan3A_46 = %broadcast_in_dim3A_9, %scan3A_47 = %broadcast_in_dim3A_9, %scan3A_48 = %broadcast_in_dim3A_9, %scan3A_49 = %broadcast_in_dim3A_9, %scan3A_50 = %broadcast_in_dim3A_9, %scan3A_51 = %broadcast_in_dim3A_9, %scan3A_52 = %broadcast_in_dim3A_9) -> (vector<16xi32>, vector<16xi32>, vector<16xi32>, vector<16xi32>, vector<16xi32>, vector<16xi32>, vector<16xi32>, vector<16xi32>)  : i32 {
      %mul3A_53 = arith.constant 16 : i32
      %mul3A_54 = arith.muli %scan3A_44, %mul3A_53 : i32
      %get3A = arith.index_cast %mul3A_54 : i32 to index
      %get3A_55 = tpu.vector_load %arg7[%get3A] {strides = array<i32>} : memref<4096xi32, #tpu.memory_space<vmem>>, vector<16xi32>,
      %mul3A_56 = arith.constant 16 : i32
      %mul3A_57 = arith.muli %scan3A_44, %mul3A_56 : i32
      %get3A_58 = arith.index_cast %mul3A_57 : i32 to index
      %get3A_59 = tpu.vector_load %arg8[%get3A_58] {strides = array<i32>} : memref<4096xi32, #tpu.memory_space<vmem>>, vector<16xi32>,
      %mul3A_60 = arith.constant 4096 : i32
      %mul3A_61 = vector.broadcast %mul3A_60 : i32 to vector<16xi32>
      %mul3A_62 = arith.muli %get3A_59, %mul3A_61 : vector<16xi32>
      %add3A_63 = arith.addi %mul3A_62, %get3A_55 : vector<16xi32>
      %shift_right_logical3A = arith.constant 9 : i32
      %shift_right_logical3A_64 = vector.broadcast %shift_right_logical3A : i32 to vector<16xi32>
      %shift_right_logical3A_65 = arith.shrui %get3A_59, %shift_right_logical3A_64 : vector<16xi32>
      %eq3A = arith.constant 0 : i32
      %eq3A_66 = vector.broadcast %eq3A : i32 to vector<16xi32>
      %eq3A_67 = arith.cmpi eq, %shift_right_logical3A_65, %eq3A_66 : vector<16xi32>
      %jit3A = arith.constant 1 : i32
      %jit3A_68 = arith.constant 0 : i32
      %broadcast_in_dim3A_69 = vector.broadcast %jit3A : i32 to vector<16xi32>
      %broadcast_in_dim3A_70 = vector.broadcast %jit3A_68 : i32 to vector<16xi32>
      %select_n3A = arith.select %eq3A_67, %broadcast_in_dim3A_69, %broadcast_in_dim3A_70 : vector<16xi1>, vector<16xi32>
      %broadcast_in_dim3A_71 = arith.constant true
      %broadcast_in_dim3A_72 = vector.broadcast %broadcast_in_dim3A_71 : i1 to vector<16xi1>
      %masked_cumsum3A = tpu.scan <sum>, %select_n3A masked %broadcast_in_dim3A_72 : vector<16xi32>, vector<16xi1> -> vector<16xi32>
      %add3A_73 = arith.addi %scan3A_45, %masked_cumsum3A : vector<16xi32>
      %sub3A = arith.constant 1 : i32
      %sub3A_74 = vector.broadcast %sub3A : i32 to vector<16xi32>
      %sub3A_75 = arith.subi %add3A_73, %sub3A_74 : vector<16xi32>
      %min3A = arith.constant 767 : i32
      %min3A_76 = vector.broadcast %min3A : i32 to vector<16xi32>
      %min3A_77 = arith.minsi %sub3A_75, %min3A_76 : vector<16xi32>
      %add3A_78 = arith.constant 0 : i32
      %add3A_79 = vector.broadcast %add3A_78 : i32 to vector<16xi32>
      %add3A_80 = arith.addi %add3A_79, %min3A_77 : vector<16xi32>
      tpu.vector_store_idx %arg9[%add3A_80], %add3A_63 masked %eq3A_67 : memref<6144xi32, #tpu.memory_space<vmem>>[vector<16xi32>], vector<16xi32>, vector<16xi1>
      %all_reduce_population_count3A = tpu.all_reduce %eq3A_67 {dim = 0 : i64, kind = #tpu.reduction_kind<sum>} : vector<16xi1> -> vector<16xi32>
      %add3A_81 = arith.addi %scan3A_45, %all_reduce_population_count3A : vector<16xi32>
      %eq3A_82 = arith.constant 1 : i32
      %eq3A_83 = vector.broadcast %eq3A_82 : i32 to vector<16xi32>
      %eq3A_84 = arith.cmpi eq, %shift_right_logical3A_65, %eq3A_83 : vector<16xi32>
      %jit3A_85 = arith.constant 1 : i32
      %jit3A_86 = arith.constant 0 : i32
      %broadcast_in_dim3A_87 = vector.broadcast %jit3A_85 : i32 to vector<16xi32>
      %broadcast_in_dim3A_88 = vector.broadcast %jit3A_86 : i32 to vector<16xi32>
      %select_n3A_89 = arith.select %eq3A_84, %broadcast_in_dim3A_87, %broadcast_in_dim3A_88 : vector<16xi1>, vector<16xi32>
      %broadcast_in_dim3A_90 = arith.constant true
      %broadcast_in_dim3A_91 = vector.broadcast %broadcast_in_dim3A_90 : i1 to vector<16xi1>
      %masked_cumsum3A_92 = tpu.scan <sum>, %select_n3A_89 masked %broadcast_in_dim3A_91 : vector<16xi32>, vector<16xi1> -> vector<16xi32>
      %add3A_93 = arith.addi %scan3A_46, %masked_cumsum3A_92 : vector<16xi32>
      %sub3A_94 = arith.constant 1 : i32
      %sub3A_95 = vector.broadcast %sub3A_94 : i32 to vector<16xi32>
      %sub3A_96 = arith.subi %add3A_93, %sub3A_95 : vector<16xi32>
      %min3A_97 = arith.constant 767 : i32
      %min3A_98 = vector.broadcast %min3A_97 : i32 to vector<16xi32>
      %min3A_99 = arith.minsi %sub3A_96, %min3A_98 : vector<16xi32>
      %add3A_100 = arith.constant 768 : i32
      %add3A_101 = vector.broadcast %add3A_100 : i32 to vector<16xi32>
      %add3A_102 = arith.addi %add3A_101, %min3A_99 : vector<16xi32>
      tpu.vector_store_idx %arg9[%add3A_102], %add3A_63 masked %eq3A_84 : memref<6144xi32, #tpu.memory_space<vmem>>[vector<16xi32>], vector<16xi32>, vector<16xi1>
      %all_reduce_population_count3A_103 = tpu.all_reduce %eq3A_84 {dim = 0 : i64, kind = #tpu.reduction_kind<sum>} : vector<16xi1> -> vector<16xi32>
      %add3A_104 = arith.addi %scan3A_46, %all_reduce_population_count3A_103 : vector<16xi32>
      %eq3A_105 = arith.constant 2 : i32
      %eq3A_106 = vector.broadcast %eq3A_105 : i32 to vector<16xi32>
      %eq3A_107 = arith.cmpi eq, %shift_right_logical3A_65, %eq3A_106 : vector<16xi32>
      %jit3A_108 = arith.constant 1 : i32
      %jit3A_109 = arith.constant 0 : i32
      %broadcast_in_dim3A_110 = vector.broadcast %jit3A_108 : i32 to vector<16xi32>
      %broadcast_in_dim3A_111 = vector.broadcast %jit3A_109 : i32 to vector<16xi32>
      %select_n3A_112 = arith.select %eq3A_107, %broadcast_in_dim3A_110, %broadcast_in_dim3A_111 : vector<16xi1>, vector<16xi32>
      %broadcast_in_dim3A_113 = arith.constant true
      %broadcast_in_dim3A_114 = vector.broadcast %broadcast_in_dim3A_113 : i1 to vector<16xi1>
      %masked_cumsum3A_115 = tpu.scan <sum>, %select_n3A_112 masked %broadcast_in_dim3A_114 : vector<16xi32>, vector<16xi1> -> vector<16xi32>
      %add3A_116 = arith.addi %scan3A_47, %masked_cumsum3A_115 : vector<16xi32>
      %sub3A_117 = arith.constant 1 : i32
      %sub3A_118 = vector.broadcast %sub3A_117 : i32 to vector<16xi32>
      %sub3A_119 = arith.subi %add3A_116, %sub3A_118 : vector<16xi32>
      %min3A_120 = arith.constant 767 : i32
      %min3A_121 = vector.broadcast %min3A_120 : i32 to vector<16xi32>
      %min3A_122 = arith.minsi %sub3A_119, %min3A_121 : vector<16xi32>
      %add3A_123 = arith.constant 1536 : i32
      %add3A_124 = vector.broadcast %add3A_123 : i32 to vector<16xi32>
      %add3A_125 = arith.addi %add3A_124, %min3A_122 : vector<16xi32>
      tpu.vector_store_idx %arg9[%add3A_125], %add3A_63 masked %eq3A_107 : memref<6144xi32, #tpu.memory_space<vmem>>[vector<16xi32>], vector<16xi32>, vector<16xi1>
      %all_reduce_population_count3A_126 = tpu.all_reduce %eq3A_107 {dim = 0 : i64, kind = #tpu.reduction_kind<sum>} : vector<16xi1> -> vector<16xi32>
      %add3A_127 = arith.addi %scan3A_47, %all_reduce_population_count3A_126 : vector<16xi32>
      %eq3A_128 = arith.constant 3 : i32
      %eq3A_129 = vector.broadcast %eq3A_128 : i32 to vector<16xi32>
      %eq3A_130 = arith.cmpi eq, %shift_right_logical3A_65, %eq3A_129 : vector<16xi32>
      %jit3A_131 = arith.constant 1 : i32
      %jit3A_132 = arith.constant 0 : i32
      %broadcast_in_dim3A_133 = vector.broadcast %jit3A_131 : i32 to vector<16xi32>
      %broadcast_in_dim3A_134 = vector.broadcast %jit3A_132 : i32 to vector<16xi32>
      %select_n3A_135 = arith.select %eq3A_130, %broadcast_in_dim3A_133, %broadcast_in_dim3A_134 : vector<16xi1>, vector<16xi32>
      %broadcast_in_dim3A_136 = arith.constant true
      %broadcast_in_dim3A_137 = vector.broadcast %broadcast_in_dim3A_136 : i1 to vector<16xi1>
      %masked_cumsum3A_138 = tpu.scan <sum>, %select_n3A_135 masked %broadcast_in_dim3A_137 : vector<16xi32>, vector<16xi1> -> vector<16xi32>
      %add3A_139 = arith.addi %scan3A_48, %masked_cumsum3A_138 : vector<16xi32>
      %sub3A_140 = arith.constant 1 : i32
      %sub3A_141 = vector.broadcast %sub3A_140 : i32 to vector<16xi32>
      %sub3A_142 = arith.subi %add3A_139, %sub3A_141 : vector<16xi32>
      %min3A_143 = arith.constant 767 : i32
      %min3A_144 = vector.broadcast %min3A_143 : i32 to vector<16xi32>
      %min3A_145 = arith.minsi %sub3A_142, %min3A_144 : vector<16xi32>
      %add3A_146 = arith.constant 2304 : i32
      %add3A_147 = vector.broadcast %add3A_146 : i32 to vector<16xi32>
      %add3A_148 = arith.addi %add3A_147, %min3A_145 : vector<16xi32>
      tpu.vector_store_idx %arg9[%add3A_148], %add3A_63 masked %eq3A_130 : memref<6144xi32, #tpu.memory_space<vmem>>[vector<16xi32>], vector<16xi32>, vector<16xi1>
      %all_reduce_population_count3A_149 = tpu.all_reduce %eq3A_130 {dim = 0 : i64, kind = #tpu.reduction_kind<sum>} : vector<16xi1> -> vector<16xi32>
      %add3A_150 = arith.addi %scan3A_48, %all_reduce_population_count3A_149 : vector<16xi32>
      %eq3A_151 = arith.constant 4 : i32
      %eq3A_152 = vector.broadcast %eq3A_151 : i32 to vector<16xi32>
      %eq3A_153 = arith.cmpi eq, %shift_right_logical3A_65, %eq3A_152 : vector<16xi32>
      %jit3A_154 = arith.constant 1 : i32
      %jit3A_155 = arith.constant 0 : i32
      %broadcast_in_dim3A_156 = vector.broadcast %jit3A_154 : i32 to vector<16xi32>
      %broadcast_in_dim3A_157 = vector.broadcast %jit3A_155 : i32 to vector<16xi32>
      %select_n3A_158 = arith.select %eq3A_153, %broadcast_in_dim3A_156, %broadcast_in_dim3A_157 : vector<16xi1>, vector<16xi32>
      %broadcast_in_dim3A_159 = arith.constant true
      %broadcast_in_dim3A_160 = vector.broadcast %broadcast_in_dim3A_159 : i1 to vector<16xi1>
      %masked_cumsum3A_161 = tpu.scan <sum>, %select_n3A_158 masked %broadcast_in_dim3A_160 : vector<16xi32>, vector<16xi1> -> vector<16xi32>
      %add3A_162 = arith.addi %scan3A_49, %masked_cumsum3A_161 : vector<16xi32>
      %sub3A_163 = arith.constant 1 : i32
      %sub3A_164 = vector.broadcast %sub3A_163 : i32 to vector<16xi32>
      %sub3A_165 = arith.subi %add3A_162, %sub3A_164 : vector<16xi32>
      %min3A_166 = arith.constant 767 : i32
      %min3A_167 = vector.broadcast %min3A_166 : i32 to vector<16xi32>
      %min3A_168 = arith.minsi %sub3A_165, %min3A_167 : vector<16xi32>
      %add3A_169 = arith.constant 3072 : i32
      %add3A_170 = vector.broadcast %add3A_169 : i32 to vector<16xi32>
      %add3A_171 = arith.addi %add3A_170, %min3A_168 : vector<16xi32>
      tpu.vector_store_idx %arg9[%add3A_171], %add3A_63 masked %eq3A_153 : memref<6144xi32, #tpu.memory_space<vmem>>[vector<16xi32>], vector<16xi32>, vector<16xi1>
      %all_reduce_population_count3A_172 = tpu.all_reduce %eq3A_153 {dim = 0 : i64, kind = #tpu.reduction_kind<sum>} : vector<16xi1> -> vector<16xi32>
      %add3A_173 = arith.addi %scan3A_49, %all_reduce_population_count3A_172 : vector<16xi32>
      %eq3A_174 = arith.constant 5 : i32
      %eq3A_175 = vector.broadcast %eq3A_174 : i32 to vector<16xi32>
      %eq3A_176 = arith.cmpi eq, %shift_right_logical3A_65, %eq3A_175 : vector<16xi32>
      %jit3A_177 = arith.constant 1 : i32
      %jit3A_178 = arith.constant 0 : i32
      %broadcast_in_dim3A_179 = vector.broadcast %jit3A_177 : i32 to vector<16xi32>
      %broadcast_in_dim3A_180 = vector.broadcast %jit3A_178 : i32 to vector<16xi32>
      %select_n3A_181 = arith.select %eq3A_176, %broadcast_in_dim3A_179, %broadcast_in_dim3A_180 : vector<16xi1>, vector<16xi32>
      %broadcast_in_dim3A_182 = arith.constant true
      %broadcast_in_dim3A_183 = vector.broadcast %broadcast_in_dim3A_182 : i1 to vector<16xi1>
      %masked_cumsum3A_184 = tpu.scan <sum>, %select_n3A_181 masked %broadcast_in_dim3A_183 : vector<16xi32>, vector<16xi1> -> vector<16xi32>
      %add3A_185 = arith.addi %scan3A_50, %masked_cumsum3A_184 : vector<16xi32>
      %sub3A_186 = arith.constant 1 : i32
      %sub3A_187 = vector.broadcast %sub3A_186 : i32 to vector<16xi32>
      %sub3A_188 = arith.subi %add3A_185, %sub3A_187 : vector<16xi32>
      %min3A_189 = arith.constant 767 : i32
      %min3A_190 = vector.broadcast %min3A_189 : i32 to vector<16xi32>
      %min3A_191 = arith.minsi %sub3A_188, %min3A_190 : vector<16xi32>
      %add3A_192 = arith.constant 3840 : i32
      %add3A_193 = vector.broadcast %add3A_192 : i32 to vector<16xi32>
      %add3A_194 = arith.addi %add3A_193, %min3A_191 : vector<16xi32>
      tpu.vector_store_idx %arg9[%add3A_194], %add3A_63 masked %eq3A_176 : memref<6144xi32, #tpu.memory_space<vmem>>[vector<16xi32>], vector<16xi32>, vector<16xi1>
      %all_reduce_population_count3A_195 = tpu.all_reduce %eq3A_176 {dim = 0 : i64, kind = #tpu.reduction_kind<sum>} : vector<16xi1> -> vector<16xi32>
      %add3A_196 = arith.addi %scan3A_50, %all_reduce_population_count3A_195 : vector<16xi32>
      %eq3A_197 = arith.constant 6 : i32
      %eq3A_198 = vector.broadcast %eq3A_197 : i32 to vector<16xi32>
      %eq3A_199 = arith.cmpi eq, %shift_right_logical3A_65, %eq3A_198 : vector<16xi32>
      %jit3A_200 = arith.constant 1 : i32
      %jit3A_201 = arith.constant 0 : i32
      %broadcast_in_dim3A_202 = vector.broadcast %jit3A_200 : i32 to vector<16xi32>
      %broadcast_in_dim3A_203 = vector.broadcast %jit3A_201 : i32 to vector<16xi32>
      %select_n3A_204 = arith.select %eq3A_199, %broadcast_in_dim3A_202, %broadcast_in_dim3A_203 : vector<16xi1>, vector<16xi32>
      %broadcast_in_dim3A_205 = arith.constant true
      %broadcast_in_dim3A_206 = vector.broadcast %broadcast_in_dim3A_205 : i1 to vector<16xi1>
      %masked_cumsum3A_207 = tpu.scan <sum>, %select_n3A_204 masked %broadcast_in_dim3A_206 : vector<16xi32>, vector<16xi1> -> vector<16xi32>
      %add3A_208 = arith.addi %scan3A_51, %masked_cumsum3A_207 : vector<16xi32>
      %sub3A_209 = arith.constant 1 : i32
      %sub3A_210 = vector.broadcast %sub3A_209 : i32 to vector<16xi32>
      %sub3A_211 = arith.subi %add3A_208, %sub3A_210 : vector<16xi32>
      %min3A_212 = arith.constant 767 : i32
      %min3A_213 = vector.broadcast %min3A_212 : i32 to vector<16xi32>
      %min3A_214 = arith.minsi %sub3A_211, %min3A_213 : vector<16xi32>
      %add3A_215 = arith.constant 4608 : i32
      %add3A_216 = vector.broadcast %add3A_215 : i32 to vector<16xi32>
      %add3A_217 = arith.addi %add3A_216, %min3A_214 : vector<16xi32>
      tpu.vector_store_idx %arg9[%add3A_217], %add3A_63 masked %eq3A_199 : memref<6144xi32, #tpu.memory_space<vmem>>[vector<16xi32>], vector<16xi32>, vector<16xi1>
      %all_reduce_population_count3A_218 = tpu.all_reduce %eq3A_199 {dim = 0 : i64, kind = #tpu.reduction_kind<sum>} : vector<16xi1> -> vector<16xi32>
      %add3A_219 = arith.addi %scan3A_51, %all_reduce_population_count3A_218 : vector<16xi32>
      %eq3A_220 = arith.constant 7 : i32
      %eq3A_221 = vector.broadcast %eq3A_220 : i32 to vector<16xi32>
      %eq3A_222 = arith.cmpi eq, %shift_right_logical3A_65, %eq3A_221 : vector<16xi32>
      %jit3A_223 = arith.constant 1 : i32
      %jit3A_224 = arith.constant 0 : i32
      %broadcast_in_dim3A_225 = vector.broadcast %jit3A_223 : i32 to vector<16xi32>
      %broadcast_in_dim3A_226 = vector.broadcast %jit3A_224 : i32 to vector<16xi32>
      %select_n3A_227 = arith.select %eq3A_222, %broadcast_in_dim3A_225, %broadcast_in_dim3A_226 : vector<16xi1>, vector<16xi32>
      %broadcast_in_dim3A_228 = arith.constant true
      %broadcast_in_dim3A_229 = vector.broadcast %broadcast_in_dim3A_228 : i1 to vector<16xi1>
      %masked_cumsum3A_230 = tpu.scan <sum>, %select_n3A_227 masked %broadcast_in_dim3A_229 : vector<16xi32>, vector<16xi1> -> vector<16xi32>
      %add3A_231 = arith.addi %scan3A_52, %masked_cumsum3A_230 : vector<16xi32>
      %sub3A_232 = arith.constant 1 : i32
      %sub3A_233 = vector.broadcast %sub3A_232 : i32 to vector<16xi32>
      %sub3A_234 = arith.subi %add3A_231, %sub3A_233 : vector<16xi32>
      %min3A_235 = arith.constant 767 : i32
      %min3A_236 = vector.broadcast %min3A_235 : i32 to vector<16xi32>
      %min3A_237 = arith.minsi %sub3A_234, %min3A_236 : vector<16xi32>
      %add3A_238 = arith.constant 5376 : i32
      %add3A_239 = vector.broadcast %add3A_238 : i32 to vector<16xi32>
      %add3A_240 = arith.addi %add3A_239, %min3A_237 : vector<16xi32>
      tpu.vector_store_idx %arg9[%add3A_240], %add3A_63 masked %eq3A_222 : memref<6144xi32, #tpu.memory_space<vmem>>[vector<16xi32>], vector<16xi32>, vector<16xi1>
      %all_reduce_population_count3A_241 = tpu.all_reduce %eq3A_222 {dim = 0 : i64, kind = #tpu.reduction_kind<sum>} : vector<16xi1> -> vector<16xi32>
      %add3A_242 = arith.addi %scan3A_52, %all_reduce_population_count3A_241 : vector<16xi32>
      scf.yield %add3A_81, %add3A_104, %add3A_127, %add3A_150, %add3A_173, %add3A_196, %add3A_219, %add3A_242 : vector<16xi32>, vector<16xi32>, vector<16xi32>, vector<16xi32>, vector<16xi32>, vector<16xi32>, vector<16xi32>, vector<16xi32>
    }
    %scan3A_15 = arith.constant 256 : i32
    %mul3A_16 = arith.constant 768 : i32
    %mul3A_17 = arith.muli %arg1, %mul3A_16 : i32
    %run_scoped3A = arith.constant 0 : i32
    "tpu.region"() ({
      %run_scoped3A_44 = tpu.sem_alloc : memref<!tpu.dma_semaphore, #tpu.memory_space<semaphore_mem>>
      %dma_start3A = arith.constant 0 : i32
      %dma_start3A_45 = tpu.memref_slice %arg9[%dma_start3A] : memref<6144xi32, #tpu.memory_space<vmem>> -> memref<768xi32, #tpu.memory_space<vmem>>
      %dma_start3A_46 = tpu.memref_slice %arg11[%run_scoped3A, %mul3A_17] : memref<8x12288xi32, #tpu.memory_space<vmem_shared>> -> memref<1x768xi32, #tpu.memory_space<vmem_shared>>
      %dma_start3A_47 = tpu.memref_squeeze %dma_start3A_46 : memref<1x768xi32, #tpu.memory_space<vmem_shared>> -> memref<768xi32, #tpu.memory_space<vmem_shared>>
      %dma_start3A_48 = tpu.memref_slice %arg11[%run_scoped3A, %mul3A_17] : memref<8x12288xi32, #tpu.memory_space<vmem_shared>> -> memref<1x768xi32, #tpu.memory_space<vmem_shared>>
      %dma_start3A_49 = tpu.memref_squeeze %dma_start3A_48 : memref<1x768xi32, #tpu.memory_space<vmem_shared>> -> memref<768xi32, #tpu.memory_space<vmem_shared>>
      %dma_start3A_50 = arith.constant 0 : i32
      %dma_start3A_51 = tpu.memref_slice %arg9[%dma_start3A_50] : memref<6144xi32, #tpu.memory_space<vmem>> -> memref<768xi32, #tpu.memory_space<vmem>>
      tpu.enqueue_dma source(%dma_start3A_51 : memref<768xi32, #tpu.memory_space<vmem>>) target(%dma_start3A_49 : memref<768xi32, #tpu.memory_space<vmem_shared>>) target_semaphore(%run_scoped3A_44 : memref<!tpu.dma_semaphore, #tpu.memory_space<semaphore_mem>>)
      %dma_wait3A = arith.constant 0 : i32
      %dma_wait3A_52 = tpu.memref_slice %arg9[%dma_wait3A] : memref<6144xi32, #tpu.memory_space<vmem>> -> memref<768xi32, #tpu.memory_space<vmem>>
      %dma_wait3A_53 = tpu.memref_slice %arg11[%run_scoped3A, %mul3A_17] : memref<8x12288xi32, #tpu.memory_space<vmem_shared>> -> memref<1x768xi32, #tpu.memory_space<vmem_shared>>
      %dma_wait3A_54 = tpu.memref_squeeze %dma_wait3A_53 : memref<1x768xi32, #tpu.memory_space<vmem_shared>> -> memref<768xi32, #tpu.memory_space<vmem_shared>>
      %dma_wait3A_55 = tpu.memref_slice %arg11[%run_scoped3A, %mul3A_17] : memref<8x12288xi32, #tpu.memory_space<vmem_shared>> -> memref<1x768xi32, #tpu.memory_space<vmem_shared>>
      %dma_wait3A_56 = tpu.memref_squeeze %dma_wait3A_55 : memref<1x768xi32, #tpu.memory_space<vmem_shared>> -> memref<768xi32, #tpu.memory_space<vmem_shared>>
      %dma_wait3A_57 = arith.constant 0 : i32
      %dma_wait3A_58 = tpu.memref_slice %arg9[%dma_wait3A_57] : memref<6144xi32, #tpu.memory_space<vmem>> -> memref<768xi32, #tpu.memory_space<vmem>>
      tpu.wait_dma2 semaphore(%run_scoped3A_44 : memref<!tpu.dma_semaphore, #tpu.memory_space<semaphore_mem>>) src(%dma_wait3A_58 : memref<768xi32, #tpu.memory_space<vmem>>) dst(%dma_wait3A_56 : memref<768xi32, #tpu.memory_space<vmem_shared>>)
      tpu.yield
    }) : () -> ()
    %mul3A_18 = arith.constant 768 : i32
    %mul3A_19 = arith.muli %arg1, %mul3A_18 : i32
    %run_scoped3A_20 = arith.constant 1 : i32
    "tpu.region"() ({
      %run_scoped3A_44 = tpu.sem_alloc : memref<!tpu.dma_semaphore, #tpu.memory_space<semaphore_mem>>
      %dma_start3A = arith.constant 768 : i32
      %dma_start3A_45 = tpu.memref_slice %arg9[%dma_start3A] : memref<6144xi32, #tpu.memory_space<vmem>> -> memref<768xi32, #tpu.memory_space<vmem>>
      %dma_start3A_46 = tpu.memref_slice %arg11[%run_scoped3A_20, %mul3A_19] : memref<8x12288xi32, #tpu.memory_space<vmem_shared>> -> memref<1x768xi32, #tpu.memory_space<vmem_shared>>
      %dma_start3A_47 = tpu.memref_squeeze %dma_start3A_46 : memref<1x768xi32, #tpu.memory_space<vmem_shared>> -> memref<768xi32, #tpu.memory_space<vmem_shared>>
      %dma_start3A_48 = tpu.memref_slice %arg11[%run_scoped3A_20, %mul3A_19] : memref<8x12288xi32, #tpu.memory_space<vmem_shared>> -> memref<1x768xi32, #tpu.memory_space<vmem_shared>>
      %dma_start3A_49 = tpu.memref_squeeze %dma_start3A_48 : memref<1x768xi32, #tpu.memory_space<vmem_shared>> -> memref<768xi32, #tpu.memory_space<vmem_shared>>
      %dma_start3A_50 = arith.constant 768 : i32
      %dma_start3A_51 = tpu.memref_slice %arg9[%dma_start3A_50] : memref<6144xi32, #tpu.memory_space<vmem>> -> memref<768xi32, #tpu.memory_space<vmem>>
      tpu.enqueue_dma source(%dma_start3A_51 : memref<768xi32, #tpu.memory_space<vmem>>) target(%dma_start3A_49 : memref<768xi32, #tpu.memory_space<vmem_shared>>) target_semaphore(%run_scoped3A_44 : memref<!tpu.dma_semaphore, #tpu.memory_space<semaphore_mem>>)
      %dma_wait3A = arith.constant 768 : i32
      %dma_wait3A_52 = tpu.memref_slice %arg9[%dma_wait3A] : memref<6144xi32, #tpu.memory_space<vmem>> -> memref<768xi32, #tpu.memory_space<vmem>>
      %dma_wait3A_53 = tpu.memref_slice %arg11[%run_scoped3A_20, %mul3A_19] : memref<8x12288xi32, #tpu.memory_space<vmem_shared>> -> memref<1x768xi32, #tpu.memory_space<vmem_shared>>
      %dma_wait3A_54 = tpu.memref_squeeze %dma_wait3A_53 : memref<1x768xi32, #tpu.memory_space<vmem_shared>> -> memref<768xi32, #tpu.memory_space<vmem_shared>>
      %dma_wait3A_55 = tpu.memref_slice %arg11[%run_scoped3A_20, %mul3A_19] : memref<8x12288xi32, #tpu.memory_space<vmem_shared>> -> memref<1x768xi32, #tpu.memory_space<vmem_shared>>
      %dma_wait3A_56 = tpu.memref_squeeze %dma_wait3A_55 : memref<1x768xi32, #tpu.memory_space<vmem_shared>> -> memref<768xi32, #tpu.memory_space<vmem_shared>>
      %dma_wait3A_57 = arith.constant 768 : i32
      %dma_wait3A_58 = tpu.memref_slice %arg9[%dma_wait3A_57] : memref<6144xi32, #tpu.memory_space<vmem>> -> memref<768xi32, #tpu.memory_space<vmem>>
      tpu.wait_dma2 semaphore(%run_scoped3A_44 : memref<!tpu.dma_semaphore, #tpu.memory_space<semaphore_mem>>) src(%dma_wait3A_58 : memref<768xi32, #tpu.memory_space<vmem>>) dst(%dma_wait3A_56 : memref<768xi32, #tpu.memory_space<vmem_shared>>)
      tpu.yield
    }) : () -> ()
    %mul3A_21 = arith.constant 768 : i32
    %mul3A_22 = arith.muli %arg1, %mul3A_21 : i32
    %run_scoped3A_23 = arith.constant 2 : i32
    "tpu.region"() ({
      %run_scoped3A_44 = tpu.sem_alloc : memref<!tpu.dma_semaphore, #tpu.memory_space<semaphore_mem>>
      %dma_start3A = arith.constant 1536 : i32
      %dma_start3A_45 = tpu.memref_slice %arg9[%dma_start3A] : memref<6144xi32, #tpu.memory_space<vmem>> -> memref<768xi32, #tpu.memory_space<vmem>>
      %dma_start3A_46 = tpu.memref_slice %arg11[%run_scoped3A_23, %mul3A_22] : memref<8x12288xi32, #tpu.memory_space<vmem_shared>> -> memref<1x768xi32, #tpu.memory_space<vmem_shared>>
      %dma_start3A_47 = tpu.memref_squeeze %dma_start3A_46 : memref<1x768xi32, #tpu.memory_space<vmem_shared>> -> memref<768xi32, #tpu.memory_space<vmem_shared>>
      %dma_start3A_48 = tpu.memref_slice %arg11[%run_scoped3A_23, %mul3A_22] : memref<8x12288xi32, #tpu.memory_space<vmem_shared>> -> memref<1x768xi32, #tpu.memory_space<vmem_shared>>
      %dma_start3A_49 = tpu.memref_squeeze %dma_start3A_48 : memref<1x768xi32, #tpu.memory_space<vmem_shared>> -> memref<768xi32, #tpu.memory_space<vmem_shared>>
      %dma_start3A_50 = arith.constant 1536 : i32
      %dma_start3A_51 = tpu.memref_slice %arg9[%dma_start3A_50] : memref<6144xi32, #tpu.memory_space<vmem>> -> memref<768xi32, #tpu.memory_space<vmem>>
      tpu.enqueue_dma source(%dma_start3A_51 : memref<768xi32, #tpu.memory_space<vmem>>) target(%dma_start3A_49 : memref<768xi32, #tpu.memory_space<vmem_shared>>) target_semaphore(%run_scoped3A_44 : memref<!tpu.dma_semaphore, #tpu.memory_space<semaphore_mem>>)
      %dma_wait3A = arith.constant 1536 : i32
      %dma_wait3A_52 = tpu.memref_slice %arg9[%dma_wait3A] : memref<6144xi32, #tpu.memory_space<vmem>> -> memref<768xi32, #tpu.memory_space<vmem>>
      %dma_wait3A_53 = tpu.memref_slice %arg11[%run_scoped3A_23, %mul3A_22] : memref<8x12288xi32, #tpu.memory_space<vmem_shared>> -> memref<1x768xi32, #tpu.memory_space<vmem_shared>>
      %dma_wait3A_54 = tpu.memref_squeeze %dma_wait3A_53 : memref<1x768xi32, #tpu.memory_space<vmem_shared>> -> memref<768xi32, #tpu.memory_space<vmem_shared>>
      %dma_wait3A_55 = tpu.memref_slice %arg11[%run_scoped3A_23, %mul3A_22] : memref<8x12288xi32, #tpu.memory_space<vmem_shared>> -> memref<1x768xi32, #tpu.memory_space<vmem_shared>>
      %dma_wait3A_56 = tpu.memref_squeeze %dma_wait3A_55 : memref<1x768xi32, #tpu.memory_space<vmem_shared>> -> memref<768xi32, #tpu.memory_space<vmem_shared>>
      %dma_wait3A_57 = arith.constant 1536 : i32
      %dma_wait3A_58 = tpu.memref_slice %arg9[%dma_wait3A_57] : memref<6144xi32, #tpu.memory_space<vmem>> -> memref<768xi32, #tpu.memory_space<vmem>>
      tpu.wait_dma2 semaphore(%run_scoped3A_44 : memref<!tpu.dma_semaphore, #tpu.memory_space<semaphore_mem>>) src(%dma_wait3A_58 : memref<768xi32, #tpu.memory_space<vmem>>) dst(%dma_wait3A_56 : memref<768xi32, #tpu.memory_space<vmem_shared>>)
      tpu.yield
    }) : () -> ()
    %mul3A_24 = arith.constant 768 : i32
    %mul3A_25 = arith.muli %arg1, %mul3A_24 : i32
    %run_scoped3A_26 = arith.constant 3 : i32
    "tpu.region"() ({
      %run_scoped3A_44 = tpu.sem_alloc : memref<!tpu.dma_semaphore, #tpu.memory_space<semaphore_mem>>
      %dma_start3A = arith.constant 2304 : i32
      %dma_start3A_45 = tpu.memref_slice %arg9[%dma_start3A] : memref<6144xi32, #tpu.memory_space<vmem>> -> memref<768xi32, #tpu.memory_space<vmem>>
      %dma_start3A_46 = tpu.memref_slice %arg11[%run_scoped3A_26, %mul3A_25] : memref<8x12288xi32, #tpu.memory_space<vmem_shared>> -> memref<1x768xi32, #tpu.memory_space<vmem_shared>>
      %dma_start3A_47 = tpu.memref_squeeze %dma_start3A_46 : memref<1x768xi32, #tpu.memory_space<vmem_shared>> -> memref<768xi32, #tpu.memory_space<vmem_shared>>
      %dma_start3A_48 = tpu.memref_slice %arg11[%run_scoped3A_26, %mul3A_25] : memref<8x12288xi32, #tpu.memory_space<vmem_shared>> -> memref<1x768xi32, #tpu.memory_space<vmem_shared>>
      %dma_start3A_49 = tpu.memref_squeeze %dma_start3A_48 : memref<1x768xi32, #tpu.memory_space<vmem_shared>> -> memref<768xi32, #tpu.memory_space<vmem_shared>>
      %dma_start3A_50 = arith.constant 2304 : i32
      %dma_start3A_51 = tpu.memref_slice %arg9[%dma_start3A_50] : memref<6144xi32, #tpu.memory_space<vmem>> -> memref<768xi32, #tpu.memory_space<vmem>>
      tpu.enqueue_dma source(%dma_start3A_51 : memref<768xi32, #tpu.memory_space<vmem>>) target(%dma_start3A_49 : memref<768xi32, #tpu.memory_space<vmem_shared>>) target_semaphore(%run_scoped3A_44 : memref<!tpu.dma_semaphore, #tpu.memory_space<semaphore_mem>>)
      %dma_wait3A = arith.constant 2304 : i32
      %dma_wait3A_52 = tpu.memref_slice %arg9[%dma_wait3A] : memref<6144xi32, #tpu.memory_space<vmem>> -> memref<768xi32, #tpu.memory_space<vmem>>
      %dma_wait3A_53 = tpu.memref_slice %arg11[%run_scoped3A_26, %mul3A_25] : memref<8x12288xi32, #tpu.memory_space<vmem_shared>> -> memref<1x768xi32, #tpu.memory_space<vmem_shared>>
      %dma_wait3A_54 = tpu.memref_squeeze %dma_wait3A_53 : memref<1x768xi32, #tpu.memory_space<vmem_shared>> -> memref<768xi32, #tpu.memory_space<vmem_shared>>
      %dma_wait3A_55 = tpu.memref_slice %arg11[%run_scoped3A_26, %mul3A_25] : memref<8x12288xi32, #tpu.memory_space<vmem_shared>> -> memref<1x768xi32, #tpu.memory_space<vmem_shared>>
      %dma_wait3A_56 = tpu.memref_squeeze %dma_wait3A_55 : memref<1x768xi32, #tpu.memory_space<vmem_shared>> -> memref<768xi32, #tpu.memory_space<vmem_shared>>
      %dma_wait3A_57 = arith.constant 2304 : i32
      %dma_wait3A_58 = tpu.memref_slice %arg9[%dma_wait3A_57] : memref<6144xi32, #tpu.memory_space<vmem>> -> memref<768xi32, #tpu.memory_space<vmem>>
      tpu.wait_dma2 semaphore(%run_scoped3A_44 : memref<!tpu.dma_semaphore, #tpu.memory_space<semaphore_mem>>) src(%dma_wait3A_58 : memref<768xi32, #tpu.memory_space<vmem>>) dst(%dma_wait3A_56 : memref<768xi32, #tpu.memory_space<vmem_shared>>)
      tpu.yield
    }) : () -> ()
    %mul3A_27 = arith.constant 768 : i32
    %mul3A_28 = arith.muli %arg1, %mul3A_27 : i32
    %run_scoped3A_29 = arith.constant 4 : i32
    "tpu.region"() ({
      %run_scoped3A_44 = tpu.sem_alloc : memref<!tpu.dma_semaphore, #tpu.memory_space<semaphore_mem>>
      %dma_start3A = arith.constant 3072 : i32
      %dma_start3A_45 = tpu.memref_slice %arg9[%dma_start3A] : memref<6144xi32, #tpu.memory_space<vmem>> -> memref<768xi32, #tpu.memory_space<vmem>>
      %dma_start3A_46 = tpu.memref_slice %arg11[%run_scoped3A_29, %mul3A_28] : memref<8x12288xi32, #tpu.memory_space<vmem_shared>> -> memref<1x768xi32, #tpu.memory_space<vmem_shared>>
      %dma_start3A_47 = tpu.memref_squeeze %dma_start3A_46 : memref<1x768xi32, #tpu.memory_space<vmem_shared>> -> memref<768xi32, #tpu.memory_space<vmem_shared>>
      %dma_start3A_48 = tpu.memref_slice %arg11[%run_scoped3A_29, %mul3A_28] : memref<8x12288xi32, #tpu.memory_space<vmem_shared>> -> memref<1x768xi32, #tpu.memory_space<vmem_shared>>
      %dma_start3A_49 = tpu.memref_squeeze %dma_start3A_48 : memref<1x768xi32, #tpu.memory_space<vmem_shared>> -> memref<768xi32, #tpu.memory_space<vmem_shared>>
      %dma_start3A_50 = arith.constant 3072 : i32
      %dma_start3A_51 = tpu.memref_slice %arg9[%dma_start3A_50] : memref<6144xi32, #tpu.memory_space<vmem>> -> memref<768xi32, #tpu.memory_space<vmem>>
      tpu.enqueue_dma source(%dma_start3A_51 : memref<768xi32, #tpu.memory_space<vmem>>) target(%dma_start3A_49 : memref<768xi32, #tpu.memory_space<vmem_shared>>) target_semaphore(%run_scoped3A_44 : memref<!tpu.dma_semaphore, #tpu.memory_space<semaphore_mem>>)
      %dma_wait3A = arith.constant 3072 : i32
      %dma_wait3A_52 = tpu.memref_slice %arg9[%dma_wait3A] : memref<6144xi32, #tpu.memory_space<vmem>> -> memref<768xi32, #tpu.memory_space<vmem>>
      %dma_wait3A_53 = tpu.memref_slice %arg11[%run_scoped3A_29, %mul3A_28] : memref<8x12288xi32, #tpu.memory_space<vmem_shared>> -> memref<1x768xi32, #tpu.memory_space<vmem_shared>>
      %dma_wait3A_54 = tpu.memref_squeeze %dma_wait3A_53 : memref<1x768xi32, #tpu.memory_space<vmem_shared>> -> memref<768xi32, #tpu.memory_space<vmem_shared>>
      %dma_wait3A_55 = tpu.memref_slice %arg11[%run_scoped3A_29, %mul3A_28] : memref<8x12288xi32, #tpu.memory_space<vmem_shared>> -> memref<1x768xi32, #tpu.memory_space<vmem_shared>>
      %dma_wait3A_56 = tpu.memref_squeeze %dma_wait3A_55 : memref<1x768xi32, #tpu.memory_space<vmem_shared>> -> memref<768xi32, #tpu.memory_space<vmem_shared>>
      %dma_wait3A_57 = arith.constant 3072 : i32
      %dma_wait3A_58 = tpu.memref_slice %arg9[%dma_wait3A_57] : memref<6144xi32, #tpu.memory_space<vmem>> -> memref<768xi32, #tpu.memory_space<vmem>>
      tpu.wait_dma2 semaphore(%run_scoped3A_44 : memref<!tpu.dma_semaphore, #tpu.memory_space<semaphore_mem>>) src(%dma_wait3A_58 : memref<768xi32, #tpu.memory_space<vmem>>) dst(%dma_wait3A_56 : memref<768xi32, #tpu.memory_space<vmem_shared>>)
      tpu.yield
    }) : () -> ()
    %mul3A_30 = arith.constant 768 : i32
    %mul3A_31 = arith.muli %arg1, %mul3A_30 : i32
    %run_scoped3A_32 = arith.constant 5 : i32
    "tpu.region"() ({
      %run_scoped3A_44 = tpu.sem_alloc : memref<!tpu.dma_semaphore, #tpu.memory_space<semaphore_mem>>
      %dma_start3A = arith.constant 3840 : i32
      %dma_start3A_45 = tpu.memref_slice %arg9[%dma_start3A] : memref<6144xi32, #tpu.memory_space<vmem>> -> memref<768xi32, #tpu.memory_space<vmem>>
      %dma_start3A_46 = tpu.memref_slice %arg11[%run_scoped3A_32, %mul3A_31] : memref<8x12288xi32, #tpu.memory_space<vmem_shared>> -> memref<1x768xi32, #tpu.memory_space<vmem_shared>>
      %dma_start3A_47 = tpu.memref_squeeze %dma_start3A_46 : memref<1x768xi32, #tpu.memory_space<vmem_shared>> -> memref<768xi32, #tpu.memory_space<vmem_shared>>
      %dma_start3A_48 = tpu.memref_slice %arg11[%run_scoped3A_32, %mul3A_31] : memref<8x12288xi32, #tpu.memory_space<vmem_shared>> -> memref<1x768xi32, #tpu.memory_space<vmem_shared>>
      %dma_start3A_49 = tpu.memref_squeeze %dma_start3A_48 : memref<1x768xi32, #tpu.memory_space<vmem_shared>> -> memref<768xi32, #tpu.memory_space<vmem_shared>>
      %dma_start3A_50 = arith.constant 3840 : i32
      %dma_start3A_51 = tpu.memref_slice %arg9[%dma_start3A_50] : memref<6144xi32, #tpu.memory_space<vmem>> -> memref<768xi32, #tpu.memory_space<vmem>>
      tpu.enqueue_dma source(%dma_start3A_51 : memref<768xi32, #tpu.memory_space<vmem>>) target(%dma_start3A_49 : memref<768xi32, #tpu.memory_space<vmem_shared>>) target_semaphore(%run_scoped3A_44 : memref<!tpu.dma_semaphore, #tpu.memory_space<semaphore_mem>>)
      %dma_wait3A = arith.constant 3840 : i32
      %dma_wait3A_52 = tpu.memref_slice %arg9[%dma_wait3A] : memref<6144xi32, #tpu.memory_space<vmem>> -> memref<768xi32, #tpu.memory_space<vmem>>
      %dma_wait3A_53 = tpu.memref_slice %arg11[%run_scoped3A_32, %mul3A_31] : memref<8x12288xi32, #tpu.memory_space<vmem_shared>> -> memref<1x768xi32, #tpu.memory_space<vmem_shared>>
      %dma_wait3A_54 = tpu.memref_squeeze %dma_wait3A_53 : memref<1x768xi32, #tpu.memory_space<vmem_shared>> -> memref<768xi32, #tpu.memory_space<vmem_shared>>
      %dma_wait3A_55 = tpu.memref_slice %arg11[%run_scoped3A_32, %mul3A_31] : memref<8x12288xi32, #tpu.memory_space<vmem_shared>> -> memref<1x768xi32, #tpu.memory_space<vmem_shared>>
      %dma_wait3A_56 = tpu.memref_squeeze %dma_wait3A_55 : memref<1x768xi32, #tpu.memory_space<vmem_shared>> -> memref<768xi32, #tpu.memory_space<vmem_shared>>
      %dma_wait3A_57 = arith.constant 3840 : i32
      %dma_wait3A_58 = tpu.memref_slice %arg9[%dma_wait3A_57] : memref<6144xi32, #tpu.memory_space<vmem>> -> memref<768xi32, #tpu.memory_space<vmem>>
      tpu.wait_dma2 semaphore(%run_scoped3A_44 : memref<!tpu.dma_semaphore, #tpu.memory_space<semaphore_mem>>) src(%dma_wait3A_58 : memref<768xi32, #tpu.memory_space<vmem>>) dst(%dma_wait3A_56 : memref<768xi32, #tpu.memory_space<vmem_shared>>)
      tpu.yield
    }) : () -> ()
    %mul3A_33 = arith.constant 768 : i32
    %mul3A_34 = arith.muli %arg1, %mul3A_33 : i32
    %run_scoped3A_35 = arith.constant 6 : i32
    "tpu.region"() ({
      %run_scoped3A_44 = tpu.sem_alloc : memref<!tpu.dma_semaphore, #tpu.memory_space<semaphore_mem>>
      %dma_start3A = arith.constant 4608 : i32
      %dma_start3A_45 = tpu.memref_slice %arg9[%dma_start3A] : memref<6144xi32, #tpu.memory_space<vmem>> -> memref<768xi32, #tpu.memory_space<vmem>>
      %dma_start3A_46 = tpu.memref_slice %arg11[%run_scoped3A_35, %mul3A_34] : memref<8x12288xi32, #tpu.memory_space<vmem_shared>> -> memref<1x768xi32, #tpu.memory_space<vmem_shared>>
      %dma_start3A_47 = tpu.memref_squeeze %dma_start3A_46 : memref<1x768xi32, #tpu.memory_space<vmem_shared>> -> memref<768xi32, #tpu.memory_space<vmem_shared>>
      %dma_start3A_48 = tpu.memref_slice %arg11[%run_scoped3A_35, %mul3A_34] : memref<8x12288xi32, #tpu.memory_space<vmem_shared>> -> memref<1x768xi32, #tpu.memory_space<vmem_shared>>
      %dma_start3A_49 = tpu.memref_squeeze %dma_start3A_48 : memref<1x768xi32, #tpu.memory_space<vmem_shared>> -> memref<768xi32, #tpu.memory_space<vmem_shared>>
      %dma_start3A_50 = arith.constant 4608 : i32
      %dma_start3A_51 = tpu.memref_slice %arg9[%dma_start3A_50] : memref<6144xi32, #tpu.memory_space<vmem>> -> memref<768xi32, #tpu.memory_space<vmem>>
      tpu.enqueue_dma source(%dma_start3A_51 : memref<768xi32, #tpu.memory_space<vmem>>) target(%dma_start3A_49 : memref<768xi32, #tpu.memory_space<vmem_shared>>) target_semaphore(%run_scoped3A_44 : memref<!tpu.dma_semaphore, #tpu.memory_space<semaphore_mem>>)
      %dma_wait3A = arith.constant 4608 : i32
      %dma_wait3A_52 = tpu.memref_slice %arg9[%dma_wait3A] : memref<6144xi32, #tpu.memory_space<vmem>> -> memref<768xi32, #tpu.memory_space<vmem>>
      %dma_wait3A_53 = tpu.memref_slice %arg11[%run_scoped3A_35, %mul3A_34] : memref<8x12288xi32, #tpu.memory_space<vmem_shared>> -> memref<1x768xi32, #tpu.memory_space<vmem_shared>>
      %dma_wait3A_54 = tpu.memref_squeeze %dma_wait3A_53 : memref<1x768xi32, #tpu.memory_space<vmem_shared>> -> memref<768xi32, #tpu.memory_space<vmem_shared>>
      %dma_wait3A_55 = tpu.memref_slice %arg11[%run_scoped3A_35, %mul3A_34] : memref<8x12288xi32, #tpu.memory_space<vmem_shared>> -> memref<1x768xi32, #tpu.memory_space<vmem_shared>>
      %dma_wait3A_56 = tpu.memref_squeeze %dma_wait3A_55 : memref<1x768xi32, #tpu.memory_space<vmem_shared>> -> memref<768xi32, #tpu.memory_space<vmem_shared>>
      %dma_wait3A_57 = arith.constant 4608 : i32
      %dma_wait3A_58 = tpu.memref_slice %arg9[%dma_wait3A_57] : memref<6144xi32, #tpu.memory_space<vmem>> -> memref<768xi32, #tpu.memory_space<vmem>>
      tpu.wait_dma2 semaphore(%run_scoped3A_44 : memref<!tpu.dma_semaphore, #tpu.memory_space<semaphore_mem>>) src(%dma_wait3A_58 : memref<768xi32, #tpu.memory_space<vmem>>) dst(%dma_wait3A_56 : memref<768xi32, #tpu.memory_space<vmem_shared>>)
      tpu.yield
    }) : () -> ()
    %mul3A_36 = arith.constant 768 : i32
    %mul3A_37 = arith.muli %arg1, %mul3A_36 : i32
    %run_scoped3A_38 = arith.constant 7 : i32
    "tpu.region"() ({
      %run_scoped3A_44 = tpu.sem_alloc : memref<!tpu.dma_semaphore, #tpu.memory_space<semaphore_mem>>
      %dma_start3A = arith.constant 5376 : i32
      %dma_start3A_45 = tpu.memref_slice %arg9[%dma_start3A] : memref<6144xi32, #tpu.memory_space<vmem>> -> memref<768xi32, #tpu.memory_space<vmem>>
      %dma_start3A_46 = tpu.memref_slice %arg11[%run_scoped3A_38, %mul3A_37] : memref<8x12288xi32, #tpu.memory_space<vmem_shared>> -> memref<1x768xi32, #tpu.memory_space<vmem_shared>>
      %dma_start3A_47 = tpu.memref_squeeze %dma_start3A_46 : memref<1x768xi32, #tpu.memory_space<vmem_shared>> -> memref<768xi32, #tpu.memory_space<vmem_shared>>
      %dma_start3A_48 = tpu.memref_slice %arg11[%run_scoped3A_38, %mul3A_37] : memref<8x12288xi32, #tpu.memory_space<vmem_shared>> -> memref<1x768xi32, #tpu.memory_space<vmem_shared>>
      %dma_start3A_49 = tpu.memref_squeeze %dma_start3A_48 : memref<1x768xi32, #tpu.memory_space<vmem_shared>> -> memref<768xi32, #tpu.memory_space<vmem_shared>>
      %dma_start3A_50 = arith.constant 5376 : i32
      %dma_start3A_51 = tpu.memref_slice %arg9[%dma_start3A_50] : memref<6144xi32, #tpu.memory_space<vmem>> -> memref<768xi32, #tpu.memory_space<vmem>>
      tpu.enqueue_dma source(%dma_start3A_51 : memref<768xi32, #tpu.memory_space<vmem>>) target(%dma_start3A_49 : memref<768xi32, #tpu.memory_space<vmem_shared>>) target_semaphore(%run_scoped3A_44 : memref<!tpu.dma_semaphore, #tpu.memory_space<semaphore_mem>>)
      %dma_wait3A = arith.constant 5376 : i32
      %dma_wait3A_52 = tpu.memref_slice %arg9[%dma_wait3A] : memref<6144xi32, #tpu.memory_space<vmem>> -> memref<768xi32, #tpu.memory_space<vmem>>
      %dma_wait3A_53 = tpu.memref_slice %arg11[%run_scoped3A_38, %mul3A_37] : memref<8x12288xi32, #tpu.memory_space<vmem_shared>> -> memref<1x768xi32, #tpu.memory_space<vmem_shared>>
      %dma_wait3A_54 = tpu.memref_squeeze %dma_wait3A_53 : memref<1x768xi32, #tpu.memory_space<vmem_shared>> -> memref<768xi32, #tpu.memory_space<vmem_shared>>
      %dma_wait3A_55 = tpu.memref_slice %arg11[%run_scoped3A_38, %mul3A_37] : memref<8x12288xi32, #tpu.memory_space<vmem_shared>> -> memref<1x768xi32, #tpu.memory_space<vmem_shared>>
      %dma_wait3A_56 = tpu.memref_squeeze %dma_wait3A_55 : memref<1x768xi32, #tpu.memory_space<vmem_shared>> -> memref<768xi32, #tpu.memory_space<vmem_shared>>
      %dma_wait3A_57 = arith.constant 5376 : i32
      %dma_wait3A_58 = tpu.memref_slice %arg9[%dma_wait3A_57] : memref<6144xi32, #tpu.memory_space<vmem>> -> memref<768xi32, #tpu.memory_space<vmem>>
      tpu.wait_dma2 semaphore(%run_scoped3A_44 : memref<!tpu.dma_semaphore, #tpu.memory_space<semaphore_mem>>) src(%dma_wait3A_58 : memref<768xi32, #tpu.memory_space<vmem>>) dst(%dma_wait3A_56 : memref<768xi32, #tpu.memory_space<vmem_shared>>)
      tpu.yield
    }) : () -> ()
    %barrier3A = arith.constant 0 : index
    tpu.barrier barrier_id(%barrier3A)
    %scan3A_39 = arith.constant 0 : i32
    %scan3A_40 = arith.constant 8 : i32
    %scan3A_41 = arith.addi %scan3A_39, %scan3A_40 : i32
    %scan3A_42 = arith.constant 1 : i32
    scf.for %scan3A_44 = %scan3A_39 to %scan3A_41 step %scan3A_42  : i32 {
      %mul3A_45 = arith.constant 32 : i32
      %mul3A_46 = arith.muli %scan3A_44, %mul3A_45 : i32
      %add3A_47 = arith.addi %mul3A_46, %add3A : i32
      %mul3A_48 = arith.constant 16 : i32
      %mul3A_49 = arith.muli %add3A_47, %mul3A_48 : i32
      "tpu.region"() ({
        %run_scoped3A_62 = tpu.sem_alloc : memref<!tpu.dma_semaphore, #tpu.memory_space<semaphore_mem>>
        %dma_start3A = arith.constant 0 : i32
        %dma_start3A_63 = tpu.memref_slice %arg11[%scan3A_44, %dma_start3A] : memref<8x12288xi32, #tpu.memory_space<vmem_shared>> -> memref<1x12288xi32, #tpu.memory_space<vmem_shared>>
        %dma_start3A_64 = tpu.memref_squeeze %dma_start3A_63 : memref<1x12288xi32, #tpu.memory_space<vmem_shared>> -> memref<12288xi32, #tpu.memory_space<vmem_shared>>
        %dma_start3A_65 = arith.constant 0 : i32
        %dma_start3A_66 = tpu.memref_slice %arg11[%scan3A_44, %dma_start3A_65] : memref<8x12288xi32, #tpu.memory_space<vmem_shared>> -> memref<1x12288xi32, #tpu.memory_space<vmem_shared>>
        %dma_start3A_67 = tpu.memref_squeeze %dma_start3A_66 : memref<1x12288xi32, #tpu.memory_space<vmem_shared>> -> memref<12288xi32, #tpu.memory_space<vmem_shared>>
        tpu.enqueue_dma source(%dma_start3A_67 : memref<12288xi32, #tpu.memory_space<vmem_shared>>) target(%arg10 : memref<12288xi32, #tpu.memory_space<vmem>>) target_semaphore(%run_scoped3A_62 : memref<!tpu.dma_semaphore, #tpu.memory_space<semaphore_mem>>)
        %dma_wait3A = arith.constant 0 : i32
        %dma_wait3A_68 = tpu.memref_slice %arg11[%scan3A_44, %dma_wait3A] : memref<8x12288xi32, #tpu.memory_space<vmem_shared>> -> memref<1x12288xi32, #tpu.memory_space<vmem_shared>>
        %dma_wait3A_69 = tpu.memref_squeeze %dma_wait3A_68 : memref<1x12288xi32, #tpu.memory_space<vmem_shared>> -> memref<12288xi32, #tpu.memory_space<vmem_shared>>
        %dma_wait3A_70 = arith.constant 0 : i32
        %dma_wait3A_71 = tpu.memref_slice %arg11[%scan3A_44, %dma_wait3A_70] : memref<8x12288xi32, #tpu.memory_space<vmem_shared>> -> memref<1x12288xi32, #tpu.memory_space<vmem_shared>>
        %dma_wait3A_72 = tpu.memref_squeeze %dma_wait3A_71 : memref<1x12288xi32, #tpu.memory_space<vmem_shared>> -> memref<12288xi32, #tpu.memory_space<vmem_shared>>
        tpu.wait_dma2 semaphore(%run_scoped3A_62 : memref<!tpu.dma_semaphore, #tpu.memory_space<semaphore_mem>>) src(%dma_wait3A_72 : memref<12288xi32, #tpu.memory_space<vmem_shared>>) dst(%arg10 : memref<12288xi32, #tpu.memory_space<vmem>>)
        tpu.yield
      }) : () -> ()
      %scan3A_50 = arith.constant 0 : i32
      %scan3A_51 = arith.constant 512 : i32
      %scan3A_52 = arith.addi %scan3A_50, %scan3A_51 : i32
      %scan3A_53 = arith.constant 1 : i32
      scf.for %scan3A_62 = %scan3A_50 to %scan3A_52 step %scan3A_53  : i32 {
        %broadcast_in_dim3A_63 = arith.constant 0.000000e+00 : f32
        %broadcast_in_dim3A_64 = vector.broadcast %broadcast_in_dim3A_63 : f32 to vector<16xf32>
        %mul3A_65 = arith.constant 8 : i32
        %mul3A_66 = arith.muli %scan3A_62, %mul3A_65 : i32
        %add3A_67 = arith.constant 0 : i32
        %add3A_68 = arith.addi %mul3A_66, %add3A_67 : i32
        %mul3A_69 = arith.constant 16 : i32
        %mul3A_70 = arith.muli %add3A_68, %mul3A_69 : i32
        %swap3A = arith.index_cast %mul3A_70 : i32 to index
        %swap3A_71 = tpu.vector_load %arg6[%swap3A] {strides = array<i32>} : memref<65536xf32, #tpu.memory_space<vmem>>, vector<16xf32>,
        tpu.vector_store %arg6[%swap3A], %broadcast_in_dim3A_64 {strides = array<i32>} : memref<65536xf32, #tpu.memory_space<vmem>>, vector<16xf32>,
        %broadcast_in_dim3A_72 = arith.constant 0.000000e+00 : f32
        %broadcast_in_dim3A_73 = vector.broadcast %broadcast_in_dim3A_72 : f32 to vector<16xf32>
        %mul3A_74 = arith.constant 8 : i32
        %mul3A_75 = arith.muli %scan3A_62, %mul3A_74 : i32
        %add3A_76 = arith.constant 1 : i32
        %add3A_77 = arith.addi %mul3A_75, %add3A_76 : i32
        %mul3A_78 = arith.constant 16 : i32
        %mul3A_79 = arith.muli %add3A_77, %mul3A_78 : i32
        %swap3A_80 = arith.index_cast %mul3A_79 : i32 to index
        %swap3A_81 = tpu.vector_load %arg6[%swap3A_80] {strides = array<i32>} : memref<65536xf32, #tpu.memory_space<vmem>>, vector<16xf32>,
        tpu.vector_store %arg6[%swap3A_80], %broadcast_in_dim3A_73 {strides = array<i32>} : memref<65536xf32, #tpu.memory_space<vmem>>, vector<16xf32>,
        %broadcast_in_dim3A_82 = arith.constant 0.000000e+00 : f32
        %broadcast_in_dim3A_83 = vector.broadcast %broadcast_in_dim3A_82 : f32 to vector<16xf32>
        %mul3A_84 = arith.constant 8 : i32
        %mul3A_85 = arith.muli %scan3A_62, %mul3A_84 : i32
        %add3A_86 = arith.constant 2 : i32
        %add3A_87 = arith.addi %mul3A_85, %add3A_86 : i32
        %mul3A_88 = arith.constant 16 : i32
        %mul3A_89 = arith.muli %add3A_87, %mul3A_88 : i32
        %swap3A_90 = arith.index_cast %mul3A_89 : i32 to index
        %swap3A_91 = tpu.vector_load %arg6[%swap3A_90] {strides = array<i32>} : memref<65536xf32, #tpu.memory_space<vmem>>, vector<16xf32>,
        tpu.vector_store %arg6[%swap3A_90], %broadcast_in_dim3A_83 {strides = array<i32>} : memref<65536xf32, #tpu.memory_space<vmem>>, vector<16xf32>,
        %broadcast_in_dim3A_92 = arith.constant 0.000000e+00 : f32
        %broadcast_in_dim3A_93 = vector.broadcast %broadcast_in_dim3A_92 : f32 to vector<16xf32>
        %mul3A_94 = arith.constant 8 : i32
        %mul3A_95 = arith.muli %scan3A_62, %mul3A_94 : i32
        %add3A_96 = arith.constant 3 : i32
        %add3A_97 = arith.addi %mul3A_95, %add3A_96 : i32
        %mul3A_98 = arith.constant 16 : i32
        %mul3A_99 = arith.muli %add3A_97, %mul3A_98 : i32
        %swap3A_100 = arith.index_cast %mul3A_99 : i32 to index
        %swap3A_101 = tpu.vector_load %arg6[%swap3A_100] {strides = array<i32>} : memref<65536xf32, #tpu.memory_space<vmem>>, vector<16xf32>,
        tpu.vector_store %arg6[%swap3A_100], %broadcast_in_dim3A_93 {strides = array<i32>} : memref<65536xf32, #tpu.memory_space<vmem>>, vector<16xf32>,
        %broadcast_in_dim3A_102 = arith.constant 0.000000e+00 : f32
        %broadcast_in_dim3A_103 = vector.broadcast %broadcast_in_dim3A_102 : f32 to vector<16xf32>
        %mul3A_104 = arith.constant 8 : i32
        %mul3A_105 = arith.muli %scan3A_62, %mul3A_104 : i32
        %add3A_106 = arith.constant 4 : i32
        %add3A_107 = arith.addi %mul3A_105, %add3A_106 : i32
        %mul3A_108 = arith.constant 16 : i32
        %mul3A_109 = arith.muli %add3A_107, %mul3A_108 : i32
        %swap3A_110 = arith.index_cast %mul3A_109 : i32 to index
        %swap3A_111 = tpu.vector_load %arg6[%swap3A_110] {strides = array<i32>} : memref<65536xf32, #tpu.memory_space<vmem>>, vector<16xf32>,
        tpu.vector_store %arg6[%swap3A_110], %broadcast_in_dim3A_103 {strides = array<i32>} : memref<65536xf32, #tpu.memory_space<vmem>>, vector<16xf32>,
        %broadcast_in_dim3A_112 = arith.constant 0.000000e+00 : f32
        %broadcast_in_dim3A_113 = vector.broadcast %broadcast_in_dim3A_112 : f32 to vector<16xf32>
        %mul3A_114 = arith.constant 8 : i32
        %mul3A_115 = arith.muli %scan3A_62, %mul3A_114 : i32
        %add3A_116 = arith.constant 5 : i32
        %add3A_117 = arith.addi %mul3A_115, %add3A_116 : i32
        %mul3A_118 = arith.constant 16 : i32
        %mul3A_119 = arith.muli %add3A_117, %mul3A_118 : i32
        %swap3A_120 = arith.index_cast %mul3A_119 : i32 to index
        %swap3A_121 = tpu.vector_load %arg6[%swap3A_120] {strides = array<i32>} : memref<65536xf32, #tpu.memory_space<vmem>>, vector<16xf32>,
        tpu.vector_store %arg6[%swap3A_120], %broadcast_in_dim3A_113 {strides = array<i32>} : memref<65536xf32, #tpu.memory_space<vmem>>, vector<16xf32>,
        %broadcast_in_dim3A_122 = arith.constant 0.000000e+00 : f32
        %broadcast_in_dim3A_123 = vector.broadcast %broadcast_in_dim3A_122 : f32 to vector<16xf32>
        %mul3A_124 = arith.constant 8 : i32
        %mul3A_125 = arith.muli %scan3A_62, %mul3A_124 : i32
        %add3A_126 = arith.constant 6 : i32
        %add3A_127 = arith.addi %mul3A_125, %add3A_126 : i32
        %mul3A_128 = arith.constant 16 : i32
        %mul3A_129 = arith.muli %add3A_127, %mul3A_128 : i32
        %swap3A_130 = arith.index_cast %mul3A_129 : i32 to index
        %swap3A_131 = tpu.vector_load %arg6[%swap3A_130] {strides = array<i32>} : memref<65536xf32, #tpu.memory_space<vmem>>, vector<16xf32>,
        tpu.vector_store %arg6[%swap3A_130], %broadcast_in_dim3A_123 {strides = array<i32>} : memref<65536xf32, #tpu.memory_space<vmem>>, vector<16xf32>,
        %broadcast_in_dim3A_132 = arith.constant 0.000000e+00 : f32
        %broadcast_in_dim3A_133 = vector.broadcast %broadcast_in_dim3A_132 : f32 to vector<16xf32>
        %mul3A_134 = arith.constant 8 : i32
        %mul3A_135 = arith.muli %scan3A_62, %mul3A_134 : i32
        %add3A_136 = arith.constant 7 : i32
        %add3A_137 = arith.addi %mul3A_135, %add3A_136 : i32
        %mul3A_138 = arith.constant 16 : i32
        %mul3A_139 = arith.muli %add3A_137, %mul3A_138 : i32
        %swap3A_140 = arith.index_cast %mul3A_139 : i32 to index
        %swap3A_141 = tpu.vector_load %arg6[%swap3A_140] {strides = array<i32>} : memref<65536xf32, #tpu.memory_space<vmem>>, vector<16xf32>,
        tpu.vector_store %arg6[%swap3A_140], %broadcast_in_dim3A_133 {strides = array<i32>} : memref<65536xf32, #tpu.memory_space<vmem>>, vector<16xf32>,
      }
      %scan3A_54 = arith.constant 512 : i32
      %scan3A_55 = arith.constant 0 : i32
      %scan3A_56 = arith.constant 96 : i32
      %scan3A_57 = arith.addi %scan3A_55, %scan3A_56 : i32
      %scan3A_58 = arith.constant 1 : i32
      scf.for %scan3A_62 = %scan3A_55 to %scan3A_57 step %scan3A_58  : i32 {
        %mul3A_63 = arith.constant 8 : i32
        %mul3A_64 = arith.muli %scan3A_62, %mul3A_63 : i32
        %add3A_65 = arith.constant 0 : i32
        %add3A_66 = arith.addi %mul3A_64, %add3A_65 : i32
        %mul3A_67 = arith.constant 16 : i32
        %mul3A_68 = arith.muli %add3A_66, %mul3A_67 : i32
        %get3A = arith.index_cast %mul3A_68 : i32 to index
        %get3A_69 = tpu.vector_load %arg10[%get3A] {strides = array<i32>} : memref<12288xi32, #tpu.memory_space<vmem>>, vector<16xi32>,
        %shift_right_arithmetic3A = arith.constant 12 : i32
        %shift_right_arithmetic3A_70 = vector.broadcast %shift_right_arithmetic3A : i32 to vector<16xi32>
        %shift_right_arithmetic3A_71 = arith.shrsi %get3A_69, %shift_right_arithmetic3A_70 : vector<16xi32>
        %sub3A = vector.broadcast %mul3A_49 : i32 to vector<16xi32>
        %sub3A_72 = arith.subi %shift_right_arithmetic3A_71, %sub3A : vector<16xi32>
        %ge3A = arith.constant 0 : i32
        %ge3A_73 = vector.broadcast %ge3A : i32 to vector<16xi32>
        %ge3A_74 = arith.cmpi sge, %get3A_69, %ge3A_73 : vector<16xi32>
        %ge3A_75 = arith.constant 0 : i32
        %ge3A_76 = vector.broadcast %ge3A_75 : i32 to vector<16xi32>
        %ge3A_77 = arith.cmpi sge, %sub3A_72, %ge3A_76 : vector<16xi32>
        %and3A = arith.andi %ge3A_74, %ge3A_77 : vector<16xi1>
        %lt3A = arith.constant 16 : i32
        %lt3A_78 = vector.broadcast %lt3A : i32 to vector<16xi32>
        %lt3A_79 = arith.cmpi slt, %sub3A_72, %lt3A_78 : vector<16xi32>
        %and3A_80 = arith.andi %and3A, %lt3A_79 : vector<16xi1>
        %mul3A_81 = arith.constant 4096 : i32
        %mul3A_82 = vector.broadcast %mul3A_81 : i32 to vector<16xi32>
        %mul3A_83 = arith.muli %sub3A_72, %mul3A_82 : vector<16xi32>
        %and3A_84 = arith.constant 4095 : i32
        %and3A_85 = vector.broadcast %and3A_84 : i32 to vector<16xi32>
        %and3A_86 = arith.andi %get3A_69, %and3A_85 : vector<16xi32>
        %add3A_87 = arith.addi %mul3A_83, %and3A_86 : vector<16xi32>
        %jit3A = arith.constant 0 : i32
        %broadcast_in_dim3A_88 = vector.broadcast %jit3A : i32 to vector<16xi32>
        %select_n3A = arith.select %and3A_80, %add3A_87, %broadcast_in_dim3A_88 : vector<16xi1>, vector<16xi32>
        %jit3A_89 = arith.constant 1.000000e+00 : f32
        %jit3A_90 = arith.constant 0.000000e+00 : f32
        %broadcast_in_dim3A_91 = vector.broadcast %jit3A_89 : f32 to vector<16xf32>
        %broadcast_in_dim3A_92 = vector.broadcast %jit3A_90 : f32 to vector<16xf32>
        %select_n3A_93 = arith.select %and3A_80, %broadcast_in_dim3A_91, %broadcast_in_dim3A_92 : vector<16xi1>, vector<16xf32>
        tpu.vector_store_idx %arg6[%select_n3A], %select_n3A_93 {add = true} : memref<65536xf32, #tpu.memory_space<vmem>>[vector<16xi32>], vector<16xf32>,
        %mul3A_94 = arith.constant 8 : i32
        %mul3A_95 = arith.muli %scan3A_62, %mul3A_94 : i32
        %add3A_96 = arith.constant 1 : i32
        %add3A_97 = arith.addi %mul3A_95, %add3A_96 : i32
        %mul3A_98 = arith.constant 16 : i32
        %mul3A_99 = arith.muli %add3A_97, %mul3A_98 : i32
        %get3A_100 = arith.index_cast %mul3A_99 : i32 to index
        %get3A_101 = tpu.vector_load %arg10[%get3A_100] {strides = array<i32>} : memref<12288xi32, #tpu.memory_space<vmem>>, vector<16xi32>,
        %shift_right_arithmetic3A_102 = arith.constant 12 : i32
        %shift_right_arithmetic3A_103 = vector.broadcast %shift_right_arithmetic3A_102 : i32 to vector<16xi32>
        %shift_right_arithmetic3A_104 = arith.shrsi %get3A_101, %shift_right_arithmetic3A_103 : vector<16xi32>
        %sub3A_105 = vector.broadcast %mul3A_49 : i32 to vector<16xi32>
        %sub3A_106 = arith.subi %shift_right_arithmetic3A_104, %sub3A_105 : vector<16xi32>
        %ge3A_107 = arith.constant 0 : i32
        %ge3A_108 = vector.broadcast %ge3A_107 : i32 to vector<16xi32>
        %ge3A_109 = arith.cmpi sge, %get3A_101, %ge3A_108 : vector<16xi32>
        %ge3A_110 = arith.constant 0 : i32
        %ge3A_111 = vector.broadcast %ge3A_110 : i32 to vector<16xi32>
        %ge3A_112 = arith.cmpi sge, %sub3A_106, %ge3A_111 : vector<16xi32>
        %and3A_113 = arith.andi %ge3A_109, %ge3A_112 : vector<16xi1>
        %lt3A_114 = arith.constant 16 : i32
        %lt3A_115 = vector.broadcast %lt3A_114 : i32 to vector<16xi32>
        %lt3A_116 = arith.cmpi slt, %sub3A_106, %lt3A_115 : vector<16xi32>
        %and3A_117 = arith.andi %and3A_113, %lt3A_116 : vector<16xi1>
        %mul3A_118 = arith.constant 4096 : i32
        %mul3A_119 = vector.broadcast %mul3A_118 : i32 to vector<16xi32>
        %mul3A_120 = arith.muli %sub3A_106, %mul3A_119 : vector<16xi32>
        %and3A_121 = arith.constant 4095 : i32
        %and3A_122 = vector.broadcast %and3A_121 : i32 to vector<16xi32>
        %and3A_123 = arith.andi %get3A_101, %and3A_122 : vector<16xi32>
        %add3A_124 = arith.addi %mul3A_120, %and3A_123 : vector<16xi32>
        %jit3A_125 = arith.constant 0 : i32
        %broadcast_in_dim3A_126 = vector.broadcast %jit3A_125 : i32 to vector<16xi32>
        %select_n3A_127 = arith.select %and3A_117, %add3A_124, %broadcast_in_dim3A_126 : vector<16xi1>, vector<16xi32>
        %jit3A_128 = arith.constant 1.000000e+00 : f32
        %jit3A_129 = arith.constant 0.000000e+00 : f32
        %broadcast_in_dim3A_130 = vector.broadcast %jit3A_128 : f32 to vector<16xf32>
        %broadcast_in_dim3A_131 = vector.broadcast %jit3A_129 : f32 to vector<16xf32>
        %select_n3A_132 = arith.select %and3A_117, %broadcast_in_dim3A_130, %broadcast_in_dim3A_131 : vector<16xi1>, vector<16xf32>
        tpu.vector_store_idx %arg6[%select_n3A_127], %select_n3A_132 {add = true} : memref<65536xf32, #tpu.memory_space<vmem>>[vector<16xi32>], vector<16xf32>,
        %mul3A_133 = arith.constant 8 : i32
        %mul3A_134 = arith.muli %scan3A_62, %mul3A_133 : i32
        %add3A_135 = arith.constant 2 : i32
        %add3A_136 = arith.addi %mul3A_134, %add3A_135 : i32
        %mul3A_137 = arith.constant 16 : i32
        %mul3A_138 = arith.muli %add3A_136, %mul3A_137 : i32
        %get3A_139 = arith.index_cast %mul3A_138 : i32 to index
        %get3A_140 = tpu.vector_load %arg10[%get3A_139] {strides = array<i32>} : memref<12288xi32, #tpu.memory_space<vmem>>, vector<16xi32>,
        %shift_right_arithmetic3A_141 = arith.constant 12 : i32
        %shift_right_arithmetic3A_142 = vector.broadcast %shift_right_arithmetic3A_141 : i32 to vector<16xi32>
        %shift_right_arithmetic3A_143 = arith.shrsi %get3A_140, %shift_right_arithmetic3A_142 : vector<16xi32>
        %sub3A_144 = vector.broadcast %mul3A_49 : i32 to vector<16xi32>
        %sub3A_145 = arith.subi %shift_right_arithmetic3A_143, %sub3A_144 : vector<16xi32>
        %ge3A_146 = arith.constant 0 : i32
        %ge3A_147 = vector.broadcast %ge3A_146 : i32 to vector<16xi32>
        %ge3A_148 = arith.cmpi sge, %get3A_140, %ge3A_147 : vector<16xi32>
        %ge3A_149 = arith.constant 0 : i32
        %ge3A_150 = vector.broadcast %ge3A_149 : i32 to vector<16xi32>
        %ge3A_151 = arith.cmpi sge, %sub3A_145, %ge3A_150 : vector<16xi32>
        %and3A_152 = arith.andi %ge3A_148, %ge3A_151 : vector<16xi1>
        %lt3A_153 = arith.constant 16 : i32
        %lt3A_154 = vector.broadcast %lt3A_153 : i32 to vector<16xi32>
        %lt3A_155 = arith.cmpi slt, %sub3A_145, %lt3A_154 : vector<16xi32>
        %and3A_156 = arith.andi %and3A_152, %lt3A_155 : vector<16xi1>
        %mul3A_157 = arith.constant 4096 : i32
        %mul3A_158 = vector.broadcast %mul3A_157 : i32 to vector<16xi32>
        %mul3A_159 = arith.muli %sub3A_145, %mul3A_158 : vector<16xi32>
        %and3A_160 = arith.constant 4095 : i32
        %and3A_161 = vector.broadcast %and3A_160 : i32 to vector<16xi32>
        %and3A_162 = arith.andi %get3A_140, %and3A_161 : vector<16xi32>
        %add3A_163 = arith.addi %mul3A_159, %and3A_162 : vector<16xi32>
        %jit3A_164 = arith.constant 0 : i32
        %broadcast_in_dim3A_165 = vector.broadcast %jit3A_164 : i32 to vector<16xi32>
        %select_n3A_166 = arith.select %and3A_156, %add3A_163, %broadcast_in_dim3A_165 : vector<16xi1>, vector<16xi32>
        %jit3A_167 = arith.constant 1.000000e+00 : f32
        %jit3A_168 = arith.constant 0.000000e+00 : f32
        %broadcast_in_dim3A_169 = vector.broadcast %jit3A_167 : f32 to vector<16xf32>
        %broadcast_in_dim3A_170 = vector.broadcast %jit3A_168 : f32 to vector<16xf32>
        %select_n3A_171 = arith.select %and3A_156, %broadcast_in_dim3A_169, %broadcast_in_dim3A_170 : vector<16xi1>, vector<16xf32>
        tpu.vector_store_idx %arg6[%select_n3A_166], %select_n3A_171 {add = true} : memref<65536xf32, #tpu.memory_space<vmem>>[vector<16xi32>], vector<16xf32>,
        %mul3A_172 = arith.constant 8 : i32
        %mul3A_173 = arith.muli %scan3A_62, %mul3A_172 : i32
        %add3A_174 = arith.constant 3 : i32
        %add3A_175 = arith.addi %mul3A_173, %add3A_174 : i32
        %mul3A_176 = arith.constant 16 : i32
        %mul3A_177 = arith.muli %add3A_175, %mul3A_176 : i32
        %get3A_178 = arith.index_cast %mul3A_177 : i32 to index
        %get3A_179 = tpu.vector_load %arg10[%get3A_178] {strides = array<i32>} : memref<12288xi32, #tpu.memory_space<vmem>>, vector<16xi32>,
        %shift_right_arithmetic3A_180 = arith.constant 12 : i32
        %shift_right_arithmetic3A_181 = vector.broadcast %shift_right_arithmetic3A_180 : i32 to vector<16xi32>
        %shift_right_arithmetic3A_182 = arith.shrsi %get3A_179, %shift_right_arithmetic3A_181 : vector<16xi32>
        %sub3A_183 = vector.broadcast %mul3A_49 : i32 to vector<16xi32>
        %sub3A_184 = arith.subi %shift_right_arithmetic3A_182, %sub3A_183 : vector<16xi32>
        %ge3A_185 = arith.constant 0 : i32
        %ge3A_186 = vector.broadcast %ge3A_185 : i32 to vector<16xi32>
        %ge3A_187 = arith.cmpi sge, %get3A_179, %ge3A_186 : vector<16xi32>
        %ge3A_188 = arith.constant 0 : i32
        %ge3A_189 = vector.broadcast %ge3A_188 : i32 to vector<16xi32>
        %ge3A_190 = arith.cmpi sge, %sub3A_184, %ge3A_189 : vector<16xi32>
        %and3A_191 = arith.andi %ge3A_187, %ge3A_190 : vector<16xi1>
        %lt3A_192 = arith.constant 16 : i32
        %lt3A_193 = vector.broadcast %lt3A_192 : i32 to vector<16xi32>
        %lt3A_194 = arith.cmpi slt, %sub3A_184, %lt3A_193 : vector<16xi32>
        %and3A_195 = arith.andi %and3A_191, %lt3A_194 : vector<16xi1>
        %mul3A_196 = arith.constant 4096 : i32
        %mul3A_197 = vector.broadcast %mul3A_196 : i32 to vector<16xi32>
        %mul3A_198 = arith.muli %sub3A_184, %mul3A_197 : vector<16xi32>
        %and3A_199 = arith.constant 4095 : i32
        %and3A_200 = vector.broadcast %and3A_199 : i32 to vector<16xi32>
        %and3A_201 = arith.andi %get3A_179, %and3A_200 : vector<16xi32>
        %add3A_202 = arith.addi %mul3A_198, %and3A_201 : vector<16xi32>
        %jit3A_203 = arith.constant 0 : i32
        %broadcast_in_dim3A_204 = vector.broadcast %jit3A_203 : i32 to vector<16xi32>
        %select_n3A_205 = arith.select %and3A_195, %add3A_202, %broadcast_in_dim3A_204 : vector<16xi1>, vector<16xi32>
        %jit3A_206 = arith.constant 1.000000e+00 : f32
        %jit3A_207 = arith.constant 0.000000e+00 : f32
        %broadcast_in_dim3A_208 = vector.broadcast %jit3A_206 : f32 to vector<16xf32>
        %broadcast_in_dim3A_209 = vector.broadcast %jit3A_207 : f32 to vector<16xf32>
        %select_n3A_210 = arith.select %and3A_195, %broadcast_in_dim3A_208, %broadcast_in_dim3A_209 : vector<16xi1>, vector<16xf32>
        tpu.vector_store_idx %arg6[%select_n3A_205], %select_n3A_210 {add = true} : memref<65536xf32, #tpu.memory_space<vmem>>[vector<16xi32>], vector<16xf32>,
        %mul3A_211 = arith.constant 8 : i32
        %mul3A_212 = arith.muli %scan3A_62, %mul3A_211 : i32
        %add3A_213 = arith.constant 4 : i32
        %add3A_214 = arith.addi %mul3A_212, %add3A_213 : i32
        %mul3A_215 = arith.constant 16 : i32
        %mul3A_216 = arith.muli %add3A_214, %mul3A_215 : i32
        %get3A_217 = arith.index_cast %mul3A_216 : i32 to index
        %get3A_218 = tpu.vector_load %arg10[%get3A_217] {strides = array<i32>} : memref<12288xi32, #tpu.memory_space<vmem>>, vector<16xi32>,
        %shift_right_arithmetic3A_219 = arith.constant 12 : i32
        %shift_right_arithmetic3A_220 = vector.broadcast %shift_right_arithmetic3A_219 : i32 to vector<16xi32>
        %shift_right_arithmetic3A_221 = arith.shrsi %get3A_218, %shift_right_arithmetic3A_220 : vector<16xi32>
        %sub3A_222 = vector.broadcast %mul3A_49 : i32 to vector<16xi32>
        %sub3A_223 = arith.subi %shift_right_arithmetic3A_221, %sub3A_222 : vector<16xi32>
        %ge3A_224 = arith.constant 0 : i32
        %ge3A_225 = vector.broadcast %ge3A_224 : i32 to vector<16xi32>
        %ge3A_226 = arith.cmpi sge, %get3A_218, %ge3A_225 : vector<16xi32>
        %ge3A_227 = arith.constant 0 : i32
        %ge3A_228 = vector.broadcast %ge3A_227 : i32 to vector<16xi32>
        %ge3A_229 = arith.cmpi sge, %sub3A_223, %ge3A_228 : vector<16xi32>
        %and3A_230 = arith.andi %ge3A_226, %ge3A_229 : vector<16xi1>
        %lt3A_231 = arith.constant 16 : i32
        %lt3A_232 = vector.broadcast %lt3A_231 : i32 to vector<16xi32>
        %lt3A_233 = arith.cmpi slt, %sub3A_223, %lt3A_232 : vector<16xi32>
        %and3A_234 = arith.andi %and3A_230, %lt3A_233 : vector<16xi1>
        %mul3A_235 = arith.constant 4096 : i32
        %mul3A_236 = vector.broadcast %mul3A_235 : i32 to vector<16xi32>
        %mul3A_237 = arith.muli %sub3A_223, %mul3A_236 : vector<16xi32>
        %and3A_238 = arith.constant 4095 : i32
        %and3A_239 = vector.broadcast %and3A_238 : i32 to vector<16xi32>
        %and3A_240 = arith.andi %get3A_218, %and3A_239 : vector<16xi32>
        %add3A_241 = arith.addi %mul3A_237, %and3A_240 : vector<16xi32>
        %jit3A_242 = arith.constant 0 : i32
        %broadcast_in_dim3A_243 = vector.broadcast %jit3A_242 : i32 to vector<16xi32>
        %select_n3A_244 = arith.select %and3A_234, %add3A_241, %broadcast_in_dim3A_243 : vector<16xi1>, vector<16xi32>
        %jit3A_245 = arith.constant 1.000000e+00 : f32
        %jit3A_246 = arith.constant 0.000000e+00 : f32
        %broadcast_in_dim3A_247 = vector.broadcast %jit3A_245 : f32 to vector<16xf32>
        %broadcast_in_dim3A_248 = vector.broadcast %jit3A_246 : f32 to vector<16xf32>
        %select_n3A_249 = arith.select %and3A_234, %broadcast_in_dim3A_247, %broadcast_in_dim3A_248 : vector<16xi1>, vector<16xf32>
        tpu.vector_store_idx %arg6[%select_n3A_244], %select_n3A_249 {add = true} : memref<65536xf32, #tpu.memory_space<vmem>>[vector<16xi32>], vector<16xf32>,
        %mul3A_250 = arith.constant 8 : i32
        %mul3A_251 = arith.muli %scan3A_62, %mul3A_250 : i32
        %add3A_252 = arith.constant 5 : i32
        %add3A_253 = arith.addi %mul3A_251, %add3A_252 : i32
        %mul3A_254 = arith.constant 16 : i32
        %mul3A_255 = arith.muli %add3A_253, %mul3A_254 : i32
        %get3A_256 = arith.index_cast %mul3A_255 : i32 to index
        %get3A_257 = tpu.vector_load %arg10[%get3A_256] {strides = array<i32>} : memref<12288xi32, #tpu.memory_space<vmem>>, vector<16xi32>,
        %shift_right_arithmetic3A_258 = arith.constant 12 : i32
        %shift_right_arithmetic3A_259 = vector.broadcast %shift_right_arithmetic3A_258 : i32 to vector<16xi32>
        %shift_right_arithmetic3A_260 = arith.shrsi %get3A_257, %shift_right_arithmetic3A_259 : vector<16xi32>
        %sub3A_261 = vector.broadcast %mul3A_49 : i32 to vector<16xi32>
        %sub3A_262 = arith.subi %shift_right_arithmetic3A_260, %sub3A_261 : vector<16xi32>
        %ge3A_263 = arith.constant 0 : i32
        %ge3A_264 = vector.broadcast %ge3A_263 : i32 to vector<16xi32>
        %ge3A_265 = arith.cmpi sge, %get3A_257, %ge3A_264 : vector<16xi32>
        %ge3A_266 = arith.constant 0 : i32
        %ge3A_267 = vector.broadcast %ge3A_266 : i32 to vector<16xi32>
        %ge3A_268 = arith.cmpi sge, %sub3A_262, %ge3A_267 : vector<16xi32>
        %and3A_269 = arith.andi %ge3A_265, %ge3A_268 : vector<16xi1>
        %lt3A_270 = arith.constant 16 : i32
        %lt3A_271 = vector.broadcast %lt3A_270 : i32 to vector<16xi32>
        %lt3A_272 = arith.cmpi slt, %sub3A_262, %lt3A_271 : vector<16xi32>
        %and3A_273 = arith.andi %and3A_269, %lt3A_272 : vector<16xi1>
        %mul3A_274 = arith.constant 4096 : i32
        %mul3A_275 = vector.broadcast %mul3A_274 : i32 to vector<16xi32>
        %mul3A_276 = arith.muli %sub3A_262, %mul3A_275 : vector<16xi32>
        %and3A_277 = arith.constant 4095 : i32
        %and3A_278 = vector.broadcast %and3A_277 : i32 to vector<16xi32>
        %and3A_279 = arith.andi %get3A_257, %and3A_278 : vector<16xi32>
        %add3A_280 = arith.addi %mul3A_276, %and3A_279 : vector<16xi32>
        %jit3A_281 = arith.constant 0 : i32
        %broadcast_in_dim3A_282 = vector.broadcast %jit3A_281 : i32 to vector<16xi32>
        %select_n3A_283 = arith.select %and3A_273, %add3A_280, %broadcast_in_dim3A_282 : vector<16xi1>, vector<16xi32>
        %jit3A_284 = arith.constant 1.000000e+00 : f32
        %jit3A_285 = arith.constant 0.000000e+00 : f32
        %broadcast_in_dim3A_286 = vector.broadcast %jit3A_284 : f32 to vector<16xf32>
        %broadcast_in_dim3A_287 = vector.broadcast %jit3A_285 : f32 to vector<16xf32>
        %select_n3A_288 = arith.select %and3A_273, %broadcast_in_dim3A_286, %broadcast_in_dim3A_287 : vector<16xi1>, vector<16xf32>
        tpu.vector_store_idx %arg6[%select_n3A_283], %select_n3A_288 {add = true} : memref<65536xf32, #tpu.memory_space<vmem>>[vector<16xi32>], vector<16xf32>,
        %mul3A_289 = arith.constant 8 : i32
        %mul3A_290 = arith.muli %scan3A_62, %mul3A_289 : i32
        %add3A_291 = arith.constant 6 : i32
        %add3A_292 = arith.addi %mul3A_290, %add3A_291 : i32
        %mul3A_293 = arith.constant 16 : i32
        %mul3A_294 = arith.muli %add3A_292, %mul3A_293 : i32
        %get3A_295 = arith.index_cast %mul3A_294 : i32 to index
        %get3A_296 = tpu.vector_load %arg10[%get3A_295] {strides = array<i32>} : memref<12288xi32, #tpu.memory_space<vmem>>, vector<16xi32>,
        %shift_right_arithmetic3A_297 = arith.constant 12 : i32
        %shift_right_arithmetic3A_298 = vector.broadcast %shift_right_arithmetic3A_297 : i32 to vector<16xi32>
        %shift_right_arithmetic3A_299 = arith.shrsi %get3A_296, %shift_right_arithmetic3A_298 : vector<16xi32>
        %sub3A_300 = vector.broadcast %mul3A_49 : i32 to vector<16xi32>
        %sub3A_301 = arith.subi %shift_right_arithmetic3A_299, %sub3A_300 : vector<16xi32>
        %ge3A_302 = arith.constant 0 : i32
        %ge3A_303 = vector.broadcast %ge3A_302 : i32 to vector<16xi32>
        %ge3A_304 = arith.cmpi sge, %get3A_296, %ge3A_303 : vector<16xi32>
        %ge3A_305 = arith.constant 0 : i32
        %ge3A_306 = vector.broadcast %ge3A_305 : i32 to vector<16xi32>
        %ge3A_307 = arith.cmpi sge, %sub3A_301, %ge3A_306 : vector<16xi32>
        %and3A_308 = arith.andi %ge3A_304, %ge3A_307 : vector<16xi1>
        %lt3A_309 = arith.constant 16 : i32
        %lt3A_310 = vector.broadcast %lt3A_309 : i32 to vector<16xi32>
        %lt3A_311 = arith.cmpi slt, %sub3A_301, %lt3A_310 : vector<16xi32>
        %and3A_312 = arith.andi %and3A_308, %lt3A_311 : vector<16xi1>
        %mul3A_313 = arith.constant 4096 : i32
        %mul3A_314 = vector.broadcast %mul3A_313 : i32 to vector<16xi32>
        %mul3A_315 = arith.muli %sub3A_301, %mul3A_314 : vector<16xi32>
        %and3A_316 = arith.constant 4095 : i32
        %and3A_317 = vector.broadcast %and3A_316 : i32 to vector<16xi32>
        %and3A_318 = arith.andi %get3A_296, %and3A_317 : vector<16xi32>
        %add3A_319 = arith.addi %mul3A_315, %and3A_318 : vector<16xi32>
        %jit3A_320 = arith.constant 0 : i32
        %broadcast_in_dim3A_321 = vector.broadcast %jit3A_320 : i32 to vector<16xi32>
        %select_n3A_322 = arith.select %and3A_312, %add3A_319, %broadcast_in_dim3A_321 : vector<16xi1>, vector<16xi32>
        %jit3A_323 = arith.constant 1.000000e+00 : f32
        %jit3A_324 = arith.constant 0.000000e+00 : f32
        %broadcast_in_dim3A_325 = vector.broadcast %jit3A_323 : f32 to vector<16xf32>
        %broadcast_in_dim3A_326 = vector.broadcast %jit3A_324 : f32 to vector<16xf32>
        %select_n3A_327 = arith.select %and3A_312, %broadcast_in_dim3A_325, %broadcast_in_dim3A_326 : vector<16xi1>, vector<16xf32>
        tpu.vector_store_idx %arg6[%select_n3A_322], %select_n3A_327 {add = true} : memref<65536xf32, #tpu.memory_space<vmem>>[vector<16xi32>], vector<16xf32>,
        %mul3A_328 = arith.constant 8 : i32
        %mul3A_329 = arith.muli %scan3A_62, %mul3A_328 : i32
        %add3A_330 = arith.constant 7 : i32
        %add3A_331 = arith.addi %mul3A_329, %add3A_330 : i32
        %mul3A_332 = arith.constant 16 : i32
        %mul3A_333 = arith.muli %add3A_331, %mul3A_332 : i32
        %get3A_334 = arith.index_cast %mul3A_333 : i32 to index
        %get3A_335 = tpu.vector_load %arg10[%get3A_334] {strides = array<i32>} : memref<12288xi32, #tpu.memory_space<vmem>>, vector<16xi32>,
        %shift_right_arithmetic3A_336 = arith.constant 12 : i32
        %shift_right_arithmetic3A_337 = vector.broadcast %shift_right_arithmetic3A_336 : i32 to vector<16xi32>
        %shift_right_arithmetic3A_338 = arith.shrsi %get3A_335, %shift_right_arithmetic3A_337 : vector<16xi32>
        %sub3A_339 = vector.broadcast %mul3A_49 : i32 to vector<16xi32>
        %sub3A_340 = arith.subi %shift_right_arithmetic3A_338, %sub3A_339 : vector<16xi32>
        %ge3A_341 = arith.constant 0 : i32
        %ge3A_342 = vector.broadcast %ge3A_341 : i32 to vector<16xi32>
        %ge3A_343 = arith.cmpi sge, %get3A_335, %ge3A_342 : vector<16xi32>
        %ge3A_344 = arith.constant 0 : i32
        %ge3A_345 = vector.broadcast %ge3A_344 : i32 to vector<16xi32>
        %ge3A_346 = arith.cmpi sge, %sub3A_340, %ge3A_345 : vector<16xi32>
        %and3A_347 = arith.andi %ge3A_343, %ge3A_346 : vector<16xi1>
        %lt3A_348 = arith.constant 16 : i32
        %lt3A_349 = vector.broadcast %lt3A_348 : i32 to vector<16xi32>
        %lt3A_350 = arith.cmpi slt, %sub3A_340, %lt3A_349 : vector<16xi32>
        %and3A_351 = arith.andi %and3A_347, %lt3A_350 : vector<16xi1>
        %mul3A_352 = arith.constant 4096 : i32
        %mul3A_353 = vector.broadcast %mul3A_352 : i32 to vector<16xi32>
        %mul3A_354 = arith.muli %sub3A_340, %mul3A_353 : vector<16xi32>
        %and3A_355 = arith.constant 4095 : i32
        %and3A_356 = vector.broadcast %and3A_355 : i32 to vector<16xi32>
        %and3A_357 = arith.andi %get3A_335, %and3A_356 : vector<16xi32>
        %add3A_358 = arith.addi %mul3A_354, %and3A_357 : vector<16xi32>
        %jit3A_359 = arith.constant 0 : i32
        %broadcast_in_dim3A_360 = vector.broadcast %jit3A_359 : i32 to vector<16xi32>
        %select_n3A_361 = arith.select %and3A_351, %add3A_358, %broadcast_in_dim3A_360 : vector<16xi1>, vector<16xi32>
        %jit3A_362 = arith.constant 1.000000e+00 : f32
        %jit3A_363 = arith.constant 0.000000e+00 : f32
        %broadcast_in_dim3A_364 = vector.broadcast %jit3A_362 : f32 to vector<16xf32>
        %broadcast_in_dim3A_365 = vector.broadcast %jit3A_363 : f32 to vector<16xf32>
        %select_n3A_366 = arith.select %and3A_351, %broadcast_in_dim3A_364, %broadcast_in_dim3A_365 : vector<16xi1>, vector<16xf32>
        tpu.vector_store_idx %arg6[%select_n3A_361], %select_n3A_366 {add = true} : memref<65536xf32, #tpu.memory_space<vmem>>[vector<16xi32>], vector<16xf32>,
      }
      %scan3A_59 = arith.constant 96 : i32
      %mul3A_60 = arith.constant 4096 : i32
      %mul3A_61 = arith.muli %mul3A_49, %mul3A_60 : i32
      "tpu.region"() ({
        %run_scoped3A_62 = tpu.sem_alloc : memref<!tpu.dma_semaphore, #tpu.memory_space<semaphore_mem>>
        %dma_start3A = tpu.memref_slice %arg5[%mul3A_61] : memref<16777216xf32, #tpu.memory_space<hbm>> -> memref<65536xf32, #tpu.memory_space<hbm>>
        %dma_start3A_63 = tpu.memref_slice %arg5[%mul3A_61] : memref<16777216xf32, #tpu.memory_space<hbm>> -> memref<65536xf32, #tpu.memory_space<hbm>>
        tpu.enqueue_dma source(%arg6 : memref<65536xf32, #tpu.memory_space<vmem>>) target(%dma_start3A_63 : memref<65536xf32, #tpu.memory_space<hbm>>) target_semaphore(%run_scoped3A_62 : memref<!tpu.dma_semaphore, #tpu.memory_space<semaphore_mem>>)
        %dma_wait3A = tpu.memref_slice %arg5[%mul3A_61] : memref<16777216xf32, #tpu.memory_space<hbm>> -> memref<65536xf32, #tpu.memory_space<hbm>>
        %dma_wait3A_64 = tpu.memref_slice %arg5[%mul3A_61] : memref<16777216xf32, #tpu.memory_space<hbm>> -> memref<65536xf32, #tpu.memory_space<hbm>>
        tpu.wait_dma2 semaphore(%run_scoped3A_62 : memref<!tpu.dma_semaphore, #tpu.memory_space<semaphore_mem>>) src(%arg6 : memref<65536xf32, #tpu.memory_space<vmem>>) dst(%dma_wait3A_64 : memref<65536xf32, #tpu.memory_space<hbm>>)
        tpu.yield
      }) : () -> ()
    }
    %scan3A_43 = arith.constant 8 : i32
    return
  }
}

#map = affine_map<(d0, d1) -> (0)>
module attributes {stable_mosaic.version = 14 : i64} {
  func.func @_adj_body(%arg0: i32, %arg1: i32, %arg2: memref<65536xi32, #tpu.memory_space<hbm>>, %arg3: memref<65536xi32, #tpu.memory_space<hbm>>, %arg4: memref<8xi32, #tpu.memory_space<hbm>>, %arg5: memref<16777216xf32, #tpu.memory_space<hbm>>, %arg6: memref<65536xf32, #tpu.memory_space<vmem>>, %arg7: memref<4096xi32, #tpu.memory_space<vmem>>, %arg8: memref<4096xi32, #tpu.memory_space<vmem>>, %arg9: memref<6144xi32, #tpu.memory_space<vmem>>, %arg10: memref<12288xi32, #tpu.memory_space<vmem>>, %arg11: memref<8x12288xi32, #tpu.memory_space<vmem_shared>>) attributes {dimension_semantics = [#tpu.dimension_semantics<core_parallel>, #tpu.dimension_semantics<subcore_parallel>], iteration_bounds = array<i64: 2, 16>, scalar_prefetch = 0 : i64, scratch_operands = 6 : i64, tpu.core_type = #tpu.core_type<sc_vector_subcore>, window_params = [{transform_indices = #map}, {transform_indices = #map}, {transform_indices = #map}, {transform_indices = #map}]} {
    %mul3A = arith.constant 2 : i32
    %mul3A_0 = arith.muli %arg1, %mul3A : i32
    %add3A = arith.addi %mul3A_0, %arg0 : i32
    %scan3A = arith.constant 0 : i32
    %scan3A_1 = arith.constant 384 : i32
    %scan3A_2 = arith.addi %scan3A, %scan3A_1 : i32
    %scan3A_3 = arith.constant 1 : i32
    scf.for %scan3A_44 = %scan3A to %scan3A_2 step %scan3A_3  : i32 {
      %broadcast_in_dim3A_45 = arith.constant -1 : i32
      %broadcast_in_dim3A_46 = vector.broadcast %broadcast_in_dim3A_45 : i32 to vector<16xi32>
      %mul3A_47 = arith.constant 16 : i32
      %mul3A_48 = arith.muli %scan3A_44, %mul3A_47 : i32
      %swap3A = arith.index_cast %mul3A_48 : i32 to index
      %swap3A_49 = tpu.vector_load %arg9[%swap3A] {strides = array<i32>} : memref<6144xi32, #tpu.memory_space<vmem>>, vector<16xi32>,
      tpu.vector_store %arg9[%swap3A], %broadcast_in_dim3A_46 {strides = array<i32>} : memref<6144xi32, #tpu.memory_space<vmem>>, vector<16xi32>,
    }
    %scan3A_4 = arith.constant 384 : i32
    %mul3A_5 = arith.constant 4096 : i32
    %mul3A_6 = arith.muli %arg1, %mul3A_5 : i32
    "tpu.region"() ({
      %run_scoped3A_44 = tpu.sem_alloc : memref<!tpu.dma_semaphore, #tpu.memory_space<semaphore_mem>>
      %dma_start3A = tpu.memref_slice %arg2[%mul3A_6] : memref<65536xi32, #tpu.memory_space<hbm>> -> memref<4096xi32, #tpu.memory_space<hbm>>
      %dma_start3A_45 = tpu.memref_slice %arg2[%mul3A_6] : memref<65536xi32, #tpu.memory_space<hbm>> -> memref<4096xi32, #tpu.memory_space<hbm>>
      tpu.enqueue_dma source(%dma_start3A_45 : memref<4096xi32, #tpu.memory_space<hbm>>) target(%arg7 : memref<4096xi32, #tpu.memory_space<vmem>>) target_semaphore(%run_scoped3A_44 : memref<!tpu.dma_semaphore, #tpu.memory_space<semaphore_mem>>)
      %dma_wait3A = tpu.memref_slice %arg2[%mul3A_6] : memref<65536xi32, #tpu.memory_space<hbm>> -> memref<4096xi32, #tpu.memory_space<hbm>>
      %dma_wait3A_46 = tpu.memref_slice %arg2[%mul3A_6] : memref<65536xi32, #tpu.memory_space<hbm>> -> memref<4096xi32, #tpu.memory_space<hbm>>
      tpu.wait_dma2 semaphore(%run_scoped3A_44 : memref<!tpu.dma_semaphore, #tpu.memory_space<semaphore_mem>>) src(%dma_wait3A_46 : memref<4096xi32, #tpu.memory_space<hbm>>) dst(%arg7 : memref<4096xi32, #tpu.memory_space<vmem>>)
      tpu.yield
    }) : () -> ()
    %mul3A_7 = arith.constant 4096 : i32
    %mul3A_8 = arith.muli %arg1, %mul3A_7 : i32
    "tpu.region"() ({
      %run_scoped3A_44 = tpu.sem_alloc : memref<!tpu.dma_semaphore, #tpu.memory_space<semaphore_mem>>
      %dma_start3A = tpu.memref_slice %arg3[%mul3A_8] : memref<65536xi32, #tpu.memory_space<hbm>> -> memref<4096xi32, #tpu.memory_space<hbm>>
      %dma_start3A_45 = tpu.memref_slice %arg3[%mul3A_8] : memref<65536xi32, #tpu.memory_space<hbm>> -> memref<4096xi32, #tpu.memory_space<hbm>>
      tpu.enqueue_dma source(%dma_start3A_45 : memref<4096xi32, #tpu.memory_space<hbm>>) target(%arg8 : memref<4096xi32, #tpu.memory_space<vmem>>) target_semaphore(%run_scoped3A_44 : memref<!tpu.dma_semaphore, #tpu.memory_space<semaphore_mem>>)
      %dma_wait3A = tpu.memref_slice %arg3[%mul3A_8] : memref<65536xi32, #tpu.memory_space<hbm>> -> memref<4096xi32, #tpu.memory_space<hbm>>
      %dma_wait3A_46 = tpu.memref_slice %arg3[%mul3A_8] : memref<65536xi32, #tpu.memory_space<hbm>> -> memref<4096xi32, #tpu.memory_space<hbm>>
      tpu.wait_dma2 semaphore(%run_scoped3A_44 : memref<!tpu.dma_semaphore, #tpu.memory_space<semaphore_mem>>) src(%dma_wait3A_46 : memref<4096xi32, #tpu.memory_space<hbm>>) dst(%arg8 : memref<4096xi32, #tpu.memory_space<vmem>>)
      tpu.yield
    }) : () -> ()
    %broadcast_in_dim3A = arith.constant 0 : i32
    %broadcast_in_dim3A_9 = vector.broadcast %broadcast_in_dim3A : i32 to vector<16xi32>
    %scan3A_10 = arith.constant 0 : i32
    %scan3A_11 = arith.constant 256 : i32
    %scan3A_12 = arith.addi %scan3A_10, %scan3A_11 : i32
    %scan3A_13 = arith.constant 1 : i32
    %scan3A_14:8 = scf.for %scan3A_44 = %scan3A_10 to %scan3A_12 step %scan3A_13 iter_args(%scan3A_45 = %broadcast_in_dim3A_9, %scan3A_46 = %broadcast_in_dim3A_9, %scan3A_47 = %broadcast_in_dim3A_9, %scan3A_48 = %broadcast_in_dim3A_9, %scan3A_49 = %broadcast_in_dim3A_9, %scan3A_50 = %broadcast_in_dim3A_9, %scan3A_51 = %broadcast_in_dim3A_9, %scan3A_52 = %broadcast_in_dim3A_9) -> (vector<16xi32>, vector<16xi32>, vector<16xi32>, vector<16xi32>, vector<16xi32>, vector<16xi32>, vector<16xi32>, vector<16xi32>)  : i32 {
      %mul3A_53 = arith.constant 16 : i32
      %mul3A_54 = arith.muli %scan3A_44, %mul3A_53 : i32
      %get3A = arith.index_cast %mul3A_54 : i32 to index
      %get3A_55 = tpu.vector_load %arg7[%get3A] {strides = array<i32>} : memref<4096xi32, #tpu.memory_space<vmem>>, vector<16xi32>,
      %mul3A_56 = arith.constant 16 : i32
      %mul3A_57 = arith.muli %scan3A_44, %mul3A_56 : i32
      %get3A_58 = arith.index_cast %mul3A_57 : i32 to index
      %get3A_59 = tpu.vector_load %arg8[%get3A_58] {strides = array<i32>} : memref<4096xi32, #tpu.memory_space<vmem>>, vector<16xi32>,
      %mul3A_60 = arith.constant 4096 : i32
      %mul3A_61 = vector.broadcast %mul3A_60 : i32 to vector<16xi32>
      %mul3A_62 = arith.muli %get3A_59, %mul3A_61 : vector<16xi32>
      %add3A_63 = arith.addi %mul3A_62, %get3A_55 : vector<16xi32>
      %shift_right_logical3A = arith.constant 9 : i32
      %shift_right_logical3A_64 = vector.broadcast %shift_right_logical3A : i32 to vector<16xi32>
      %shift_right_logical3A_65 = arith.shrui %get3A_59, %shift_right_logical3A_64 : vector<16xi32>
      %eq3A = arith.constant 0 : i32
      %eq3A_66 = vector.broadcast %eq3A : i32 to vector<16xi32>
      %eq3A_67 = arith.cmpi eq, %shift_right_logical3A_65, %eq3A_66 : vector<16xi32>
      %jit3A = arith.constant 1 : i32
      %jit3A_68 = arith.constant 0 : i32
      %broadcast_in_dim3A_69 = vector.broadcast %jit3A : i32 to vector<16xi32>
      %broadcast_in_dim3A_70 = vector.broadcast %jit3A_68 : i32 to vector<16xi32>
      %select_n3A = arith.select %eq3A_67, %broadcast_in_dim3A_69, %broadcast_in_dim3A_70 : vector<16xi1>, vector<16xi32>
      %broadcast_in_dim3A_71 = arith.constant true
      %broadcast_in_dim3A_72 = vector.broadcast %broadcast_in_dim3A_71 : i1 to vector<16xi1>
      %masked_cumsum3A = tpu.scan <sum>, %select_n3A masked %broadcast_in_dim3A_72 : vector<16xi32>, vector<16xi1> -> vector<16xi32>
      %add3A_73 = arith.addi %scan3A_45, %masked_cumsum3A : vector<16xi32>
      %sub3A = arith.constant 1 : i32
      %sub3A_74 = vector.broadcast %sub3A : i32 to vector<16xi32>
      %sub3A_75 = arith.subi %add3A_73, %sub3A_74 : vector<16xi32>
      %min3A = arith.constant 767 : i32
      %min3A_76 = vector.broadcast %min3A : i32 to vector<16xi32>
      %min3A_77 = arith.minsi %sub3A_75, %min3A_76 : vector<16xi32>
      %add3A_78 = arith.constant 0 : i32
      %add3A_79 = vector.broadcast %add3A_78 : i32 to vector<16xi32>
      %add3A_80 = arith.addi %add3A_79, %min3A_77 : vector<16xi32>
      tpu.vector_store_idx %arg9[%add3A_80], %add3A_63 masked %eq3A_67 : memref<6144xi32, #tpu.memory_space<vmem>>[vector<16xi32>], vector<16xi32>, vector<16xi1>
      %all_reduce_population_count3A = tpu.all_reduce %eq3A_67 {dim = 0 : i64, kind = #tpu.reduction_kind<sum>} : vector<16xi1> -> vector<16xi32>
      %add3A_81 = arith.addi %scan3A_45, %all_reduce_population_count3A : vector<16xi32>
      %eq3A_82 = arith.constant 1 : i32
      %eq3A_83 = vector.broadcast %eq3A_82 : i32 to vector<16xi32>
      %eq3A_84 = arith.cmpi eq, %shift_right_logical3A_65, %eq3A_83 : vector<16xi32>
      %jit3A_85 = arith.constant 1 : i32
      %jit3A_86 = arith.constant 0 : i32
      %broadcast_in_dim3A_87 = vector.broadcast %jit3A_85 : i32 to vector<16xi32>
      %broadcast_in_dim3A_88 = vector.broadcast %jit3A_86 : i32 to vector<16xi32>
      %select_n3A_89 = arith.select %eq3A_84, %broadcast_in_dim3A_87, %broadcast_in_dim3A_88 : vector<16xi1>, vector<16xi32>
      %broadcast_in_dim3A_90 = arith.constant true
      %broadcast_in_dim3A_91 = vector.broadcast %broadcast_in_dim3A_90 : i1 to vector<16xi1>
      %masked_cumsum3A_92 = tpu.scan <sum>, %select_n3A_89 masked %broadcast_in_dim3A_91 : vector<16xi32>, vector<16xi1> -> vector<16xi32>
      %add3A_93 = arith.addi %scan3A_46, %masked_cumsum3A_92 : vector<16xi32>
      %sub3A_94 = arith.constant 1 : i32
      %sub3A_95 = vector.broadcast %sub3A_94 : i32 to vector<16xi32>
      %sub3A_96 = arith.subi %add3A_93, %sub3A_95 : vector<16xi32>
      %min3A_97 = arith.constant 767 : i32
      %min3A_98 = vector.broadcast %min3A_97 : i32 to vector<16xi32>
      %min3A_99 = arith.minsi %sub3A_96, %min3A_98 : vector<16xi32>
      %add3A_100 = arith.constant 768 : i32
      %add3A_101 = vector.broadcast %add3A_100 : i32 to vector<16xi32>
      %add3A_102 = arith.addi %add3A_101, %min3A_99 : vector<16xi32>
      tpu.vector_store_idx %arg9[%add3A_102], %add3A_63 masked %eq3A_84 : memref<6144xi32, #tpu.memory_space<vmem>>[vector<16xi32>], vector<16xi32>, vector<16xi1>
      %all_reduce_population_count3A_103 = tpu.all_reduce %eq3A_84 {dim = 0 : i64, kind = #tpu.reduction_kind<sum>} : vector<16xi1> -> vector<16xi32>
      %add3A_104 = arith.addi %scan3A_46, %all_reduce_population_count3A_103 : vector<16xi32>
      %eq3A_105 = arith.constant 2 : i32
      %eq3A_106 = vector.broadcast %eq3A_105 : i32 to vector<16xi32>
      %eq3A_107 = arith.cmpi eq, %shift_right_logical3A_65, %eq3A_106 : vector<16xi32>
      %jit3A_108 = arith.constant 1 : i32
      %jit3A_109 = arith.constant 0 : i32
      %broadcast_in_dim3A_110 = vector.broadcast %jit3A_108 : i32 to vector<16xi32>
      %broadcast_in_dim3A_111 = vector.broadcast %jit3A_109 : i32 to vector<16xi32>
      %select_n3A_112 = arith.select %eq3A_107, %broadcast_in_dim3A_110, %broadcast_in_dim3A_111 : vector<16xi1>, vector<16xi32>
      %broadcast_in_dim3A_113 = arith.constant true
      %broadcast_in_dim3A_114 = vector.broadcast %broadcast_in_dim3A_113 : i1 to vector<16xi1>
      %masked_cumsum3A_115 = tpu.scan <sum>, %select_n3A_112 masked %broadcast_in_dim3A_114 : vector<16xi32>, vector<16xi1> -> vector<16xi32>
      %add3A_116 = arith.addi %scan3A_47, %masked_cumsum3A_115 : vector<16xi32>
      %sub3A_117 = arith.constant 1 : i32
      %sub3A_118 = vector.broadcast %sub3A_117 : i32 to vector<16xi32>
      %sub3A_119 = arith.subi %add3A_116, %sub3A_118 : vector<16xi32>
      %min3A_120 = arith.constant 767 : i32
      %min3A_121 = vector.broadcast %min3A_120 : i32 to vector<16xi32>
      %min3A_122 = arith.minsi %sub3A_119, %min3A_121 : vector<16xi32>
      %add3A_123 = arith.constant 1536 : i32
      %add3A_124 = vector.broadcast %add3A_123 : i32 to vector<16xi32>
      %add3A_125 = arith.addi %add3A_124, %min3A_122 : vector<16xi32>
      tpu.vector_store_idx %arg9[%add3A_125], %add3A_63 masked %eq3A_107 : memref<6144xi32, #tpu.memory_space<vmem>>[vector<16xi32>], vector<16xi32>, vector<16xi1>
      %all_reduce_population_count3A_126 = tpu.all_reduce %eq3A_107 {dim = 0 : i64, kind = #tpu.reduction_kind<sum>} : vector<16xi1> -> vector<16xi32>
      %add3A_127 = arith.addi %scan3A_47, %all_reduce_population_count3A_126 : vector<16xi32>
      %eq3A_128 = arith.constant 3 : i32
      %eq3A_129 = vector.broadcast %eq3A_128 : i32 to vector<16xi32>
      %eq3A_130 = arith.cmpi eq, %shift_right_logical3A_65, %eq3A_129 : vector<16xi32>
      %jit3A_131 = arith.constant 1 : i32
      %jit3A_132 = arith.constant 0 : i32
      %broadcast_in_dim3A_133 = vector.broadcast %jit3A_131 : i32 to vector<16xi32>
      %broadcast_in_dim3A_134 = vector.broadcast %jit3A_132 : i32 to vector<16xi32>
      %select_n3A_135 = arith.select %eq3A_130, %broadcast_in_dim3A_133, %broadcast_in_dim3A_134 : vector<16xi1>, vector<16xi32>
      %broadcast_in_dim3A_136 = arith.constant true
      %broadcast_in_dim3A_137 = vector.broadcast %broadcast_in_dim3A_136 : i1 to vector<16xi1>
      %masked_cumsum3A_138 = tpu.scan <sum>, %select_n3A_135 masked %broadcast_in_dim3A_137 : vector<16xi32>, vector<16xi1> -> vector<16xi32>
      %add3A_139 = arith.addi %scan3A_48, %masked_cumsum3A_138 : vector<16xi32>
      %sub3A_140 = arith.constant 1 : i32
      %sub3A_141 = vector.broadcast %sub3A_140 : i32 to vector<16xi32>
      %sub3A_142 = arith.subi %add3A_139, %sub3A_141 : vector<16xi32>
      %min3A_143 = arith.constant 767 : i32
      %min3A_144 = vector.broadcast %min3A_143 : i32 to vector<16xi32>
      %min3A_145 = arith.minsi %sub3A_142, %min3A_144 : vector<16xi32>
      %add3A_146 = arith.constant 2304 : i32
      %add3A_147 = vector.broadcast %add3A_146 : i32 to vector<16xi32>
      %add3A_148 = arith.addi %add3A_147, %min3A_145 : vector<16xi32>
      tpu.vector_store_idx %arg9[%add3A_148], %add3A_63 masked %eq3A_130 : memref<6144xi32, #tpu.memory_space<vmem>>[vector<16xi32>], vector<16xi32>, vector<16xi1>
      %all_reduce_population_count3A_149 = tpu.all_reduce %eq3A_130 {dim = 0 : i64, kind = #tpu.reduction_kind<sum>} : vector<16xi1> -> vector<16xi32>
      %add3A_150 = arith.addi %scan3A_48, %all_reduce_population_count3A_149 : vector<16xi32>
      %eq3A_151 = arith.constant 4 : i32
      %eq3A_152 = vector.broadcast %eq3A_151 : i32 to vector<16xi32>
      %eq3A_153 = arith.cmpi eq, %shift_right_logical3A_65, %eq3A_152 : vector<16xi32>
      %jit3A_154 = arith.constant 1 : i32
      %jit3A_155 = arith.constant 0 : i32
      %broadcast_in_dim3A_156 = vector.broadcast %jit3A_154 : i32 to vector<16xi32>
      %broadcast_in_dim3A_157 = vector.broadcast %jit3A_155 : i32 to vector<16xi32>
      %select_n3A_158 = arith.select %eq3A_153, %broadcast_in_dim3A_156, %broadcast_in_dim3A_157 : vector<16xi1>, vector<16xi32>
      %broadcast_in_dim3A_159 = arith.constant true
      %broadcast_in_dim3A_160 = vector.broadcast %broadcast_in_dim3A_159 : i1 to vector<16xi1>
      %masked_cumsum3A_161 = tpu.scan <sum>, %select_n3A_158 masked %broadcast_in_dim3A_160 : vector<16xi32>, vector<16xi1> -> vector<16xi32>
      %add3A_162 = arith.addi %scan3A_49, %masked_cumsum3A_161 : vector<16xi32>
      %sub3A_163 = arith.constant 1 : i32
      %sub3A_164 = vector.broadcast %sub3A_163 : i32 to vector<16xi32>
      %sub3A_165 = arith.subi %add3A_162, %sub3A_164 : vector<16xi32>
      %min3A_166 = arith.constant 767 : i32
      %min3A_167 = vector.broadcast %min3A_166 : i32 to vector<16xi32>
      %min3A_168 = arith.minsi %sub3A_165, %min3A_167 : vector<16xi32>
      %add3A_169 = arith.constant 3072 : i32
      %add3A_170 = vector.broadcast %add3A_169 : i32 to vector<16xi32>
      %add3A_171 = arith.addi %add3A_170, %min3A_168 : vector<16xi32>
      tpu.vector_store_idx %arg9[%add3A_171], %add3A_63 masked %eq3A_153 : memref<6144xi32, #tpu.memory_space<vmem>>[vector<16xi32>], vector<16xi32>, vector<16xi1>
      %all_reduce_population_count3A_172 = tpu.all_reduce %eq3A_153 {dim = 0 : i64, kind = #tpu.reduction_kind<sum>} : vector<16xi1> -> vector<16xi32>
      %add3A_173 = arith.addi %scan3A_49, %all_reduce_population_count3A_172 : vector<16xi32>
      %eq3A_174 = arith.constant 5 : i32
      %eq3A_175 = vector.broadcast %eq3A_174 : i32 to vector<16xi32>
      %eq3A_176 = arith.cmpi eq, %shift_right_logical3A_65, %eq3A_175 : vector<16xi32>
      %jit3A_177 = arith.constant 1 : i32
      %jit3A_178 = arith.constant 0 : i32
      %broadcast_in_dim3A_179 = vector.broadcast %jit3A_177 : i32 to vector<16xi32>
      %broadcast_in_dim3A_180 = vector.broadcast %jit3A_178 : i32 to vector<16xi32>
      %select_n3A_181 = arith.select %eq3A_176, %broadcast_in_dim3A_179, %broadcast_in_dim3A_180 : vector<16xi1>, vector<16xi32>
      %broadcast_in_dim3A_182 = arith.constant true
      %broadcast_in_dim3A_183 = vector.broadcast %broadcast_in_dim3A_182 : i1 to vector<16xi1>
      %masked_cumsum3A_184 = tpu.scan <sum>, %select_n3A_181 masked %broadcast_in_dim3A_183 : vector<16xi32>, vector<16xi1> -> vector<16xi32>
      %add3A_185 = arith.addi %scan3A_50, %masked_cumsum3A_184 : vector<16xi32>
      %sub3A_186 = arith.constant 1 : i32
      %sub3A_187 = vector.broadcast %sub3A_186 : i32 to vector<16xi32>
      %sub3A_188 = arith.subi %add3A_185, %sub3A_187 : vector<16xi32>
      %min3A_189 = arith.constant 767 : i32
      %min3A_190 = vector.broadcast %min3A_189 : i32 to vector<16xi32>
      %min3A_191 = arith.minsi %sub3A_188, %min3A_190 : vector<16xi32>
      %add3A_192 = arith.constant 3840 : i32
      %add3A_193 = vector.broadcast %add3A_192 : i32 to vector<16xi32>
      %add3A_194 = arith.addi %add3A_193, %min3A_191 : vector<16xi32>
      tpu.vector_store_idx %arg9[%add3A_194], %add3A_63 masked %eq3A_176 : memref<6144xi32, #tpu.memory_space<vmem>>[vector<16xi32>], vector<16xi32>, vector<16xi1>
      %all_reduce_population_count3A_195 = tpu.all_reduce %eq3A_176 {dim = 0 : i64, kind = #tpu.reduction_kind<sum>} : vector<16xi1> -> vector<16xi32>
      %add3A_196 = arith.addi %scan3A_50, %all_reduce_population_count3A_195 : vector<16xi32>
      %eq3A_197 = arith.constant 6 : i32
      %eq3A_198 = vector.broadcast %eq3A_197 : i32 to vector<16xi32>
      %eq3A_199 = arith.cmpi eq, %shift_right_logical3A_65, %eq3A_198 : vector<16xi32>
      %jit3A_200 = arith.constant 1 : i32
      %jit3A_201 = arith.constant 0 : i32
      %broadcast_in_dim3A_202 = vector.broadcast %jit3A_200 : i32 to vector<16xi32>
      %broadcast_in_dim3A_203 = vector.broadcast %jit3A_201 : i32 to vector<16xi32>
      %select_n3A_204 = arith.select %eq3A_199, %broadcast_in_dim3A_202, %broadcast_in_dim3A_203 : vector<16xi1>, vector<16xi32>
      %broadcast_in_dim3A_205 = arith.constant true
      %broadcast_in_dim3A_206 = vector.broadcast %broadcast_in_dim3A_205 : i1 to vector<16xi1>
      %masked_cumsum3A_207 = tpu.scan <sum>, %select_n3A_204 masked %broadcast_in_dim3A_206 : vector<16xi32>, vector<16xi1> -> vector<16xi32>
      %add3A_208 = arith.addi %scan3A_51, %masked_cumsum3A_207 : vector<16xi32>
      %sub3A_209 = arith.constant 1 : i32
      %sub3A_210 = vector.broadcast %sub3A_209 : i32 to vector<16xi32>
      %sub3A_211 = arith.subi %add3A_208, %sub3A_210 : vector<16xi32>
      %min3A_212 = arith.constant 767 : i32
      %min3A_213 = vector.broadcast %min3A_212 : i32 to vector<16xi32>
      %min3A_214 = arith.minsi %sub3A_211, %min3A_213 : vector<16xi32>
      %add3A_215 = arith.constant 4608 : i32
      %add3A_216 = vector.broadcast %add3A_215 : i32 to vector<16xi32>
      %add3A_217 = arith.addi %add3A_216, %min3A_214 : vector<16xi32>
      tpu.vector_store_idx %arg9[%add3A_217], %add3A_63 masked %eq3A_199 : memref<6144xi32, #tpu.memory_space<vmem>>[vector<16xi32>], vector<16xi32>, vector<16xi1>
      %all_reduce_population_count3A_218 = tpu.all_reduce %eq3A_199 {dim = 0 : i64, kind = #tpu.reduction_kind<sum>} : vector<16xi1> -> vector<16xi32>
      %add3A_219 = arith.addi %scan3A_51, %all_reduce_population_count3A_218 : vector<16xi32>
      %eq3A_220 = arith.constant 7 : i32
      %eq3A_221 = vector.broadcast %eq3A_220 : i32 to vector<16xi32>
      %eq3A_222 = arith.cmpi eq, %shift_right_logical3A_65, %eq3A_221 : vector<16xi32>
      %jit3A_223 = arith.constant 1 : i32
      %jit3A_224 = arith.constant 0 : i32
      %broadcast_in_dim3A_225 = vector.broadcast %jit3A_223 : i32 to vector<16xi32>
      %broadcast_in_dim3A_226 = vector.broadcast %jit3A_224 : i32 to vector<16xi32>
      %select_n3A_227 = arith.select %eq3A_222, %broadcast_in_dim3A_225, %broadcast_in_dim3A_226 : vector<16xi1>, vector<16xi32>
      %broadcast_in_dim3A_228 = arith.constant true
      %broadcast_in_dim3A_229 = vector.broadcast %broadcast_in_dim3A_228 : i1 to vector<16xi1>
      %masked_cumsum3A_230 = tpu.scan <sum>, %select_n3A_227 masked %broadcast_in_dim3A_229 : vector<16xi32>, vector<16xi1> -> vector<16xi32>
      %add3A_231 = arith.addi %scan3A_52, %masked_cumsum3A_230 : vector<16xi32>
      %sub3A_232 = arith.constant 1 : i32
      %sub3A_233 = vector.broadcast %sub3A_232 : i32 to vector<16xi32>
      %sub3A_234 = arith.subi %add3A_231, %sub3A_233 : vector<16xi32>
      %min3A_235 = arith.constant 767 : i32
      %min3A_236 = vector.broadcast %min3A_235 : i32 to vector<16xi32>
      %min3A_237 = arith.minsi %sub3A_234, %min3A_236 : vector<16xi32>
      %add3A_238 = arith.constant 5376 : i32
      %add3A_239 = vector.broadcast %add3A_238 : i32 to vector<16xi32>
      %add3A_240 = arith.addi %add3A_239, %min3A_237 : vector<16xi32>
      tpu.vector_store_idx %arg9[%add3A_240], %add3A_63 masked %eq3A_222 : memref<6144xi32, #tpu.memory_space<vmem>>[vector<16xi32>], vector<16xi32>, vector<16xi1>
      %all_reduce_population_count3A_241 = tpu.all_reduce %eq3A_222 {dim = 0 : i64, kind = #tpu.reduction_kind<sum>} : vector<16xi1> -> vector<16xi32>
      %add3A_242 = arith.addi %scan3A_52, %all_reduce_population_count3A_241 : vector<16xi32>
      scf.yield %add3A_81, %add3A_104, %add3A_127, %add3A_150, %add3A_173, %add3A_196, %add3A_219, %add3A_242 : vector<16xi32>, vector<16xi32>, vector<16xi32>, vector<16xi32>, vector<16xi32>, vector<16xi32>, vector<16xi32>, vector<16xi32>
    }
    %scan3A_15 = arith.constant 256 : i32
    %mul3A_16 = arith.constant 768 : i32
    %mul3A_17 = arith.muli %arg1, %mul3A_16 : i32
    %run_scoped3A = arith.constant 0 : i32
    "tpu.region"() ({
      %run_scoped3A_44 = tpu.sem_alloc : memref<!tpu.dma_semaphore, #tpu.memory_space<semaphore_mem>>
      %dma_start3A = arith.constant 0 : i32
      %dma_start3A_45 = tpu.memref_slice %arg9[%dma_start3A] : memref<6144xi32, #tpu.memory_space<vmem>> -> memref<768xi32, #tpu.memory_space<vmem>>
      %dma_start3A_46 = tpu.memref_slice %arg11[%run_scoped3A, %mul3A_17] : memref<8x12288xi32, #tpu.memory_space<vmem_shared>> -> memref<1x768xi32, #tpu.memory_space<vmem_shared>>
      %dma_start3A_47 = tpu.memref_squeeze %dma_start3A_46 : memref<1x768xi32, #tpu.memory_space<vmem_shared>> -> memref<768xi32, #tpu.memory_space<vmem_shared>>
      %dma_start3A_48 = tpu.memref_slice %arg11[%run_scoped3A, %mul3A_17] : memref<8x12288xi32, #tpu.memory_space<vmem_shared>> -> memref<1x768xi32, #tpu.memory_space<vmem_shared>>
      %dma_start3A_49 = tpu.memref_squeeze %dma_start3A_48 : memref<1x768xi32, #tpu.memory_space<vmem_shared>> -> memref<768xi32, #tpu.memory_space<vmem_shared>>
      %dma_start3A_50 = arith.constant 0 : i32
      %dma_start3A_51 = tpu.memref_slice %arg9[%dma_start3A_50] : memref<6144xi32, #tpu.memory_space<vmem>> -> memref<768xi32, #tpu.memory_space<vmem>>
      tpu.enqueue_dma source(%dma_start3A_51 : memref<768xi32, #tpu.memory_space<vmem>>) target(%dma_start3A_49 : memref<768xi32, #tpu.memory_space<vmem_shared>>) target_semaphore(%run_scoped3A_44 : memref<!tpu.dma_semaphore, #tpu.memory_space<semaphore_mem>>)
      %dma_wait3A = arith.constant 0 : i32
      %dma_wait3A_52 = tpu.memref_slice %arg9[%dma_wait3A] : memref<6144xi32, #tpu.memory_space<vmem>> -> memref<768xi32, #tpu.memory_space<vmem>>
      %dma_wait3A_53 = tpu.memref_slice %arg11[%run_scoped3A, %mul3A_17] : memref<8x12288xi32, #tpu.memory_space<vmem_shared>> -> memref<1x768xi32, #tpu.memory_space<vmem_shared>>
      %dma_wait3A_54 = tpu.memref_squeeze %dma_wait3A_53 : memref<1x768xi32, #tpu.memory_space<vmem_shared>> -> memref<768xi32, #tpu.memory_space<vmem_shared>>
      %dma_wait3A_55 = tpu.memref_slice %arg11[%run_scoped3A, %mul3A_17] : memref<8x12288xi32, #tpu.memory_space<vmem_shared>> -> memref<1x768xi32, #tpu.memory_space<vmem_shared>>
      %dma_wait3A_56 = tpu.memref_squeeze %dma_wait3A_55 : memref<1x768xi32, #tpu.memory_space<vmem_shared>> -> memref<768xi32, #tpu.memory_space<vmem_shared>>
      %dma_wait3A_57 = arith.constant 0 : i32
      %dma_wait3A_58 = tpu.memref_slice %arg9[%dma_wait3A_57] : memref<6144xi32, #tpu.memory_space<vmem>> -> memref<768xi32, #tpu.memory_space<vmem>>
      tpu.wait_dma2 semaphore(%run_scoped3A_44 : memref<!tpu.dma_semaphore, #tpu.memory_space<semaphore_mem>>) src(%dma_wait3A_58 : memref<768xi32, #tpu.memory_space<vmem>>) dst(%dma_wait3A_56 : memref<768xi32, #tpu.memory_space<vmem_shared>>)
      tpu.yield
    }) : () -> ()
    %mul3A_18 = arith.constant 768 : i32
    %mul3A_19 = arith.muli %arg1, %mul3A_18 : i32
    %run_scoped3A_20 = arith.constant 1 : i32
    "tpu.region"() ({
      %run_scoped3A_44 = tpu.sem_alloc : memref<!tpu.dma_semaphore, #tpu.memory_space<semaphore_mem>>
      %dma_start3A = arith.constant 768 : i32
      %dma_start3A_45 = tpu.memref_slice %arg9[%dma_start3A] : memref<6144xi32, #tpu.memory_space<vmem>> -> memref<768xi32, #tpu.memory_space<vmem>>
      %dma_start3A_46 = tpu.memref_slice %arg11[%run_scoped3A_20, %mul3A_19] : memref<8x12288xi32, #tpu.memory_space<vmem_shared>> -> memref<1x768xi32, #tpu.memory_space<vmem_shared>>
      %dma_start3A_47 = tpu.memref_squeeze %dma_start3A_46 : memref<1x768xi32, #tpu.memory_space<vmem_shared>> -> memref<768xi32, #tpu.memory_space<vmem_shared>>
      %dma_start3A_48 = tpu.memref_slice %arg11[%run_scoped3A_20, %mul3A_19] : memref<8x12288xi32, #tpu.memory_space<vmem_shared>> -> memref<1x768xi32, #tpu.memory_space<vmem_shared>>
      %dma_start3A_49 = tpu.memref_squeeze %dma_start3A_48 : memref<1x768xi32, #tpu.memory_space<vmem_shared>> -> memref<768xi32, #tpu.memory_space<vmem_shared>>
      %dma_start3A_50 = arith.constant 768 : i32
      %dma_start3A_51 = tpu.memref_slice %arg9[%dma_start3A_50] : memref<6144xi32, #tpu.memory_space<vmem>> -> memref<768xi32, #tpu.memory_space<vmem>>
      tpu.enqueue_dma source(%dma_start3A_51 : memref<768xi32, #tpu.memory_space<vmem>>) target(%dma_start3A_49 : memref<768xi32, #tpu.memory_space<vmem_shared>>) target_semaphore(%run_scoped3A_44 : memref<!tpu.dma_semaphore, #tpu.memory_space<semaphore_mem>>)
      %dma_wait3A = arith.constant 768 : i32
      %dma_wait3A_52 = tpu.memref_slice %arg9[%dma_wait3A] : memref<6144xi32, #tpu.memory_space<vmem>> -> memref<768xi32, #tpu.memory_space<vmem>>
      %dma_wait3A_53 = tpu.memref_slice %arg11[%run_scoped3A_20, %mul3A_19] : memref<8x12288xi32, #tpu.memory_space<vmem_shared>> -> memref<1x768xi32, #tpu.memory_space<vmem_shared>>
      %dma_wait3A_54 = tpu.memref_squeeze %dma_wait3A_53 : memref<1x768xi32, #tpu.memory_space<vmem_shared>> -> memref<768xi32, #tpu.memory_space<vmem_shared>>
      %dma_wait3A_55 = tpu.memref_slice %arg11[%run_scoped3A_20, %mul3A_19] : memref<8x12288xi32, #tpu.memory_space<vmem_shared>> -> memref<1x768xi32, #tpu.memory_space<vmem_shared>>
      %dma_wait3A_56 = tpu.memref_squeeze %dma_wait3A_55 : memref<1x768xi32, #tpu.memory_space<vmem_shared>> -> memref<768xi32, #tpu.memory_space<vmem_shared>>
      %dma_wait3A_57 = arith.constant 768 : i32
      %dma_wait3A_58 = tpu.memref_slice %arg9[%dma_wait3A_57] : memref<6144xi32, #tpu.memory_space<vmem>> -> memref<768xi32, #tpu.memory_space<vmem>>
      tpu.wait_dma2 semaphore(%run_scoped3A_44 : memref<!tpu.dma_semaphore, #tpu.memory_space<semaphore_mem>>) src(%dma_wait3A_58 : memref<768xi32, #tpu.memory_space<vmem>>) dst(%dma_wait3A_56 : memref<768xi32, #tpu.memory_space<vmem_shared>>)
      tpu.yield
    }) : () -> ()
    %mul3A_21 = arith.constant 768 : i32
    %mul3A_22 = arith.muli %arg1, %mul3A_21 : i32
    %run_scoped3A_23 = arith.constant 2 : i32
    "tpu.region"() ({
      %run_scoped3A_44 = tpu.sem_alloc : memref<!tpu.dma_semaphore, #tpu.memory_space<semaphore_mem>>
      %dma_start3A = arith.constant 1536 : i32
      %dma_start3A_45 = tpu.memref_slice %arg9[%dma_start3A] : memref<6144xi32, #tpu.memory_space<vmem>> -> memref<768xi32, #tpu.memory_space<vmem>>
      %dma_start3A_46 = tpu.memref_slice %arg11[%run_scoped3A_23, %mul3A_22] : memref<8x12288xi32, #tpu.memory_space<vmem_shared>> -> memref<1x768xi32, #tpu.memory_space<vmem_shared>>
      %dma_start3A_47 = tpu.memref_squeeze %dma_start3A_46 : memref<1x768xi32, #tpu.memory_space<vmem_shared>> -> memref<768xi32, #tpu.memory_space<vmem_shared>>
      %dma_start3A_48 = tpu.memref_slice %arg11[%run_scoped3A_23, %mul3A_22] : memref<8x12288xi32, #tpu.memory_space<vmem_shared>> -> memref<1x768xi32, #tpu.memory_space<vmem_shared>>
      %dma_start3A_49 = tpu.memref_squeeze %dma_start3A_48 : memref<1x768xi32, #tpu.memory_space<vmem_shared>> -> memref<768xi32, #tpu.memory_space<vmem_shared>>
      %dma_start3A_50 = arith.constant 1536 : i32
      %dma_start3A_51 = tpu.memref_slice %arg9[%dma_start3A_50] : memref<6144xi32, #tpu.memory_space<vmem>> -> memref<768xi32, #tpu.memory_space<vmem>>
      tpu.enqueue_dma source(%dma_start3A_51 : memref<768xi32, #tpu.memory_space<vmem>>) target(%dma_start3A_49 : memref<768xi32, #tpu.memory_space<vmem_shared>>) target_semaphore(%run_scoped3A_44 : memref<!tpu.dma_semaphore, #tpu.memory_space<semaphore_mem>>)
      %dma_wait3A = arith.constant 1536 : i32
      %dma_wait3A_52 = tpu.memref_slice %arg9[%dma_wait3A] : memref<6144xi32, #tpu.memory_space<vmem>> -> memref<768xi32, #tpu.memory_space<vmem>>
      %dma_wait3A_53 = tpu.memref_slice %arg11[%run_scoped3A_23, %mul3A_22] : memref<8x12288xi32, #tpu.memory_space<vmem_shared>> -> memref<1x768xi32, #tpu.memory_space<vmem_shared>>
      %dma_wait3A_54 = tpu.memref_squeeze %dma_wait3A_53 : memref<1x768xi32, #tpu.memory_space<vmem_shared>> -> memref<768xi32, #tpu.memory_space<vmem_shared>>
      %dma_wait3A_55 = tpu.memref_slice %arg11[%run_scoped3A_23, %mul3A_22] : memref<8x12288xi32, #tpu.memory_space<vmem_shared>> -> memref<1x768xi32, #tpu.memory_space<vmem_shared>>
      %dma_wait3A_56 = tpu.memref_squeeze %dma_wait3A_55 : memref<1x768xi32, #tpu.memory_space<vmem_shared>> -> memref<768xi32, #tpu.memory_space<vmem_shared>>
      %dma_wait3A_57 = arith.constant 1536 : i32
      %dma_wait3A_58 = tpu.memref_slice %arg9[%dma_wait3A_57] : memref<6144xi32, #tpu.memory_space<vmem>> -> memref<768xi32, #tpu.memory_space<vmem>>
      tpu.wait_dma2 semaphore(%run_scoped3A_44 : memref<!tpu.dma_semaphore, #tpu.memory_space<semaphore_mem>>) src(%dma_wait3A_58 : memref<768xi32, #tpu.memory_space<vmem>>) dst(%dma_wait3A_56 : memref<768xi32, #tpu.memory_space<vmem_shared>>)
      tpu.yield
    }) : () -> ()
    %mul3A_24 = arith.constant 768 : i32
    %mul3A_25 = arith.muli %arg1, %mul3A_24 : i32
    %run_scoped3A_26 = arith.constant 3 : i32
    "tpu.region"() ({
      %run_scoped3A_44 = tpu.sem_alloc : memref<!tpu.dma_semaphore, #tpu.memory_space<semaphore_mem>>
      %dma_start3A = arith.constant 2304 : i32
      %dma_start3A_45 = tpu.memref_slice %arg9[%dma_start3A] : memref<6144xi32, #tpu.memory_space<vmem>> -> memref<768xi32, #tpu.memory_space<vmem>>
      %dma_start3A_46 = tpu.memref_slice %arg11[%run_scoped3A_26, %mul3A_25] : memref<8x12288xi32, #tpu.memory_space<vmem_shared>> -> memref<1x768xi32, #tpu.memory_space<vmem_shared>>
      %dma_start3A_47 = tpu.memref_squeeze %dma_start3A_46 : memref<1x768xi32, #tpu.memory_space<vmem_shared>> -> memref<768xi32, #tpu.memory_space<vmem_shared>>
      %dma_start3A_48 = tpu.memref_slice %arg11[%run_scoped3A_26, %mul3A_25] : memref<8x12288xi32, #tpu.memory_space<vmem_shared>> -> memref<1x768xi32, #tpu.memory_space<vmem_shared>>
      %dma_start3A_49 = tpu.memref_squeeze %dma_start3A_48 : memref<1x768xi32, #tpu.memory_space<vmem_shared>> -> memref<768xi32, #tpu.memory_space<vmem_shared>>
      %dma_start3A_50 = arith.constant 2304 : i32
      %dma_start3A_51 = tpu.memref_slice %arg9[%dma_start3A_50] : memref<6144xi32, #tpu.memory_space<vmem>> -> memref<768xi32, #tpu.memory_space<vmem>>
      tpu.enqueue_dma source(%dma_start3A_51 : memref<768xi32, #tpu.memory_space<vmem>>) target(%dma_start3A_49 : memref<768xi32, #tpu.memory_space<vmem_shared>>) target_semaphore(%run_scoped3A_44 : memref<!tpu.dma_semaphore, #tpu.memory_space<semaphore_mem>>)
      %dma_wait3A = arith.constant 2304 : i32
      %dma_wait3A_52 = tpu.memref_slice %arg9[%dma_wait3A] : memref<6144xi32, #tpu.memory_space<vmem>> -> memref<768xi32, #tpu.memory_space<vmem>>
      %dma_wait3A_53 = tpu.memref_slice %arg11[%run_scoped3A_26, %mul3A_25] : memref<8x12288xi32, #tpu.memory_space<vmem_shared>> -> memref<1x768xi32, #tpu.memory_space<vmem_shared>>
      %dma_wait3A_54 = tpu.memref_squeeze %dma_wait3A_53 : memref<1x768xi32, #tpu.memory_space<vmem_shared>> -> memref<768xi32, #tpu.memory_space<vmem_shared>>
      %dma_wait3A_55 = tpu.memref_slice %arg11[%run_scoped3A_26, %mul3A_25] : memref<8x12288xi32, #tpu.memory_space<vmem_shared>> -> memref<1x768xi32, #tpu.memory_space<vmem_shared>>
      %dma_wait3A_56 = tpu.memref_squeeze %dma_wait3A_55 : memref<1x768xi32, #tpu.memory_space<vmem_shared>> -> memref<768xi32, #tpu.memory_space<vmem_shared>>
      %dma_wait3A_57 = arith.constant 2304 : i32
      %dma_wait3A_58 = tpu.memref_slice %arg9[%dma_wait3A_57] : memref<6144xi32, #tpu.memory_space<vmem>> -> memref<768xi32, #tpu.memory_space<vmem>>
      tpu.wait_dma2 semaphore(%run_scoped3A_44 : memref<!tpu.dma_semaphore, #tpu.memory_space<semaphore_mem>>) src(%dma_wait3A_58 : memref<768xi32, #tpu.memory_space<vmem>>) dst(%dma_wait3A_56 : memref<768xi32, #tpu.memory_space<vmem_shared>>)
      tpu.yield
    }) : () -> ()
    %mul3A_27 = arith.constant 768 : i32
    %mul3A_28 = arith.muli %arg1, %mul3A_27 : i32
    %run_scoped3A_29 = arith.constant 4 : i32
    "tpu.region"() ({
      %run_scoped3A_44 = tpu.sem_alloc : memref<!tpu.dma_semaphore, #tpu.memory_space<semaphore_mem>>
      %dma_start3A = arith.constant 3072 : i32
      %dma_start3A_45 = tpu.memref_slice %arg9[%dma_start3A] : memref<6144xi32, #tpu.memory_space<vmem>> -> memref<768xi32, #tpu.memory_space<vmem>>
      %dma_start3A_46 = tpu.memref_slice %arg11[%run_scoped3A_29, %mul3A_28] : memref<8x12288xi32, #tpu.memory_space<vmem_shared>> -> memref<1x768xi32, #tpu.memory_space<vmem_shared>>
      %dma_start3A_47 = tpu.memref_squeeze %dma_start3A_46 : memref<1x768xi32, #tpu.memory_space<vmem_shared>> -> memref<768xi32, #tpu.memory_space<vmem_shared>>
      %dma_start3A_48 = tpu.memref_slice %arg11[%run_scoped3A_29, %mul3A_28] : memref<8x12288xi32, #tpu.memory_space<vmem_shared>> -> memref<1x768xi32, #tpu.memory_space<vmem_shared>>
      %dma_start3A_49 = tpu.memref_squeeze %dma_start3A_48 : memref<1x768xi32, #tpu.memory_space<vmem_shared>> -> memref<768xi32, #tpu.memory_space<vmem_shared>>
      %dma_start3A_50 = arith.constant 3072 : i32
      %dma_start3A_51 = tpu.memref_slice %arg9[%dma_start3A_50] : memref<6144xi32, #tpu.memory_space<vmem>> -> memref<768xi32, #tpu.memory_space<vmem>>
      tpu.enqueue_dma source(%dma_start3A_51 : memref<768xi32, #tpu.memory_space<vmem>>) target(%dma_start3A_49 : memref<768xi32, #tpu.memory_space<vmem_shared>>) target_semaphore(%run_scoped3A_44 : memref<!tpu.dma_semaphore, #tpu.memory_space<semaphore_mem>>)
      %dma_wait3A = arith.constant 3072 : i32
      %dma_wait3A_52 = tpu.memref_slice %arg9[%dma_wait3A] : memref<6144xi32, #tpu.memory_space<vmem>> -> memref<768xi32, #tpu.memory_space<vmem>>
      %dma_wait3A_53 = tpu.memref_slice %arg11[%run_scoped3A_29, %mul3A_28] : memref<8x12288xi32, #tpu.memory_space<vmem_shared>> -> memref<1x768xi32, #tpu.memory_space<vmem_shared>>
      %dma_wait3A_54 = tpu.memref_squeeze %dma_wait3A_53 : memref<1x768xi32, #tpu.memory_space<vmem_shared>> -> memref<768xi32, #tpu.memory_space<vmem_shared>>
      %dma_wait3A_55 = tpu.memref_slice %arg11[%run_scoped3A_29, %mul3A_28] : memref<8x12288xi32, #tpu.memory_space<vmem_shared>> -> memref<1x768xi32, #tpu.memory_space<vmem_shared>>
      %dma_wait3A_56 = tpu.memref_squeeze %dma_wait3A_55 : memref<1x768xi32, #tpu.memory_space<vmem_shared>> -> memref<768xi32, #tpu.memory_space<vmem_shared>>
      %dma_wait3A_57 = arith.constant 3072 : i32
      %dma_wait3A_58 = tpu.memref_slice %arg9[%dma_wait3A_57] : memref<6144xi32, #tpu.memory_space<vmem>> -> memref<768xi32, #tpu.memory_space<vmem>>
      tpu.wait_dma2 semaphore(%run_scoped3A_44 : memref<!tpu.dma_semaphore, #tpu.memory_space<semaphore_mem>>) src(%dma_wait3A_58 : memref<768xi32, #tpu.memory_space<vmem>>) dst(%dma_wait3A_56 : memref<768xi32, #tpu.memory_space<vmem_shared>>)
      tpu.yield
    }) : () -> ()
    %mul3A_30 = arith.constant 768 : i32
    %mul3A_31 = arith.muli %arg1, %mul3A_30 : i32
    %run_scoped3A_32 = arith.constant 5 : i32
    "tpu.region"() ({
      %run_scoped3A_44 = tpu.sem_alloc : memref<!tpu.dma_semaphore, #tpu.memory_space<semaphore_mem>>
      %dma_start3A = arith.constant 3840 : i32
      %dma_start3A_45 = tpu.memref_slice %arg9[%dma_start3A] : memref<6144xi32, #tpu.memory_space<vmem>> -> memref<768xi32, #tpu.memory_space<vmem>>
      %dma_start3A_46 = tpu.memref_slice %arg11[%run_scoped3A_32, %mul3A_31] : memref<8x12288xi32, #tpu.memory_space<vmem_shared>> -> memref<1x768xi32, #tpu.memory_space<vmem_shared>>
      %dma_start3A_47 = tpu.memref_squeeze %dma_start3A_46 : memref<1x768xi32, #tpu.memory_space<vmem_shared>> -> memref<768xi32, #tpu.memory_space<vmem_shared>>
      %dma_start3A_48 = tpu.memref_slice %arg11[%run_scoped3A_32, %mul3A_31] : memref<8x12288xi32, #tpu.memory_space<vmem_shared>> -> memref<1x768xi32, #tpu.memory_space<vmem_shared>>
      %dma_start3A_49 = tpu.memref_squeeze %dma_start3A_48 : memref<1x768xi32, #tpu.memory_space<vmem_shared>> -> memref<768xi32, #tpu.memory_space<vmem_shared>>
      %dma_start3A_50 = arith.constant 3840 : i32
      %dma_start3A_51 = tpu.memref_slice %arg9[%dma_start3A_50] : memref<6144xi32, #tpu.memory_space<vmem>> -> memref<768xi32, #tpu.memory_space<vmem>>
      tpu.enqueue_dma source(%dma_start3A_51 : memref<768xi32, #tpu.memory_space<vmem>>) target(%dma_start3A_49 : memref<768xi32, #tpu.memory_space<vmem_shared>>) target_semaphore(%run_scoped3A_44 : memref<!tpu.dma_semaphore, #tpu.memory_space<semaphore_mem>>)
      %dma_wait3A = arith.constant 3840 : i32
      %dma_wait3A_52 = tpu.memref_slice %arg9[%dma_wait3A] : memref<6144xi32, #tpu.memory_space<vmem>> -> memref<768xi32, #tpu.memory_space<vmem>>
      %dma_wait3A_53 = tpu.memref_slice %arg11[%run_scoped3A_32, %mul3A_31] : memref<8x12288xi32, #tpu.memory_space<vmem_shared>> -> memref<1x768xi32, #tpu.memory_space<vmem_shared>>
      %dma_wait3A_54 = tpu.memref_squeeze %dma_wait3A_53 : memref<1x768xi32, #tpu.memory_space<vmem_shared>> -> memref<768xi32, #tpu.memory_space<vmem_shared>>
      %dma_wait3A_55 = tpu.memref_slice %arg11[%run_scoped3A_32, %mul3A_31] : memref<8x12288xi32, #tpu.memory_space<vmem_shared>> -> memref<1x768xi32, #tpu.memory_space<vmem_shared>>
      %dma_wait3A_56 = tpu.memref_squeeze %dma_wait3A_55 : memref<1x768xi32, #tpu.memory_space<vmem_shared>> -> memref<768xi32, #tpu.memory_space<vmem_shared>>
      %dma_wait3A_57 = arith.constant 3840 : i32
      %dma_wait3A_58 = tpu.memref_slice %arg9[%dma_wait3A_57] : memref<6144xi32, #tpu.memory_space<vmem>> -> memref<768xi32, #tpu.memory_space<vmem>>
      tpu.wait_dma2 semaphore(%run_scoped3A_44 : memref<!tpu.dma_semaphore, #tpu.memory_space<semaphore_mem>>) src(%dma_wait3A_58 : memref<768xi32, #tpu.memory_space<vmem>>) dst(%dma_wait3A_56 : memref<768xi32, #tpu.memory_space<vmem_shared>>)
      tpu.yield
    }) : () -> ()
    %mul3A_33 = arith.constant 768 : i32
    %mul3A_34 = arith.muli %arg1, %mul3A_33 : i32
    %run_scoped3A_35 = arith.constant 6 : i32
    "tpu.region"() ({
      %run_scoped3A_44 = tpu.sem_alloc : memref<!tpu.dma_semaphore, #tpu.memory_space<semaphore_mem>>
      %dma_start3A = arith.constant 4608 : i32
      %dma_start3A_45 = tpu.memref_slice %arg9[%dma_start3A] : memref<6144xi32, #tpu.memory_space<vmem>> -> memref<768xi32, #tpu.memory_space<vmem>>
      %dma_start3A_46 = tpu.memref_slice %arg11[%run_scoped3A_35, %mul3A_34] : memref<8x12288xi32, #tpu.memory_space<vmem_shared>> -> memref<1x768xi32, #tpu.memory_space<vmem_shared>>
      %dma_start3A_47 = tpu.memref_squeeze %dma_start3A_46 : memref<1x768xi32, #tpu.memory_space<vmem_shared>> -> memref<768xi32, #tpu.memory_space<vmem_shared>>
      %dma_start3A_48 = tpu.memref_slice %arg11[%run_scoped3A_35, %mul3A_34] : memref<8x12288xi32, #tpu.memory_space<vmem_shared>> -> memref<1x768xi32, #tpu.memory_space<vmem_shared>>
      %dma_start3A_49 = tpu.memref_squeeze %dma_start3A_48 : memref<1x768xi32, #tpu.memory_space<vmem_shared>> -> memref<768xi32, #tpu.memory_space<vmem_shared>>
      %dma_start3A_50 = arith.constant 4608 : i32
      %dma_start3A_51 = tpu.memref_slice %arg9[%dma_start3A_50] : memref<6144xi32, #tpu.memory_space<vmem>> -> memref<768xi32, #tpu.memory_space<vmem>>
      tpu.enqueue_dma source(%dma_start3A_51 : memref<768xi32, #tpu.memory_space<vmem>>) target(%dma_start3A_49 : memref<768xi32, #tpu.memory_space<vmem_shared>>) target_semaphore(%run_scoped3A_44 : memref<!tpu.dma_semaphore, #tpu.memory_space<semaphore_mem>>)
      %dma_wait3A = arith.constant 4608 : i32
      %dma_wait3A_52 = tpu.memref_slice %arg9[%dma_wait3A] : memref<6144xi32, #tpu.memory_space<vmem>> -> memref<768xi32, #tpu.memory_space<vmem>>
      %dma_wait3A_53 = tpu.memref_slice %arg11[%run_scoped3A_35, %mul3A_34] : memref<8x12288xi32, #tpu.memory_space<vmem_shared>> -> memref<1x768xi32, #tpu.memory_space<vmem_shared>>
      %dma_wait3A_54 = tpu.memref_squeeze %dma_wait3A_53 : memref<1x768xi32, #tpu.memory_space<vmem_shared>> -> memref<768xi32, #tpu.memory_space<vmem_shared>>
      %dma_wait3A_55 = tpu.memref_slice %arg11[%run_scoped3A_35, %mul3A_34] : memref<8x12288xi32, #tpu.memory_space<vmem_shared>> -> memref<1x768xi32, #tpu.memory_space<vmem_shared>>
      %dma_wait3A_56 = tpu.memref_squeeze %dma_wait3A_55 : memref<1x768xi32, #tpu.memory_space<vmem_shared>> -> memref<768xi32, #tpu.memory_space<vmem_shared>>
      %dma_wait3A_57 = arith.constant 4608 : i32
      %dma_wait3A_58 = tpu.memref_slice %arg9[%dma_wait3A_57] : memref<6144xi32, #tpu.memory_space<vmem>> -> memref<768xi32, #tpu.memory_space<vmem>>
      tpu.wait_dma2 semaphore(%run_scoped3A_44 : memref<!tpu.dma_semaphore, #tpu.memory_space<semaphore_mem>>) src(%dma_wait3A_58 : memref<768xi32, #tpu.memory_space<vmem>>) dst(%dma_wait3A_56 : memref<768xi32, #tpu.memory_space<vmem_shared>>)
      tpu.yield
    }) : () -> ()
    %mul3A_36 = arith.constant 768 : i32
    %mul3A_37 = arith.muli %arg1, %mul3A_36 : i32
    %run_scoped3A_38 = arith.constant 7 : i32
    "tpu.region"() ({
      %run_scoped3A_44 = tpu.sem_alloc : memref<!tpu.dma_semaphore, #tpu.memory_space<semaphore_mem>>
      %dma_start3A = arith.constant 5376 : i32
      %dma_start3A_45 = tpu.memref_slice %arg9[%dma_start3A] : memref<6144xi32, #tpu.memory_space<vmem>> -> memref<768xi32, #tpu.memory_space<vmem>>
      %dma_start3A_46 = tpu.memref_slice %arg11[%run_scoped3A_38, %mul3A_37] : memref<8x12288xi32, #tpu.memory_space<vmem_shared>> -> memref<1x768xi32, #tpu.memory_space<vmem_shared>>
      %dma_start3A_47 = tpu.memref_squeeze %dma_start3A_46 : memref<1x768xi32, #tpu.memory_space<vmem_shared>> -> memref<768xi32, #tpu.memory_space<vmem_shared>>
      %dma_start3A_48 = tpu.memref_slice %arg11[%run_scoped3A_38, %mul3A_37] : memref<8x12288xi32, #tpu.memory_space<vmem_shared>> -> memref<1x768xi32, #tpu.memory_space<vmem_shared>>
      %dma_start3A_49 = tpu.memref_squeeze %dma_start3A_48 : memref<1x768xi32, #tpu.memory_space<vmem_shared>> -> memref<768xi32, #tpu.memory_space<vmem_shared>>
      %dma_start3A_50 = arith.constant 5376 : i32
      %dma_start3A_51 = tpu.memref_slice %arg9[%dma_start3A_50] : memref<6144xi32, #tpu.memory_space<vmem>> -> memref<768xi32, #tpu.memory_space<vmem>>
      tpu.enqueue_dma source(%dma_start3A_51 : memref<768xi32, #tpu.memory_space<vmem>>) target(%dma_start3A_49 : memref<768xi32, #tpu.memory_space<vmem_shared>>) target_semaphore(%run_scoped3A_44 : memref<!tpu.dma_semaphore, #tpu.memory_space<semaphore_mem>>)
      %dma_wait3A = arith.constant 5376 : i32
      %dma_wait3A_52 = tpu.memref_slice %arg9[%dma_wait3A] : memref<6144xi32, #tpu.memory_space<vmem>> -> memref<768xi32, #tpu.memory_space<vmem>>
      %dma_wait3A_53 = tpu.memref_slice %arg11[%run_scoped3A_38, %mul3A_37] : memref<8x12288xi32, #tpu.memory_space<vmem_shared>> -> memref<1x768xi32, #tpu.memory_space<vmem_shared>>
      %dma_wait3A_54 = tpu.memref_squeeze %dma_wait3A_53 : memref<1x768xi32, #tpu.memory_space<vmem_shared>> -> memref<768xi32, #tpu.memory_space<vmem_shared>>
      %dma_wait3A_55 = tpu.memref_slice %arg11[%run_scoped3A_38, %mul3A_37] : memref<8x12288xi32, #tpu.memory_space<vmem_shared>> -> memref<1x768xi32, #tpu.memory_space<vmem_shared>>
      %dma_wait3A_56 = tpu.memref_squeeze %dma_wait3A_55 : memref<1x768xi32, #tpu.memory_space<vmem_shared>> -> memref<768xi32, #tpu.memory_space<vmem_shared>>
      %dma_wait3A_57 = arith.constant 5376 : i32
      %dma_wait3A_58 = tpu.memref_slice %arg9[%dma_wait3A_57] : memref<6144xi32, #tpu.memory_space<vmem>> -> memref<768xi32, #tpu.memory_space<vmem>>
      tpu.wait_dma2 semaphore(%run_scoped3A_44 : memref<!tpu.dma_semaphore, #tpu.memory_space<semaphore_mem>>) src(%dma_wait3A_58 : memref<768xi32, #tpu.memory_space<vmem>>) dst(%dma_wait3A_56 : memref<768xi32, #tpu.memory_space<vmem_shared>>)
      tpu.yield
    }) : () -> ()
    %barrier3A = arith.constant 0 : index
    tpu.barrier barrier_id(%barrier3A)
    %scan3A_39 = arith.constant 0 : i32
    %scan3A_40 = arith.constant 8 : i32
    %scan3A_41 = arith.addi %scan3A_39, %scan3A_40 : i32
    %scan3A_42 = arith.constant 1 : i32
    scf.for %scan3A_44 = %scan3A_39 to %scan3A_41 step %scan3A_42  : i32 {
      %mul3A_45 = arith.constant 32 : i32
      %mul3A_46 = arith.muli %scan3A_44, %mul3A_45 : i32
      %add3A_47 = arith.addi %mul3A_46, %add3A : i32
      %mul3A_48 = arith.constant 16 : i32
      %mul3A_49 = arith.muli %add3A_47, %mul3A_48 : i32
      "tpu.region"() ({
        %run_scoped3A_62 = tpu.sem_alloc : memref<!tpu.dma_semaphore, #tpu.memory_space<semaphore_mem>>
        %dma_start3A = arith.constant 0 : i32
        %dma_start3A_63 = tpu.memref_slice %arg11[%scan3A_44, %dma_start3A] : memref<8x12288xi32, #tpu.memory_space<vmem_shared>> -> memref<1x12288xi32, #tpu.memory_space<vmem_shared>>
        %dma_start3A_64 = tpu.memref_squeeze %dma_start3A_63 : memref<1x12288xi32, #tpu.memory_space<vmem_shared>> -> memref<12288xi32, #tpu.memory_space<vmem_shared>>
        %dma_start3A_65 = arith.constant 0 : i32
        %dma_start3A_66 = tpu.memref_slice %arg11[%scan3A_44, %dma_start3A_65] : memref<8x12288xi32, #tpu.memory_space<vmem_shared>> -> memref<1x12288xi32, #tpu.memory_space<vmem_shared>>
        %dma_start3A_67 = tpu.memref_squeeze %dma_start3A_66 : memref<1x12288xi32, #tpu.memory_space<vmem_shared>> -> memref<12288xi32, #tpu.memory_space<vmem_shared>>
        tpu.enqueue_dma source(%dma_start3A_67 : memref<12288xi32, #tpu.memory_space<vmem_shared>>) target(%arg10 : memref<12288xi32, #tpu.memory_space<vmem>>) target_semaphore(%run_scoped3A_62 : memref<!tpu.dma_semaphore, #tpu.memory_space<semaphore_mem>>)
        %dma_wait3A = arith.constant 0 : i32
        %dma_wait3A_68 = tpu.memref_slice %arg11[%scan3A_44, %dma_wait3A] : memref<8x12288xi32, #tpu.memory_space<vmem_shared>> -> memref<1x12288xi32, #tpu.memory_space<vmem_shared>>
        %dma_wait3A_69 = tpu.memref_squeeze %dma_wait3A_68 : memref<1x12288xi32, #tpu.memory_space<vmem_shared>> -> memref<12288xi32, #tpu.memory_space<vmem_shared>>
        %dma_wait3A_70 = arith.constant 0 : i32
        %dma_wait3A_71 = tpu.memref_slice %arg11[%scan3A_44, %dma_wait3A_70] : memref<8x12288xi32, #tpu.memory_space<vmem_shared>> -> memref<1x12288xi32, #tpu.memory_space<vmem_shared>>
        %dma_wait3A_72 = tpu.memref_squeeze %dma_wait3A_71 : memref<1x12288xi32, #tpu.memory_space<vmem_shared>> -> memref<12288xi32, #tpu.memory_space<vmem_shared>>
        tpu.wait_dma2 semaphore(%run_scoped3A_62 : memref<!tpu.dma_semaphore, #tpu.memory_space<semaphore_mem>>) src(%dma_wait3A_72 : memref<12288xi32, #tpu.memory_space<vmem_shared>>) dst(%arg10 : memref<12288xi32, #tpu.memory_space<vmem>>)
        tpu.yield
      }) : () -> ()
      %scan3A_50 = arith.constant 0 : i32
      %scan3A_51 = arith.constant 512 : i32
      %scan3A_52 = arith.addi %scan3A_50, %scan3A_51 : i32
      %scan3A_53 = arith.constant 1 : i32
      scf.for %scan3A_62 = %scan3A_50 to %scan3A_52 step %scan3A_53  : i32 {
        %broadcast_in_dim3A_63 = arith.constant 0.000000e+00 : f32
        %broadcast_in_dim3A_64 = vector.broadcast %broadcast_in_dim3A_63 : f32 to vector<16xf32>
        %mul3A_65 = arith.constant 8 : i32
        %mul3A_66 = arith.muli %scan3A_62, %mul3A_65 : i32
        %add3A_67 = arith.constant 0 : i32
        %add3A_68 = arith.addi %mul3A_66, %add3A_67 : i32
        %mul3A_69 = arith.constant 16 : i32
        %mul3A_70 = arith.muli %add3A_68, %mul3A_69 : i32
        %swap3A = arith.index_cast %mul3A_70 : i32 to index
        %swap3A_71 = tpu.vector_load %arg6[%swap3A] {strides = array<i32>} : memref<65536xf32, #tpu.memory_space<vmem>>, vector<16xf32>,
        tpu.vector_store %arg6[%swap3A], %broadcast_in_dim3A_64 {strides = array<i32>} : memref<65536xf32, #tpu.memory_space<vmem>>, vector<16xf32>,
        %broadcast_in_dim3A_72 = arith.constant 0.000000e+00 : f32
        %broadcast_in_dim3A_73 = vector.broadcast %broadcast_in_dim3A_72 : f32 to vector<16xf32>
        %mul3A_74 = arith.constant 8 : i32
        %mul3A_75 = arith.muli %scan3A_62, %mul3A_74 : i32
        %add3A_76 = arith.constant 1 : i32
        %add3A_77 = arith.addi %mul3A_75, %add3A_76 : i32
        %mul3A_78 = arith.constant 16 : i32
        %mul3A_79 = arith.muli %add3A_77, %mul3A_78 : i32
        %swap3A_80 = arith.index_cast %mul3A_79 : i32 to index
        %swap3A_81 = tpu.vector_load %arg6[%swap3A_80] {strides = array<i32>} : memref<65536xf32, #tpu.memory_space<vmem>>, vector<16xf32>,
        tpu.vector_store %arg6[%swap3A_80], %broadcast_in_dim3A_73 {strides = array<i32>} : memref<65536xf32, #tpu.memory_space<vmem>>, vector<16xf32>,
        %broadcast_in_dim3A_82 = arith.constant 0.000000e+00 : f32
        %broadcast_in_dim3A_83 = vector.broadcast %broadcast_in_dim3A_82 : f32 to vector<16xf32>
        %mul3A_84 = arith.constant 8 : i32
        %mul3A_85 = arith.muli %scan3A_62, %mul3A_84 : i32
        %add3A_86 = arith.constant 2 : i32
        %add3A_87 = arith.addi %mul3A_85, %add3A_86 : i32
        %mul3A_88 = arith.constant 16 : i32
        %mul3A_89 = arith.muli %add3A_87, %mul3A_88 : i32
        %swap3A_90 = arith.index_cast %mul3A_89 : i32 to index
        %swap3A_91 = tpu.vector_load %arg6[%swap3A_90] {strides = array<i32>} : memref<65536xf32, #tpu.memory_space<vmem>>, vector<16xf32>,
        tpu.vector_store %arg6[%swap3A_90], %broadcast_in_dim3A_83 {strides = array<i32>} : memref<65536xf32, #tpu.memory_space<vmem>>, vector<16xf32>,
        %broadcast_in_dim3A_92 = arith.constant 0.000000e+00 : f32
        %broadcast_in_dim3A_93 = vector.broadcast %broadcast_in_dim3A_92 : f32 to vector<16xf32>
        %mul3A_94 = arith.constant 8 : i32
        %mul3A_95 = arith.muli %scan3A_62, %mul3A_94 : i32
        %add3A_96 = arith.constant 3 : i32
        %add3A_97 = arith.addi %mul3A_95, %add3A_96 : i32
        %mul3A_98 = arith.constant 16 : i32
        %mul3A_99 = arith.muli %add3A_97, %mul3A_98 : i32
        %swap3A_100 = arith.index_cast %mul3A_99 : i32 to index
        %swap3A_101 = tpu.vector_load %arg6[%swap3A_100] {strides = array<i32>} : memref<65536xf32, #tpu.memory_space<vmem>>, vector<16xf32>,
        tpu.vector_store %arg6[%swap3A_100], %broadcast_in_dim3A_93 {strides = array<i32>} : memref<65536xf32, #tpu.memory_space<vmem>>, vector<16xf32>,
        %broadcast_in_dim3A_102 = arith.constant 0.000000e+00 : f32
        %broadcast_in_dim3A_103 = vector.broadcast %broadcast_in_dim3A_102 : f32 to vector<16xf32>
        %mul3A_104 = arith.constant 8 : i32
        %mul3A_105 = arith.muli %scan3A_62, %mul3A_104 : i32
        %add3A_106 = arith.constant 4 : i32
        %add3A_107 = arith.addi %mul3A_105, %add3A_106 : i32
        %mul3A_108 = arith.constant 16 : i32
        %mul3A_109 = arith.muli %add3A_107, %mul3A_108 : i32
        %swap3A_110 = arith.index_cast %mul3A_109 : i32 to index
        %swap3A_111 = tpu.vector_load %arg6[%swap3A_110] {strides = array<i32>} : memref<65536xf32, #tpu.memory_space<vmem>>, vector<16xf32>,
        tpu.vector_store %arg6[%swap3A_110], %broadcast_in_dim3A_103 {strides = array<i32>} : memref<65536xf32, #tpu.memory_space<vmem>>, vector<16xf32>,
        %broadcast_in_dim3A_112 = arith.constant 0.000000e+00 : f32
        %broadcast_in_dim3A_113 = vector.broadcast %broadcast_in_dim3A_112 : f32 to vector<16xf32>
        %mul3A_114 = arith.constant 8 : i32
        %mul3A_115 = arith.muli %scan3A_62, %mul3A_114 : i32
        %add3A_116 = arith.constant 5 : i32
        %add3A_117 = arith.addi %mul3A_115, %add3A_116 : i32
        %mul3A_118 = arith.constant 16 : i32
        %mul3A_119 = arith.muli %add3A_117, %mul3A_118 : i32
        %swap3A_120 = arith.index_cast %mul3A_119 : i32 to index
        %swap3A_121 = tpu.vector_load %arg6[%swap3A_120] {strides = array<i32>} : memref<65536xf32, #tpu.memory_space<vmem>>, vector<16xf32>,
        tpu.vector_store %arg6[%swap3A_120], %broadcast_in_dim3A_113 {strides = array<i32>} : memref<65536xf32, #tpu.memory_space<vmem>>, vector<16xf32>,
        %broadcast_in_dim3A_122 = arith.constant 0.000000e+00 : f32
        %broadcast_in_dim3A_123 = vector.broadcast %broadcast_in_dim3A_122 : f32 to vector<16xf32>
        %mul3A_124 = arith.constant 8 : i32
        %mul3A_125 = arith.muli %scan3A_62, %mul3A_124 : i32
        %add3A_126 = arith.constant 6 : i32
        %add3A_127 = arith.addi %mul3A_125, %add3A_126 : i32
        %mul3A_128 = arith.constant 16 : i32
        %mul3A_129 = arith.muli %add3A_127, %mul3A_128 : i32
        %swap3A_130 = arith.index_cast %mul3A_129 : i32 to index
        %swap3A_131 = tpu.vector_load %arg6[%swap3A_130] {strides = array<i32>} : memref<65536xf32, #tpu.memory_space<vmem>>, vector<16xf32>,
        tpu.vector_store %arg6[%swap3A_130], %broadcast_in_dim3A_123 {strides = array<i32>} : memref<65536xf32, #tpu.memory_space<vmem>>, vector<16xf32>,
        %broadcast_in_dim3A_132 = arith.constant 0.000000e+00 : f32
        %broadcast_in_dim3A_133 = vector.broadcast %broadcast_in_dim3A_132 : f32 to vector<16xf32>
        %mul3A_134 = arith.constant 8 : i32
        %mul3A_135 = arith.muli %scan3A_62, %mul3A_134 : i32
        %add3A_136 = arith.constant 7 : i32
        %add3A_137 = arith.addi %mul3A_135, %add3A_136 : i32
        %mul3A_138 = arith.constant 16 : i32
        %mul3A_139 = arith.muli %add3A_137, %mul3A_138 : i32
        %swap3A_140 = arith.index_cast %mul3A_139 : i32 to index
        %swap3A_141 = tpu.vector_load %arg6[%swap3A_140] {strides = array<i32>} : memref<65536xf32, #tpu.memory_space<vmem>>, vector<16xf32>,
        tpu.vector_store %arg6[%swap3A_140], %broadcast_in_dim3A_133 {strides = array<i32>} : memref<65536xf32, #tpu.memory_space<vmem>>, vector<16xf32>,
      }
      %scan3A_54 = arith.constant 512 : i32
      %scan3A_55 = arith.constant 0 : i32
      %scan3A_56 = arith.constant 96 : i32
      %scan3A_57 = arith.addi %scan3A_55, %scan3A_56 : i32
      %scan3A_58 = arith.constant 1 : i32
      scf.for %scan3A_62 = %scan3A_55 to %scan3A_57 step %scan3A_58  : i32 {
        %mul3A_63 = arith.constant 8 : i32
        %mul3A_64 = arith.muli %scan3A_62, %mul3A_63 : i32
        %add3A_65 = arith.constant 0 : i32
        %add3A_66 = arith.addi %mul3A_64, %add3A_65 : i32
        %mul3A_67 = arith.constant 16 : i32
        %mul3A_68 = arith.muli %add3A_66, %mul3A_67 : i32
        %get3A = arith.index_cast %mul3A_68 : i32 to index
        %get3A_69 = tpu.vector_load %arg10[%get3A] {strides = array<i32>} : memref<12288xi32, #tpu.memory_space<vmem>>, vector<16xi32>,
        %shift_right_arithmetic3A = arith.constant 12 : i32
        %shift_right_arithmetic3A_70 = vector.broadcast %shift_right_arithmetic3A : i32 to vector<16xi32>
        %shift_right_arithmetic3A_71 = arith.shrsi %get3A_69, %shift_right_arithmetic3A_70 : vector<16xi32>
        %sub3A = vector.broadcast %mul3A_49 : i32 to vector<16xi32>
        %sub3A_72 = arith.subi %shift_right_arithmetic3A_71, %sub3A : vector<16xi32>
        %ge3A = arith.constant 0 : i32
        %ge3A_73 = vector.broadcast %ge3A : i32 to vector<16xi32>
        %ge3A_74 = arith.cmpi sge, %get3A_69, %ge3A_73 : vector<16xi32>
        %ge3A_75 = arith.constant 0 : i32
        %ge3A_76 = vector.broadcast %ge3A_75 : i32 to vector<16xi32>
        %ge3A_77 = arith.cmpi sge, %sub3A_72, %ge3A_76 : vector<16xi32>
        %and3A = arith.andi %ge3A_74, %ge3A_77 : vector<16xi1>
        %lt3A = arith.constant 16 : i32
        %lt3A_78 = vector.broadcast %lt3A : i32 to vector<16xi32>
        %lt3A_79 = arith.cmpi slt, %sub3A_72, %lt3A_78 : vector<16xi32>
        %and3A_80 = arith.andi %and3A, %lt3A_79 : vector<16xi1>
        %mul3A_81 = arith.constant 4096 : i32
        %mul3A_82 = vector.broadcast %mul3A_81 : i32 to vector<16xi32>
        %mul3A_83 = arith.muli %sub3A_72, %mul3A_82 : vector<16xi32>
        %and3A_84 = arith.constant 4095 : i32
        %and3A_85 = vector.broadcast %and3A_84 : i32 to vector<16xi32>
        %and3A_86 = arith.andi %get3A_69, %and3A_85 : vector<16xi32>
        %add3A_87 = arith.addi %mul3A_83, %and3A_86 : vector<16xi32>
        %jit3A = arith.constant 0 : i32
        %broadcast_in_dim3A_88 = vector.broadcast %jit3A : i32 to vector<16xi32>
        %select_n3A = arith.select %and3A_80, %add3A_87, %broadcast_in_dim3A_88 : vector<16xi1>, vector<16xi32>
        %jit3A_89 = arith.constant 1.000000e+00 : f32
        %jit3A_90 = arith.constant 0.000000e+00 : f32
        %broadcast_in_dim3A_91 = vector.broadcast %jit3A_89 : f32 to vector<16xf32>
        %broadcast_in_dim3A_92 = vector.broadcast %jit3A_90 : f32 to vector<16xf32>
        %select_n3A_93 = arith.select %and3A_80, %broadcast_in_dim3A_91, %broadcast_in_dim3A_92 : vector<16xi1>, vector<16xf32>
        tpu.vector_store_idx %arg6[%select_n3A], %select_n3A_93 {add = true} : memref<65536xf32, #tpu.memory_space<vmem>>[vector<16xi32>], vector<16xf32>,
        %mul3A_94 = arith.constant 8 : i32
        %mul3A_95 = arith.muli %scan3A_62, %mul3A_94 : i32
        %add3A_96 = arith.constant 1 : i32
        %add3A_97 = arith.addi %mul3A_95, %add3A_96 : i32
        %mul3A_98 = arith.constant 16 : i32
        %mul3A_99 = arith.muli %add3A_97, %mul3A_98 : i32
        %get3A_100 = arith.index_cast %mul3A_99 : i32 to index
        %get3A_101 = tpu.vector_load %arg10[%get3A_100] {strides = array<i32>} : memref<12288xi32, #tpu.memory_space<vmem>>, vector<16xi32>,
        %shift_right_arithmetic3A_102 = arith.constant 12 : i32
        %shift_right_arithmetic3A_103 = vector.broadcast %shift_right_arithmetic3A_102 : i32 to vector<16xi32>
        %shift_right_arithmetic3A_104 = arith.shrsi %get3A_101, %shift_right_arithmetic3A_103 : vector<16xi32>
        %sub3A_105 = vector.broadcast %mul3A_49 : i32 to vector<16xi32>
        %sub3A_106 = arith.subi %shift_right_arithmetic3A_104, %sub3A_105 : vector<16xi32>
        %ge3A_107 = arith.constant 0 : i32
        %ge3A_108 = vector.broadcast %ge3A_107 : i32 to vector<16xi32>
        %ge3A_109 = arith.cmpi sge, %get3A_101, %ge3A_108 : vector<16xi32>
        %ge3A_110 = arith.constant 0 : i32
        %ge3A_111 = vector.broadcast %ge3A_110 : i32 to vector<16xi32>
        %ge3A_112 = arith.cmpi sge, %sub3A_106, %ge3A_111 : vector<16xi32>
        %and3A_113 = arith.andi %ge3A_109, %ge3A_112 : vector<16xi1>
        %lt3A_114 = arith.constant 16 : i32
        %lt3A_115 = vector.broadcast %lt3A_114 : i32 to vector<16xi32>
        %lt3A_116 = arith.cmpi slt, %sub3A_106, %lt3A_115 : vector<16xi32>
        %and3A_117 = arith.andi %and3A_113, %lt3A_116 : vector<16xi1>
        %mul3A_118 = arith.constant 4096 : i32
        %mul3A_119 = vector.broadcast %mul3A_118 : i32 to vector<16xi32>
        %mul3A_120 = arith.muli %sub3A_106, %mul3A_119 : vector<16xi32>
        %and3A_121 = arith.constant 4095 : i32
        %and3A_122 = vector.broadcast %and3A_121 : i32 to vector<16xi32>
        %and3A_123 = arith.andi %get3A_101, %and3A_122 : vector<16xi32>
        %add3A_124 = arith.addi %mul3A_120, %and3A_123 : vector<16xi32>
        %jit3A_125 = arith.constant 0 : i32
        %broadcast_in_dim3A_126 = vector.broadcast %jit3A_125 : i32 to vector<16xi32>
        %select_n3A_127 = arith.select %and3A_117, %add3A_124, %broadcast_in_dim3A_126 : vector<16xi1>, vector<16xi32>
        %jit3A_128 = arith.constant 1.000000e+00 : f32
        %jit3A_129 = arith.constant 0.000000e+00 : f32
        %broadcast_in_dim3A_130 = vector.broadcast %jit3A_128 : f32 to vector<16xf32>
        %broadcast_in_dim3A_131 = vector.broadcast %jit3A_129 : f32 to vector<16xf32>
        %select_n3A_132 = arith.select %and3A_117, %broadcast_in_dim3A_130, %broadcast_in_dim3A_131 : vector<16xi1>, vector<16xf32>
        tpu.vector_store_idx %arg6[%select_n3A_127], %select_n3A_132 {add = true} : memref<65536xf32, #tpu.memory_space<vmem>>[vector<16xi32>], vector<16xf32>,
        %mul3A_133 = arith.constant 8 : i32
        %mul3A_134 = arith.muli %scan3A_62, %mul3A_133 : i32
        %add3A_135 = arith.constant 2 : i32
        %add3A_136 = arith.addi %mul3A_134, %add3A_135 : i32
        %mul3A_137 = arith.constant 16 : i32
        %mul3A_138 = arith.muli %add3A_136, %mul3A_137 : i32
        %get3A_139 = arith.index_cast %mul3A_138 : i32 to index
        %get3A_140 = tpu.vector_load %arg10[%get3A_139] {strides = array<i32>} : memref<12288xi32, #tpu.memory_space<vmem>>, vector<16xi32>,
        %shift_right_arithmetic3A_141 = arith.constant 12 : i32
        %shift_right_arithmetic3A_142 = vector.broadcast %shift_right_arithmetic3A_141 : i32 to vector<16xi32>
        %shift_right_arithmetic3A_143 = arith.shrsi %get3A_140, %shift_right_arithmetic3A_142 : vector<16xi32>
        %sub3A_144 = vector.broadcast %mul3A_49 : i32 to vector<16xi32>
        %sub3A_145 = arith.subi %shift_right_arithmetic3A_143, %sub3A_144 : vector<16xi32>
        %ge3A_146 = arith.constant 0 : i32
        %ge3A_147 = vector.broadcast %ge3A_146 : i32 to vector<16xi32>
        %ge3A_148 = arith.cmpi sge, %get3A_140, %ge3A_147 : vector<16xi32>
        %ge3A_149 = arith.constant 0 : i32
        %ge3A_150 = vector.broadcast %ge3A_149 : i32 to vector<16xi32>
        %ge3A_151 = arith.cmpi sge, %sub3A_145, %ge3A_150 : vector<16xi32>
        %and3A_152 = arith.andi %ge3A_148, %ge3A_151 : vector<16xi1>
        %lt3A_153 = arith.constant 16 : i32
        %lt3A_154 = vector.broadcast %lt3A_153 : i32 to vector<16xi32>
        %lt3A_155 = arith.cmpi slt, %sub3A_145, %lt3A_154 : vector<16xi32>
        %and3A_156 = arith.andi %and3A_152, %lt3A_155 : vector<16xi1>
        %mul3A_157 = arith.constant 4096 : i32
        %mul3A_158 = vector.broadcast %mul3A_157 : i32 to vector<16xi32>
        %mul3A_159 = arith.muli %sub3A_145, %mul3A_158 : vector<16xi32>
        %and3A_160 = arith.constant 4095 : i32
        %and3A_161 = vector.broadcast %and3A_160 : i32 to vector<16xi32>
        %and3A_162 = arith.andi %get3A_140, %and3A_161 : vector<16xi32>
        %add3A_163 = arith.addi %mul3A_159, %and3A_162 : vector<16xi32>
        %jit3A_164 = arith.constant 0 : i32
        %broadcast_in_dim3A_165 = vector.broadcast %jit3A_164 : i32 to vector<16xi32>
        %select_n3A_166 = arith.select %and3A_156, %add3A_163, %broadcast_in_dim3A_165 : vector<16xi1>, vector<16xi32>
        %jit3A_167 = arith.constant 1.000000e+00 : f32
        %jit3A_168 = arith.constant 0.000000e+00 : f32
        %broadcast_in_dim3A_169 = vector.broadcast %jit3A_167 : f32 to vector<16xf32>
        %broadcast_in_dim3A_170 = vector.broadcast %jit3A_168 : f32 to vector<16xf32>
        %select_n3A_171 = arith.select %and3A_156, %broadcast_in_dim3A_169, %broadcast_in_dim3A_170 : vector<16xi1>, vector<16xf32>
        tpu.vector_store_idx %arg6[%select_n3A_166], %select_n3A_171 {add = true} : memref<65536xf32, #tpu.memory_space<vmem>>[vector<16xi32>], vector<16xf32>,
        %mul3A_172 = arith.constant 8 : i32
        %mul3A_173 = arith.muli %scan3A_62, %mul3A_172 : i32
        %add3A_174 = arith.constant 3 : i32
        %add3A_175 = arith.addi %mul3A_173, %add3A_174 : i32
        %mul3A_176 = arith.constant 16 : i32
        %mul3A_177 = arith.muli %add3A_175, %mul3A_176 : i32
        %get3A_178 = arith.index_cast %mul3A_177 : i32 to index
        %get3A_179 = tpu.vector_load %arg10[%get3A_178] {strides = array<i32>} : memref<12288xi32, #tpu.memory_space<vmem>>, vector<16xi32>,
        %shift_right_arithmetic3A_180 = arith.constant 12 : i32
        %shift_right_arithmetic3A_181 = vector.broadcast %shift_right_arithmetic3A_180 : i32 to vector<16xi32>
        %shift_right_arithmetic3A_182 = arith.shrsi %get3A_179, %shift_right_arithmetic3A_181 : vector<16xi32>
        %sub3A_183 = vector.broadcast %mul3A_49 : i32 to vector<16xi32>
        %sub3A_184 = arith.subi %shift_right_arithmetic3A_182, %sub3A_183 : vector<16xi32>
        %ge3A_185 = arith.constant 0 : i32
        %ge3A_186 = vector.broadcast %ge3A_185 : i32 to vector<16xi32>
        %ge3A_187 = arith.cmpi sge, %get3A_179, %ge3A_186 : vector<16xi32>
        %ge3A_188 = arith.constant 0 : i32
        %ge3A_189 = vector.broadcast %ge3A_188 : i32 to vector<16xi32>
        %ge3A_190 = arith.cmpi sge, %sub3A_184, %ge3A_189 : vector<16xi32>
        %and3A_191 = arith.andi %ge3A_187, %ge3A_190 : vector<16xi1>
        %lt3A_192 = arith.constant 16 : i32
        %lt3A_193 = vector.broadcast %lt3A_192 : i32 to vector<16xi32>
        %lt3A_194 = arith.cmpi slt, %sub3A_184, %lt3A_193 : vector<16xi32>
        %and3A_195 = arith.andi %and3A_191, %lt3A_194 : vector<16xi1>
        %mul3A_196 = arith.constant 4096 : i32
        %mul3A_197 = vector.broadcast %mul3A_196 : i32 to vector<16xi32>
        %mul3A_198 = arith.muli %sub3A_184, %mul3A_197 : vector<16xi32>
        %and3A_199 = arith.constant 4095 : i32
        %and3A_200 = vector.broadcast %and3A_199 : i32 to vector<16xi32>
        %and3A_201 = arith.andi %get3A_179, %and3A_200 : vector<16xi32>
        %add3A_202 = arith.addi %mul3A_198, %and3A_201 : vector<16xi32>
        %jit3A_203 = arith.constant 0 : i32
        %broadcast_in_dim3A_204 = vector.broadcast %jit3A_203 : i32 to vector<16xi32>
        %select_n3A_205 = arith.select %and3A_195, %add3A_202, %broadcast_in_dim3A_204 : vector<16xi1>, vector<16xi32>
        %jit3A_206 = arith.constant 1.000000e+00 : f32
        %jit3A_207 = arith.constant 0.000000e+00 : f32
        %broadcast_in_dim3A_208 = vector.broadcast %jit3A_206 : f32 to vector<16xf32>
        %broadcast_in_dim3A_209 = vector.broadcast %jit3A_207 : f32 to vector<16xf32>
        %select_n3A_210 = arith.select %and3A_195, %broadcast_in_dim3A_208, %broadcast_in_dim3A_209 : vector<16xi1>, vector<16xf32>
        tpu.vector_store_idx %arg6[%select_n3A_205], %select_n3A_210 {add = true} : memref<65536xf32, #tpu.memory_space<vmem>>[vector<16xi32>], vector<16xf32>,
        %mul3A_211 = arith.constant 8 : i32
        %mul3A_212 = arith.muli %scan3A_62, %mul3A_211 : i32
        %add3A_213 = arith.constant 4 : i32
        %add3A_214 = arith.addi %mul3A_212, %add3A_213 : i32
        %mul3A_215 = arith.constant 16 : i32
        %mul3A_216 = arith.muli %add3A_214, %mul3A_215 : i32
        %get3A_217 = arith.index_cast %mul3A_216 : i32 to index
        %get3A_218 = tpu.vector_load %arg10[%get3A_217] {strides = array<i32>} : memref<12288xi32, #tpu.memory_space<vmem>>, vector<16xi32>,
        %shift_right_arithmetic3A_219 = arith.constant 12 : i32
        %shift_right_arithmetic3A_220 = vector.broadcast %shift_right_arithmetic3A_219 : i32 to vector<16xi32>
        %shift_right_arithmetic3A_221 = arith.shrsi %get3A_218, %shift_right_arithmetic3A_220 : vector<16xi32>
        %sub3A_222 = vector.broadcast %mul3A_49 : i32 to vector<16xi32>
        %sub3A_223 = arith.subi %shift_right_arithmetic3A_221, %sub3A_222 : vector<16xi32>
        %ge3A_224 = arith.constant 0 : i32
        %ge3A_225 = vector.broadcast %ge3A_224 : i32 to vector<16xi32>
        %ge3A_226 = arith.cmpi sge, %get3A_218, %ge3A_225 : vector<16xi32>
        %ge3A_227 = arith.constant 0 : i32
        %ge3A_228 = vector.broadcast %ge3A_227 : i32 to vector<16xi32>
        %ge3A_229 = arith.cmpi sge, %sub3A_223, %ge3A_228 : vector<16xi32>
        %and3A_230 = arith.andi %ge3A_226, %ge3A_229 : vector<16xi1>
        %lt3A_231 = arith.constant 16 : i32
        %lt3A_232 = vector.broadcast %lt3A_231 : i32 to vector<16xi32>
        %lt3A_233 = arith.cmpi slt, %sub3A_223, %lt3A_232 : vector<16xi32>
        %and3A_234 = arith.andi %and3A_230, %lt3A_233 : vector<16xi1>
        %mul3A_235 = arith.constant 4096 : i32
        %mul3A_236 = vector.broadcast %mul3A_235 : i32 to vector<16xi32>
        %mul3A_237 = arith.muli %sub3A_223, %mul3A_236 : vector<16xi32>
        %and3A_238 = arith.constant 4095 : i32
        %and3A_239 = vector.broadcast %and3A_238 : i32 to vector<16xi32>
        %and3A_240 = arith.andi %get3A_218, %and3A_239 : vector<16xi32>
        %add3A_241 = arith.addi %mul3A_237, %and3A_240 : vector<16xi32>
        %jit3A_242 = arith.constant 0 : i32
        %broadcast_in_dim3A_243 = vector.broadcast %jit3A_242 : i32 to vector<16xi32>
        %select_n3A_244 = arith.select %and3A_234, %add3A_241, %broadcast_in_dim3A_243 : vector<16xi1>, vector<16xi32>
        %jit3A_245 = arith.constant 1.000000e+00 : f32
        %jit3A_246 = arith.constant 0.000000e+00 : f32
        %broadcast_in_dim3A_247 = vector.broadcast %jit3A_245 : f32 to vector<16xf32>
        %broadcast_in_dim3A_248 = vector.broadcast %jit3A_246 : f32 to vector<16xf32>
        %select_n3A_249 = arith.select %and3A_234, %broadcast_in_dim3A_247, %broadcast_in_dim3A_248 : vector<16xi1>, vector<16xf32>
        tpu.vector_store_idx %arg6[%select_n3A_244], %select_n3A_249 {add = true} : memref<65536xf32, #tpu.memory_space<vmem>>[vector<16xi32>], vector<16xf32>,
        %mul3A_250 = arith.constant 8 : i32
        %mul3A_251 = arith.muli %scan3A_62, %mul3A_250 : i32
        %add3A_252 = arith.constant 5 : i32
        %add3A_253 = arith.addi %mul3A_251, %add3A_252 : i32
        %mul3A_254 = arith.constant 16 : i32
        %mul3A_255 = arith.muli %add3A_253, %mul3A_254 : i32
        %get3A_256 = arith.index_cast %mul3A_255 : i32 to index
        %get3A_257 = tpu.vector_load %arg10[%get3A_256] {strides = array<i32>} : memref<12288xi32, #tpu.memory_space<vmem>>, vector<16xi32>,
        %shift_right_arithmetic3A_258 = arith.constant 12 : i32
        %shift_right_arithmetic3A_259 = vector.broadcast %shift_right_arithmetic3A_258 : i32 to vector<16xi32>
        %shift_right_arithmetic3A_260 = arith.shrsi %get3A_257, %shift_right_arithmetic3A_259 : vector<16xi32>
        %sub3A_261 = vector.broadcast %mul3A_49 : i32 to vector<16xi32>
        %sub3A_262 = arith.subi %shift_right_arithmetic3A_260, %sub3A_261 : vector<16xi32>
        %ge3A_263 = arith.constant 0 : i32
        %ge3A_264 = vector.broadcast %ge3A_263 : i32 to vector<16xi32>
        %ge3A_265 = arith.cmpi sge, %get3A_257, %ge3A_264 : vector<16xi32>
        %ge3A_266 = arith.constant 0 : i32
        %ge3A_267 = vector.broadcast %ge3A_266 : i32 to vector<16xi32>
        %ge3A_268 = arith.cmpi sge, %sub3A_262, %ge3A_267 : vector<16xi32>
        %and3A_269 = arith.andi %ge3A_265, %ge3A_268 : vector<16xi1>
        %lt3A_270 = arith.constant 16 : i32
        %lt3A_271 = vector.broadcast %lt3A_270 : i32 to vector<16xi32>
        %lt3A_272 = arith.cmpi slt, %sub3A_262, %lt3A_271 : vector<16xi32>
        %and3A_273 = arith.andi %and3A_269, %lt3A_272 : vector<16xi1>
        %mul3A_274 = arith.constant 4096 : i32
        %mul3A_275 = vector.broadcast %mul3A_274 : i32 to vector<16xi32>
        %mul3A_276 = arith.muli %sub3A_262, %mul3A_275 : vector<16xi32>
        %and3A_277 = arith.constant 4095 : i32
        %and3A_278 = vector.broadcast %and3A_277 : i32 to vector<16xi32>
        %and3A_279 = arith.andi %get3A_257, %and3A_278 : vector<16xi32>
        %add3A_280 = arith.addi %mul3A_276, %and3A_279 : vector<16xi32>
        %jit3A_281 = arith.constant 0 : i32
        %broadcast_in_dim3A_282 = vector.broadcast %jit3A_281 : i32 to vector<16xi32>
        %select_n3A_283 = arith.select %and3A_273, %add3A_280, %broadcast_in_dim3A_282 : vector<16xi1>, vector<16xi32>
        %jit3A_284 = arith.constant 1.000000e+00 : f32
        %jit3A_285 = arith.constant 0.000000e+00 : f32
        %broadcast_in_dim3A_286 = vector.broadcast %jit3A_284 : f32 to vector<16xf32>
        %broadcast_in_dim3A_287 = vector.broadcast %jit3A_285 : f32 to vector<16xf32>
        %select_n3A_288 = arith.select %and3A_273, %broadcast_in_dim3A_286, %broadcast_in_dim3A_287 : vector<16xi1>, vector<16xf32>
        tpu.vector_store_idx %arg6[%select_n3A_283], %select_n3A_288 {add = true} : memref<65536xf32, #tpu.memory_space<vmem>>[vector<16xi32>], vector<16xf32>,
        %mul3A_289 = arith.constant 8 : i32
        %mul3A_290 = arith.muli %scan3A_62, %mul3A_289 : i32
        %add3A_291 = arith.constant 6 : i32
        %add3A_292 = arith.addi %mul3A_290, %add3A_291 : i32
        %mul3A_293 = arith.constant 16 : i32
        %mul3A_294 = arith.muli %add3A_292, %mul3A_293 : i32
        %get3A_295 = arith.index_cast %mul3A_294 : i32 to index
        %get3A_296 = tpu.vector_load %arg10[%get3A_295] {strides = array<i32>} : memref<12288xi32, #tpu.memory_space<vmem>>, vector<16xi32>,
        %shift_right_arithmetic3A_297 = arith.constant 12 : i32
        %shift_right_arithmetic3A_298 = vector.broadcast %shift_right_arithmetic3A_297 : i32 to vector<16xi32>
        %shift_right_arithmetic3A_299 = arith.shrsi %get3A_296, %shift_right_arithmetic3A_298 : vector<16xi32>
        %sub3A_300 = vector.broadcast %mul3A_49 : i32 to vector<16xi32>
        %sub3A_301 = arith.subi %shift_right_arithmetic3A_299, %sub3A_300 : vector<16xi32>
        %ge3A_302 = arith.constant 0 : i32
        %ge3A_303 = vector.broadcast %ge3A_302 : i32 to vector<16xi32>
        %ge3A_304 = arith.cmpi sge, %get3A_296, %ge3A_303 : vector<16xi32>
        %ge3A_305 = arith.constant 0 : i32
        %ge3A_306 = vector.broadcast %ge3A_305 : i32 to vector<16xi32>
        %ge3A_307 = arith.cmpi sge, %sub3A_301, %ge3A_306 : vector<16xi32>
        %and3A_308 = arith.andi %ge3A_304, %ge3A_307 : vector<16xi1>
        %lt3A_309 = arith.constant 16 : i32
        %lt3A_310 = vector.broadcast %lt3A_309 : i32 to vector<16xi32>
        %lt3A_311 = arith.cmpi slt, %sub3A_301, %lt3A_310 : vector<16xi32>
        %and3A_312 = arith.andi %and3A_308, %lt3A_311 : vector<16xi1>
        %mul3A_313 = arith.constant 4096 : i32
        %mul3A_314 = vector.broadcast %mul3A_313 : i32 to vector<16xi32>
        %mul3A_315 = arith.muli %sub3A_301, %mul3A_314 : vector<16xi32>
        %and3A_316 = arith.constant 4095 : i32
        %and3A_317 = vector.broadcast %and3A_316 : i32 to vector<16xi32>
        %and3A_318 = arith.andi %get3A_296, %and3A_317 : vector<16xi32>
        %add3A_319 = arith.addi %mul3A_315, %and3A_318 : vector<16xi32>
        %jit3A_320 = arith.constant 0 : i32
        %broadcast_in_dim3A_321 = vector.broadcast %jit3A_320 : i32 to vector<16xi32>
        %select_n3A_322 = arith.select %and3A_312, %add3A_319, %broadcast_in_dim3A_321 : vector<16xi1>, vector<16xi32>
        %jit3A_323 = arith.constant 1.000000e+00 : f32
        %jit3A_324 = arith.constant 0.000000e+00 : f32
        %broadcast_in_dim3A_325 = vector.broadcast %jit3A_323 : f32 to vector<16xf32>
        %broadcast_in_dim3A_326 = vector.broadcast %jit3A_324 : f32 to vector<16xf32>
        %select_n3A_327 = arith.select %and3A_312, %broadcast_in_dim3A_325, %broadcast_in_dim3A_326 : vector<16xi1>, vector<16xf32>
        tpu.vector_store_idx %arg6[%select_n3A_322], %select_n3A_327 {add = true} : memref<65536xf32, #tpu.memory_space<vmem>>[vector<16xi32>], vector<16xf32>,
        %mul3A_328 = arith.constant 8 : i32
        %mul3A_329 = arith.muli %scan3A_62, %mul3A_328 : i32
        %add3A_330 = arith.constant 7 : i32
        %add3A_331 = arith.addi %mul3A_329, %add3A_330 : i32
        %mul3A_332 = arith.constant 16 : i32
        %mul3A_333 = arith.muli %add3A_331, %mul3A_332 : i32
        %get3A_334 = arith.index_cast %mul3A_333 : i32 to index
        %get3A_335 = tpu.vector_load %arg10[%get3A_334] {strides = array<i32>} : memref<12288xi32, #tpu.memory_space<vmem>>, vector<16xi32>,
        %shift_right_arithmetic3A_336 = arith.constant 12 : i32
        %shift_right_arithmetic3A_337 = vector.broadcast %shift_right_arithmetic3A_336 : i32 to vector<16xi32>
        %shift_right_arithmetic3A_338 = arith.shrsi %get3A_335, %shift_right_arithmetic3A_337 : vector<16xi32>
        %sub3A_339 = vector.broadcast %mul3A_49 : i32 to vector<16xi32>
        %sub3A_340 = arith.subi %shift_right_arithmetic3A_338, %sub3A_339 : vector<16xi32>
        %ge3A_341 = arith.constant 0 : i32
        %ge3A_342 = vector.broadcast %ge3A_341 : i32 to vector<16xi32>
        %ge3A_343 = arith.cmpi sge, %get3A_335, %ge3A_342 : vector<16xi32>
        %ge3A_344 = arith.constant 0 : i32
        %ge3A_345 = vector.broadcast %ge3A_344 : i32 to vector<16xi32>
        %ge3A_346 = arith.cmpi sge, %sub3A_340, %ge3A_345 : vector<16xi32>
        %and3A_347 = arith.andi %ge3A_343, %ge3A_346 : vector<16xi1>
        %lt3A_348 = arith.constant 16 : i32
        %lt3A_349 = vector.broadcast %lt3A_348 : i32 to vector<16xi32>
        %lt3A_350 = arith.cmpi slt, %sub3A_340, %lt3A_349 : vector<16xi32>
        %and3A_351 = arith.andi %and3A_347, %lt3A_350 : vector<16xi1>
        %mul3A_352 = arith.constant 4096 : i32
        %mul3A_353 = vector.broadcast %mul3A_352 : i32 to vector<16xi32>
        %mul3A_354 = arith.muli %sub3A_340, %mul3A_353 : vector<16xi32>
        %and3A_355 = arith.constant 4095 : i32
        %and3A_356 = vector.broadcast %and3A_355 : i32 to vector<16xi32>
        %and3A_357 = arith.andi %get3A_335, %and3A_356 : vector<16xi32>
        %add3A_358 = arith.addi %mul3A_354, %and3A_357 : vector<16xi32>
        %jit3A_359 = arith.constant 0 : i32
        %broadcast_in_dim3A_360 = vector.broadcast %jit3A_359 : i32 to vector<16xi32>
        %select_n3A_361 = arith.select %and3A_351, %add3A_358, %broadcast_in_dim3A_360 : vector<16xi1>, vector<16xi32>
        %jit3A_362 = arith.constant 1.000000e+00 : f32
        %jit3A_363 = arith.constant 0.000000e+00 : f32
        %broadcast_in_dim3A_364 = vector.broadcast %jit3A_362 : f32 to vector<16xf32>
        %broadcast_in_dim3A_365 = vector.broadcast %jit3A_363 : f32 to vector<16xf32>
        %select_n3A_366 = arith.select %and3A_351, %broadcast_in_dim3A_364, %broadcast_in_dim3A_365 : vector<16xi1>, vector<16xf32>
        tpu.vector_store_idx %arg6[%select_n3A_361], %select_n3A_366 {add = true} : memref<65536xf32, #tpu.memory_space<vmem>>[vector<16xi32>], vector<16xf32>,
      }
      %scan3A_59 = arith.constant 96 : i32
      %mul3A_60 = arith.constant 4096 : i32
      %mul3A_61 = arith.muli %mul3A_49, %mul3A_60 : i32
      "tpu.region"() ({
        %run_scoped3A_62 = tpu.sem_alloc : memref<!tpu.dma_semaphore, #tpu.memory_space<semaphore_mem>>
        %dma_start3A = tpu.memref_slice %arg5[%mul3A_61] : memref<16777216xf32, #tpu.memory_space<hbm>> -> memref<65536xf32, #tpu.memory_space<hbm>>
        %dma_start3A_63 = tpu.memref_slice %arg5[%mul3A_61] : memref<16777216xf32, #tpu.memory_space<hbm>> -> memref<65536xf32, #tpu.memory_space<hbm>>
        tpu.enqueue_dma source(%arg6 : memref<65536xf32, #tpu.memory_space<vmem>>) target(%dma_start3A_63 : memref<65536xf32, #tpu.memory_space<hbm>>) target_semaphore(%run_scoped3A_62 : memref<!tpu.dma_semaphore, #tpu.memory_space<semaphore_mem>>)
        %dma_wait3A = tpu.memref_slice %arg5[%mul3A_61] : memref<16777216xf32, #tpu.memory_space<hbm>> -> memref<65536xf32, #tpu.memory_space<hbm>>
        %dma_wait3A_64 = tpu.memref_slice %arg5[%mul3A_61] : memref<16777216xf32, #tpu.memory_space<hbm>> -> memref<65536xf32, #tpu.memory_space<hbm>>
        tpu.wait_dma2 semaphore(%run_scoped3A_62 : memref<!tpu.dma_semaphore, #tpu.memory_space<semaphore_mem>>) src(%arg6 : memref<65536xf32, #tpu.memory_space<vmem>>) dst(%dma_wait3A_64 : memref<65536xf32, #tpu.memory_space<hbm>>)
        tpu.yield
      }) : () -> ()
    }
    %scan3A_43 = arith.constant 8 : i32
    return
  }
}

module attributes {stable_mosaic.version = 14 : i64} {
  func.func @_proj2_body(%arg0: i32, %arg1: memref<512x1024xf32, #tpu.memory_space<vmem>>, %arg2: memref<2x1024xf32, #tpu.memory_space<vmem>>, %arg3: memref<1x1024xf32, #tpu.memory_space<vmem>>, %arg4: memref<1x1024xf32, #tpu.memory_space<vmem>>, %arg5: memref<1024x256xf32, #tpu.memory_space<vmem>>, %arg6: memref<1x256xf32, #tpu.memory_space<vmem>>, %arg7: memref<512x256xf32, #tpu.memory_space<vmem>>, %arg8: memref<2x256xf32, #tpu.memory_space<vmem>>) attributes {dimension_semantics = [#tpu.dimension_semantics<arbitrary>], iteration_bounds = array<i64: 8>, scalar_prefetch = 0 : i64, scratch_operands = 0 : i64, tpu.core_type = #tpu.core_type<tc>, window_params = [{transform_indices = @transform_0, window_bounds = array<i64: 512, 1024>}, {pipeline_mode = #tpu.pipeline_mode<synchronous>, transform_indices = @transform_1, window_bounds = array<i64: 2, 1024>}, {pipeline_mode = #tpu.pipeline_mode<synchronous>, transform_indices = @transform_2, window_bounds = array<i64: 1, 1024>}, {pipeline_mode = #tpu.pipeline_mode<synchronous>, transform_indices = @transform_3, window_bounds = array<i64: 1, 1024>}, {pipeline_mode = #tpu.pipeline_mode<synchronous>, transform_indices = @transform_4, window_bounds = array<i64: 1024, 256>}, {pipeline_mode = #tpu.pipeline_mode<synchronous>, transform_indices = @transform_5, window_bounds = array<i64: 1, 256>}, {transform_indices = @transform_6, window_bounds = array<i64: 512, 256>}, {pipeline_mode = #tpu.pipeline_mode<synchronous>, transform_indices = @transform_7, window_bounds = array<i64: 2, 256>}]} {
    %get3A = arith.constant 0 : index
    %get3A_0 = arith.constant 0 : index
    %get3A_1 = vector.load %arg2[%get3A, %get3A_0] : memref<2x1024xf32, #tpu.memory_space<vmem>>, vector<2x1024xf32>
    %slice3A = vector.extract_strided_slice %get3A_1 {offsets = [0, 0], sizes = [1, 1024], strides = [1, 1]} : vector<2x1024xf32> to vector<1x1024xf32>
    %mul3A = arith.constant 2.44140625E-4 : f32
    %mul3A_2 = vector.broadcast %mul3A : f32 to vector<1x1024xf32>
    %mul3A_3 = arith.mulf %slice3A, %mul3A_2 : vector<1x1024xf32>
    %slice3A_4 = vector.extract_strided_slice %get3A_1 {offsets = [1, 0], sizes = [1, 1024], strides = [1, 1]} : vector<2x1024xf32> to vector<1x1024xf32>
    %mul3A_5 = arith.constant 2.44140625E-4 : f32
    %mul3A_6 = vector.broadcast %mul3A_5 : f32 to vector<1x1024xf32>
    %mul3A_7 = arith.mulf %slice3A_4, %mul3A_6 : vector<1x1024xf32>
    %mul3A_8 = arith.mulf %mul3A_3, %mul3A_3 : vector<1x1024xf32>
    %sub3A = arith.subf %mul3A_7, %mul3A_8 : vector<1x1024xf32>
    %get3A_9 = arith.constant 0 : index
    %get3A_10 = arith.constant 0 : index
    %get3A_11 = vector.load %arg3[%get3A_9, %get3A_10] : memref<1x1024xf32, #tpu.memory_space<vmem>>, vector<1x1024xf32>
    %get3A_12 = arith.constant 0 : index
    %get3A_13 = arith.constant 0 : index
    %get3A_14 = vector.load %arg1[%get3A_12, %get3A_13] : memref<512x1024xf32, #tpu.memory_space<vmem>>, vector<512x1024xf32>
    %sub3A_15 = vector.broadcast %mul3A_3 : vector<1x1024xf32> to vector<512x1024xf32>
    %sub3A_16 = arith.subf %get3A_14, %sub3A_15 : vector<512x1024xf32>
    %mul3A_17 = vector.broadcast %get3A_11 : vector<1x1024xf32> to vector<512x1024xf32>
    %mul3A_18 = arith.mulf %mul3A_17, %sub3A_16 : vector<512x1024xf32>
    %add3A = arith.constant 9.99999974E-6 : f32
    %add3A_19 = vector.broadcast %add3A : f32 to vector<1x1024xf32>
    %add3A_20 = arith.addf %sub3A, %add3A_19 : vector<1x1024xf32>
    %rsqrt3A = math.rsqrt %add3A_20 : vector<1x1024xf32>
    %mul3A_21 = vector.broadcast %rsqrt3A : vector<1x1024xf32> to vector<512x1024xf32>
    %mul3A_22 = arith.mulf %mul3A_18, %mul3A_21 : vector<512x1024xf32>
    %get3A_23 = arith.constant 0 : index
    %get3A_24 = arith.constant 0 : index
    %get3A_25 = vector.load %arg4[%get3A_23, %get3A_24] : memref<1x1024xf32, #tpu.memory_space<vmem>>, vector<1x1024xf32>
    %add3A_26 = vector.broadcast %get3A_25 : vector<1x1024xf32> to vector<512x1024xf32>
    %add3A_27 = arith.addf %mul3A_22, %add3A_26 : vector<512x1024xf32>
    %max3A = arith.constant 0.000000e+00 : f32
    %max3A_28 = vector.broadcast %max3A : f32 to vector<512x1024xf32>
    %max3A_29 = arith.maximumf %add3A_27, %max3A_28 : vector<512x1024xf32>
    %get3A_30 = arith.constant 0 : index
    %get3A_31 = arith.constant 0 : index
    %get3A_32 = vector.load %arg5[%get3A_30, %get3A_31] : memref<1024x256xf32, #tpu.memory_space<vmem>>, vector<1024x256xf32>
    %dot_general3A = arith.constant dense<0.000000e+00> : vector<512x256xf32>
    %dot_general3A_33 = tpu.matmul %max3A_29, %get3A_32, %dot_general3A {dimension_numbers = #tpu.dot_dimension_numbers<[1], [0], [0], [1], [0, 0, 1, 1], [], []>, transpose_lhs_hint = false} : vector<512x1024xf32>, vector<1024x256xf32>, vector<512x256xf32> -> vector<512x256xf32>
    %get3A_34 = arith.constant 0 : index
    %get3A_35 = arith.constant 0 : index
    %get3A_36 = vector.load %arg6[%get3A_34, %get3A_35] : memref<1x256xf32, #tpu.memory_space<vmem>>, vector<1x256xf32>
    %add3A_37 = vector.broadcast %get3A_36 : vector<1x256xf32> to vector<512x256xf32>
    %add3A_38 = arith.addf %dot_general3A_33, %add3A_37 : vector<512x256xf32>
    %swap3A = arith.constant 0 : index
    %swap3A_39 = arith.constant 0 : index
    %swap3A_40 = vector.load %arg7[%swap3A, %swap3A_39] : memref<512x256xf32, #tpu.memory_space<vmem>>, vector<512x256xf32>
    tpu.vector_store %arg7[%swap3A, %swap3A_39], %add3A_38 {strides = array<i32>} : memref<512x256xf32, #tpu.memory_space<vmem>>, vector<512x256xf32>,
    %reduce_sum3A = arith.constant dense<0.000000e+00> : vector<256xf32>
    %reduce_sum3A_41 = vector.multi_reduction <add>, %add3A_38, %reduce_sum3A [0] : vector<512x256xf32> to vector<256xf32>
    %broadcast_in_dim3A = vector.shape_cast %reduce_sum3A_41 : vector<256xf32> to vector<1x256xf32>
    %mul3A_42 = arith.mulf %add3A_38, %add3A_38 : vector<512x256xf32>
    %reduce_sum3A_43 = arith.constant dense<0.000000e+00> : vector<256xf32>
    %reduce_sum3A_44 = vector.multi_reduction <add>, %mul3A_42, %reduce_sum3A_43 [0] : vector<512x256xf32> to vector<256xf32>
    %broadcast_in_dim3A_45 = vector.shape_cast %reduce_sum3A_44 : vector<256xf32> to vector<1x256xf32>
    %concatenate3A = tpu.concatenate %broadcast_in_dim3A, %broadcast_in_dim3A_45 in 0 : vector<1x256xf32>, vector<1x256xf32> -> vector<2x256xf32>
    %eq3A = arith.constant 0 : i32
    %eq3A_46 = arith.cmpi eq, %arg0, %eq3A : i32
    %convert_element_type3A = arith.extui %eq3A_46 : i1 to i32
    %cond3A = arith.constant 0 : i32
    %cond3A_47 = arith.cmpi ne, %convert_element_type3A, %cond3A : i32
    scf.if %cond3A_47 {
      %swap3A_52 = arith.constant 0 : index
      %swap3A_53 = arith.constant 0 : index
      %swap3A_54 = vector.load %arg8[%swap3A_52, %swap3A_53] : memref<2x256xf32, #tpu.memory_space<vmem>>, vector<2x256xf32>
      tpu.vector_store %arg8[%swap3A_52, %swap3A_53], %concatenate3A {strides = array<i32>} : memref<2x256xf32, #tpu.memory_space<vmem>>, vector<2x256xf32>,
    } else {
    }
    %gt3A = arith.constant 0 : i32
    %gt3A_48 = arith.cmpi sgt, %arg0, %gt3A : i32
    %convert_element_type3A_49 = arith.extui %gt3A_48 : i1 to i32
    %cond3A_50 = arith.constant 0 : i32
    %cond3A_51 = arith.cmpi ne, %convert_element_type3A_49, %cond3A_50 : i32
    scf.if %cond3A_51 {
      %get3A_52 = arith.constant 0 : index
      %get3A_53 = arith.constant 0 : index
      %get3A_54 = vector.load %arg8[%get3A_52, %get3A_53] : memref<2x256xf32, #tpu.memory_space<vmem>>, vector<2x256xf32>
      %add3A_55 = arith.addf %get3A_54, %concatenate3A : vector<2x256xf32>
      %swap3A_56 = arith.constant 0 : index
      %swap3A_57 = arith.constant 0 : index
      %swap3A_58 = vector.load %arg8[%swap3A_56, %swap3A_57] : memref<2x256xf32, #tpu.memory_space<vmem>>, vector<2x256xf32>
      tpu.vector_store %arg8[%swap3A_56, %swap3A_57], %add3A_55 {strides = array<i32>} : memref<2x256xf32, #tpu.memory_space<vmem>>, vector<2x256xf32>,
    } else {
    }
    return
  }
  func.func @transform_0(%arg0: i32) -> (i32, i32) {
    %c0_i32 = arith.constant 0 : i32
    %c0_i32_0 = arith.constant 0 : i32
    return %arg0, %c0_i32 : i32, i32
  }
  func.func @transform_1(%arg0: i32) -> (i32, i32) {
    %c0_i32 = arith.constant 0 : i32
    %c0_i32_0 = arith.constant 0 : i32
    %c0_i32_1 = arith.constant 0 : i32
    return %c0_i32, %c0_i32_0 : i32, i32
  }
  func.func @transform_2(%arg0: i32) -> (i32, i32) {
    %c0_i32 = arith.constant 0 : i32
    %c0_i32_0 = arith.constant 0 : i32
    %c0_i32_1 = arith.constant 0 : i32
    return %c0_i32, %c0_i32_0 : i32, i32
  }
  func.func @transform_3(%arg0: i32) -> (i32, i32) {
    %c0_i32 = arith.constant 0 : i32
    %c0_i32_0 = arith.constant 0 : i32
    %c0_i32_1 = arith.constant 0 : i32
    return %c0_i32, %c0_i32_0 : i32, i32
  }
  func.func @transform_4(%arg0: i32) -> (i32, i32) {
    %c0_i32 = arith.constant 0 : i32
    %c0_i32_0 = arith.constant 0 : i32
    %c0_i32_1 = arith.constant 0 : i32
    return %c0_i32, %c0_i32_0 : i32, i32
  }
  func.func @transform_5(%arg0: i32) -> (i32, i32) {
    %c0_i32 = arith.constant 0 : i32
    %c0_i32_0 = arith.constant 0 : i32
    %c0_i32_1 = arith.constant 0 : i32
    return %c0_i32, %c0_i32_0 : i32, i32
  }
  func.func @transform_6(%arg0: i32) -> (i32, i32) {
    %c0_i32 = arith.constant 0 : i32
    %c0_i32_0 = arith.constant 0 : i32
    return %arg0, %c0_i32 : i32, i32
  }
  func.func @transform_7(%arg0: i32) -> (i32, i32) {
    %c0_i32 = arith.constant 0 : i32
    %c0_i32_0 = arith.constant 0 : i32
    %c0_i32_1 = arith.constant 0 : i32
    return %c0_i32, %c0_i32_0 : i32, i32
  }
}

module attributes {stable_mosaic.version = 14 : i64} {
  func.func @_main_body(%arg0: i32, %arg1: i32, %arg2: memref<512x1024xf32, #tpu.memory_space<vmem>>, %arg3: memref<1024x1024xf32, #tpu.memory_space<vmem>>, %arg4: memref<512x1024xf32, #tpu.memory_space<vmem>>, %arg5: memref<1024x1024xf32, #tpu.memory_space<vmem>>, %arg6: memref<1024x1024xf32, #tpu.memory_space<vmem>>, %arg7: memref<1024x1024xf32, #tpu.memory_space<vmem>>, %arg8: memref<1x1024xf32, #tpu.memory_space<vmem>>, %arg9: memref<512x1024xf32, #tpu.memory_space<vmem>>, %arg10: memref<2x1024xf32, #tpu.memory_space<vmem>>, %arg11: memref<512x1024xf32, #tpu.memory_space<vmem>>) attributes {dimension_semantics = [#tpu.dimension_semantics<arbitrary>, #tpu.dimension_semantics<arbitrary>], iteration_bounds = array<i64: 8, 4>, scalar_prefetch = 0 : i64, scratch_operands = 1 : i64, tpu.core_type = #tpu.core_type<tc>, window_params = [{transform_indices = @transform_0, window_bounds = array<i64: 512, 1024>}, {transform_indices = @transform_1, window_bounds = array<i64: 1024, 1024>}, {transform_indices = @transform_2, window_bounds = array<i64: 512, 1024>}, {pipeline_mode = #tpu.pipeline_mode<synchronous>, transform_indices = @transform_3, window_bounds = array<i64: 1024, 1024>}, {pipeline_mode = #tpu.pipeline_mode<synchronous>, transform_indices = @transform_4, window_bounds = array<i64: 1024, 1024>}, {pipeline_mode = #tpu.pipeline_mode<synchronous>, transform_indices = @transform_5, window_bounds = array<i64: 1024, 1024>}, {pipeline_mode = #tpu.pipeline_mode<synchronous>, transform_indices = @transform_6, window_bounds = array<i64: 1, 1024>}, {transform_indices = @transform_7, window_bounds = array<i64: 512, 1024>}, {pipeline_mode = #tpu.pipeline_mode<synchronous>, transform_indices = @transform_8, window_bounds = array<i64: 2, 1024>}]} {
    %eq3A = arith.constant 0 : i32
    %eq3A_0 = arith.cmpi eq, %arg1, %eq3A : i32
    %convert_element_type3A = arith.extui %eq3A_0 : i1 to i32
    %cond3A = arith.constant 0 : i32
    %cond3A_1 = arith.cmpi ne, %convert_element_type3A, %cond3A : i32
    scf.if %cond3A_1 {
      %broadcast_in_dim3A = arith.constant 0.000000e+00 : f32
      %broadcast_in_dim3A_18 = vector.broadcast %broadcast_in_dim3A : f32 to vector<512x1024xf32>
      %swap3A_19 = arith.constant 0 : index
      %swap3A_20 = arith.constant 0 : index
      %swap3A_21 = vector.load %arg11[%swap3A_19, %swap3A_20] : memref<512x1024xf32, #tpu.memory_space<vmem>>, vector<512x1024xf32>
      tpu.vector_store %arg11[%swap3A_19, %swap3A_20], %broadcast_in_dim3A_18 {strides = array<i32>} : memref<512x1024xf32, #tpu.memory_space<vmem>>, vector<512x1024xf32>,
    } else {
    }
    %get3A = arith.constant 0 : index
    %get3A_2 = arith.constant 0 : index
    %get3A_3 = vector.load %arg11[%get3A, %get3A_2] : memref<512x1024xf32, #tpu.memory_space<vmem>>, vector<512x1024xf32>
    %get3A_4 = arith.constant 0 : index
    %get3A_5 = arith.constant 0 : index
    %get3A_6 = vector.load %arg2[%get3A_4, %get3A_5] : memref<512x1024xf32, #tpu.memory_space<vmem>>, vector<512x1024xf32>
    %get3A_7 = arith.constant 0 : index
    %get3A_8 = arith.constant 0 : index
    %get3A_9 = vector.load %arg3[%get3A_7, %get3A_8] : memref<1024x1024xf32, #tpu.memory_space<vmem>>, vector<1024x1024xf32>
    %dot_general3A = arith.constant dense<0.000000e+00> : vector<512x1024xf32>
    %dot_general3A_10 = tpu.matmul %get3A_6, %get3A_9, %dot_general3A {dimension_numbers = #tpu.dot_dimension_numbers<[1], [0], [0], [1], [0, 0, 1, 1], [], []>, transpose_lhs_hint = false} : vector<512x1024xf32>, vector<1024x1024xf32>, vector<512x1024xf32> -> vector<512x1024xf32>
    %add3A = arith.addf %get3A_3, %dot_general3A_10 : vector<512x1024xf32>
    %swap3A = arith.constant 0 : index
    %swap3A_11 = arith.constant 0 : index
    %swap3A_12 = vector.load %arg11[%swap3A, %swap3A_11] : memref<512x1024xf32, #tpu.memory_space<vmem>>, vector<512x1024xf32>
    tpu.vector_store %arg11[%swap3A, %swap3A_11], %add3A {strides = array<i32>} : memref<512x1024xf32, #tpu.memory_space<vmem>>, vector<512x1024xf32>,
    %eq3A_13 = arith.constant 3 : i32
    %eq3A_14 = arith.cmpi eq, %arg1, %eq3A_13 : i32
    %convert_element_type3A_15 = arith.extui %eq3A_14 : i1 to i32
    %cond3A_16 = arith.constant 0 : i32
    %cond3A_17 = arith.cmpi ne, %convert_element_type3A_15, %cond3A_16 : i32
    scf.if %cond3A_17 {
      %get3A_18 = arith.constant 0 : index
      %get3A_19 = arith.constant 0 : index
      %get3A_20 = vector.load %arg4[%get3A_18, %get3A_19] : memref<512x1024xf32, #tpu.memory_space<vmem>>, vector<512x1024xf32>
      %get3A_21 = arith.constant 0 : index
      %get3A_22 = arith.constant 0 : index
      %get3A_23 = vector.load %arg11[%get3A_21, %get3A_22] : memref<512x1024xf32, #tpu.memory_space<vmem>>, vector<512x1024xf32>
      %get3A_24 = arith.constant 0 : index
      %get3A_25 = arith.constant 0 : index
      %get3A_26 = vector.load %arg5[%get3A_24, %get3A_25] : memref<1024x1024xf32, #tpu.memory_space<vmem>>, vector<1024x1024xf32>
      %dot_general3A_27 = arith.constant dense<0.000000e+00> : vector<512x1024xf32>
      %dot_general3A_28 = tpu.matmul %get3A_23, %get3A_26, %dot_general3A_27 {dimension_numbers = #tpu.dot_dimension_numbers<[1], [0], [0], [1], [0, 0, 1, 1], [], []>, transpose_lhs_hint = false} : vector<512x1024xf32>, vector<1024x1024xf32>, vector<512x1024xf32> -> vector<512x1024xf32>
      %get3A_29 = arith.constant 0 : index
      %get3A_30 = arith.constant 0 : index
      %get3A_31 = vector.load %arg6[%get3A_29, %get3A_30] : memref<1024x1024xf32, #tpu.memory_space<vmem>>, vector<1024x1024xf32>
      %dot_general3A_32 = arith.constant dense<0.000000e+00> : vector<512x1024xf32>
      %dot_general3A_33 = tpu.matmul %get3A_20, %get3A_31, %dot_general3A_32 {dimension_numbers = #tpu.dot_dimension_numbers<[1], [0], [0], [1], [0, 0, 1, 1], [], []>, transpose_lhs_hint = false} : vector<512x1024xf32>, vector<1024x1024xf32>, vector<512x1024xf32> -> vector<512x1024xf32>
      %add3A_34 = arith.addf %dot_general3A_28, %dot_general3A_33 : vector<512x1024xf32>
      %max3A = arith.constant 0.000000e+00 : f32
      %max3A_35 = vector.broadcast %max3A : f32 to vector<512x1024xf32>
      %max3A_36 = arith.maximumf %add3A_34, %max3A_35 : vector<512x1024xf32>
      %add3A_37 = arith.addf %get3A_20, %max3A_36 : vector<512x1024xf32>
      %get3A_38 = arith.constant 0 : index
      %get3A_39 = arith.constant 0 : index
      %get3A_40 = vector.load %arg7[%get3A_38, %get3A_39] : memref<1024x1024xf32, #tpu.memory_space<vmem>>, vector<1024x1024xf32>
      %dot_general3A_41 = arith.constant dense<0.000000e+00> : vector<512x1024xf32>
      %dot_general3A_42 = tpu.matmul %add3A_37, %get3A_40, %dot_general3A_41 {dimension_numbers = #tpu.dot_dimension_numbers<[1], [0], [0], [1], [0, 0, 1, 1], [], []>, transpose_lhs_hint = false} : vector<512x1024xf32>, vector<1024x1024xf32>, vector<512x1024xf32> -> vector<512x1024xf32>
      %get3A_43 = arith.constant 0 : index
      %get3A_44 = arith.constant 0 : index
      %get3A_45 = vector.load %arg8[%get3A_43, %get3A_44] : memref<1x1024xf32, #tpu.memory_space<vmem>>, vector<1x1024xf32>
      %add3A_46 = vector.broadcast %get3A_45 : vector<1x1024xf32> to vector<512x1024xf32>
      %add3A_47 = arith.addf %dot_general3A_42, %add3A_46 : vector<512x1024xf32>
      %swap3A_48 = arith.constant 0 : index
      %swap3A_49 = arith.constant 0 : index
      %swap3A_50 = vector.load %arg9[%swap3A_48, %swap3A_49] : memref<512x1024xf32, #tpu.memory_space<vmem>>, vector<512x1024xf32>
      tpu.vector_store %arg9[%swap3A_48, %swap3A_49], %add3A_47 {strides = array<i32>} : memref<512x1024xf32, #tpu.memory_space<vmem>>, vector<512x1024xf32>,
      %reduce_sum3A = arith.constant dense<0.000000e+00> : vector<1024xf32>
      %reduce_sum3A_51 = vector.multi_reduction <add>, %add3A_47, %reduce_sum3A [0] : vector<512x1024xf32> to vector<1024xf32>
      %broadcast_in_dim3A = vector.shape_cast %reduce_sum3A_51 : vector<1024xf32> to vector<1x1024xf32>
      %mul3A = arith.mulf %add3A_47, %add3A_47 : vector<512x1024xf32>
      %reduce_sum3A_52 = arith.constant dense<0.000000e+00> : vector<1024xf32>
      %reduce_sum3A_53 = vector.multi_reduction <add>, %mul3A, %reduce_sum3A_52 [0] : vector<512x1024xf32> to vector<1024xf32>
      %broadcast_in_dim3A_54 = vector.shape_cast %reduce_sum3A_53 : vector<1024xf32> to vector<1x1024xf32>
      %concatenate3A = tpu.concatenate %broadcast_in_dim3A, %broadcast_in_dim3A_54 in 0 : vector<1x1024xf32>, vector<1x1024xf32> -> vector<2x1024xf32>
      %eq3A_55 = arith.constant 0 : i32
      %eq3A_56 = arith.cmpi eq, %arg0, %eq3A_55 : i32
      %convert_element_type3A_57 = arith.extui %eq3A_56 : i1 to i32
      %cond3A_58 = arith.constant 0 : i32
      %cond3A_59 = arith.cmpi ne, %convert_element_type3A_57, %cond3A_58 : i32
      scf.if %cond3A_59 {
        %swap3A_64 = arith.constant 0 : index
        %swap3A_65 = arith.constant 0 : index
        %swap3A_66 = vector.load %arg10[%swap3A_64, %swap3A_65] : memref<2x1024xf32, #tpu.memory_space<vmem>>, vector<2x1024xf32>
        tpu.vector_store %arg10[%swap3A_64, %swap3A_65], %concatenate3A {strides = array<i32>} : memref<2x1024xf32, #tpu.memory_space<vmem>>, vector<2x1024xf32>,
      } else {
      }
      %gt3A = arith.constant 0 : i32
      %gt3A_60 = arith.cmpi sgt, %arg0, %gt3A : i32
      %convert_element_type3A_61 = arith.extui %gt3A_60 : i1 to i32
      %cond3A_62 = arith.constant 0 : i32
      %cond3A_63 = arith.cmpi ne, %convert_element_type3A_61, %cond3A_62 : i32
      scf.if %cond3A_63 {
        %get3A_64 = arith.constant 0 : index
        %get3A_65 = arith.constant 0 : index
        %get3A_66 = vector.load %arg10[%get3A_64, %get3A_65] : memref<2x1024xf32, #tpu.memory_space<vmem>>, vector<2x1024xf32>
        %add3A_67 = arith.addf %get3A_66, %concatenate3A : vector<2x1024xf32>
        %swap3A_68 = arith.constant 0 : index
        %swap3A_69 = arith.constant 0 : index
        %swap3A_70 = vector.load %arg10[%swap3A_68, %swap3A_69] : memref<2x1024xf32, #tpu.memory_space<vmem>>, vector<2x1024xf32>
        tpu.vector_store %arg10[%swap3A_68, %swap3A_69], %add3A_67 {strides = array<i32>} : memref<2x1024xf32, #tpu.memory_space<vmem>>, vector<2x1024xf32>,
      } else {
      }
    } else {
    }
    return
  }
  func.func @transform_0(%arg0: i32, %arg1: i32) -> (i32, i32) {
    %c0_i32 = arith.constant 0 : i32
    return %arg0, %arg1 : i32, i32
  }
  func.func @transform_1(%arg0: i32, %arg1: i32) -> (i32, i32) {
    %c0_i32 = arith.constant 0 : i32
    %c0_i32_0 = arith.constant 0 : i32
    return %arg1, %c0_i32 : i32, i32
  }
  func.func @transform_2(%arg0: i32, %arg1: i32) -> (i32, i32) {
    %c0_i32 = arith.constant 0 : i32
    %c0_i32_0 = arith.constant 0 : i32
    return %arg0, %c0_i32 : i32, i32
  }
  func.func @transform_3(%arg0: i32, %arg1: i32) -> (i32, i32) {
    %c0_i32 = arith.constant 0 : i32
    %c0_i32_0 = arith.constant 0 : i32
    %c0_i32_1 = arith.constant 0 : i32
    return %c0_i32, %c0_i32_0 : i32, i32
  }
  func.func @transform_4(%arg0: i32, %arg1: i32) -> (i32, i32) {
    %c0_i32 = arith.constant 0 : i32
    %c0_i32_0 = arith.constant 0 : i32
    %c0_i32_1 = arith.constant 0 : i32
    return %c0_i32, %c0_i32_0 : i32, i32
  }
  func.func @transform_5(%arg0: i32, %arg1: i32) -> (i32, i32) {
    %c0_i32 = arith.constant 0 : i32
    %c0_i32_0 = arith.constant 0 : i32
    %c0_i32_1 = arith.constant 0 : i32
    return %c0_i32, %c0_i32_0 : i32, i32
  }
  func.func @transform_6(%arg0: i32, %arg1: i32) -> (i32, i32) {
    %c0_i32 = arith.constant 0 : i32
    %c0_i32_0 = arith.constant 0 : i32
    %c0_i32_1 = arith.constant 0 : i32
    return %c0_i32, %c0_i32_0 : i32, i32
  }
  func.func @transform_7(%arg0: i32, %arg1: i32) -> (i32, i32) {
    %c0_i32 = arith.constant 0 : i32
    %c0_i32_0 = arith.constant 0 : i32
    return %arg0, %c0_i32 : i32, i32
  }
  func.func @transform_8(%arg0: i32, %arg1: i32) -> (i32, i32) {
    %c0_i32 = arith.constant 0 : i32
    %c0_i32_0 = arith.constant 0 : i32
    %c0_i32_1 = arith.constant 0 : i32
    return %c0_i32, %c0_i32_0 : i32, i32
  }
}

module attributes {stable_mosaic.version = 14 : i64} {
  func.func @_main_body(%arg0: i32, %arg1: i32, %arg2: memref<512x1024xf32, #tpu.memory_space<vmem>>, %arg3: memref<1024x1024xi32, #tpu.memory_space<vmem>>, %arg4: memref<512x1024xi32, #tpu.memory_space<vmem>>, %arg5: memref<1024x1024xf32, #tpu.memory_space<vmem>>, %arg6: memref<1024x1024xf32, #tpu.memory_space<vmem>>, %arg7: memref<1024x1024xf32, #tpu.memory_space<vmem>>, %arg8: memref<1x1024xf32, #tpu.memory_space<vmem>>, %arg9: memref<512x1024xf32, #tpu.memory_space<vmem>>, %arg10: memref<2x1024xf32, #tpu.memory_space<vmem>>, %arg11: memref<512x1024xf32, #tpu.memory_space<vmem>>) attributes {dimension_semantics = [#tpu.dimension_semantics<arbitrary>, #tpu.dimension_semantics<arbitrary>], iteration_bounds = array<i64: 8, 4>, scalar_prefetch = 0 : i64, scratch_operands = 1 : i64, tpu.core_type = #tpu.core_type<tc>, window_params = [{transform_indices = @transform_0, window_bounds = array<i64: 512, 1024>}, {transform_indices = @transform_1, window_bounds = array<i64: 1024, 1024>}, {transform_indices = @transform_2, window_bounds = array<i64: 512, 1024>}, {pipeline_mode = #tpu.pipeline_mode<synchronous>, transform_indices = @transform_3, window_bounds = array<i64: 1024, 1024>}, {pipeline_mode = #tpu.pipeline_mode<synchronous>, transform_indices = @transform_4, window_bounds = array<i64: 1024, 1024>}, {pipeline_mode = #tpu.pipeline_mode<synchronous>, transform_indices = @transform_5, window_bounds = array<i64: 1024, 1024>}, {pipeline_mode = #tpu.pipeline_mode<synchronous>, transform_indices = @transform_6, window_bounds = array<i64: 1, 1024>}, {transform_indices = @transform_7, window_bounds = array<i64: 512, 1024>}, {pipeline_mode = #tpu.pipeline_mode<synchronous>, transform_indices = @transform_8, window_bounds = array<i64: 2, 1024>}]} {
    %eq3A = arith.constant 0 : i32
    %eq3A_0 = arith.cmpi eq, %arg1, %eq3A : i32
    %convert_element_type3A = arith.extui %eq3A_0 : i1 to i32
    %cond3A = arith.constant 0 : i32
    %cond3A_1 = arith.cmpi ne, %convert_element_type3A, %cond3A : i32
    scf.if %cond3A_1 {
      %broadcast_in_dim3A = arith.constant 0.000000e+00 : f32
      %broadcast_in_dim3A_18 = vector.broadcast %broadcast_in_dim3A : f32 to vector<512x1024xf32>
      %swap3A_19 = arith.constant 0 : index
      %swap3A_20 = arith.constant 0 : index
      %swap3A_21 = vector.load %arg11[%swap3A_19, %swap3A_20] : memref<512x1024xf32, #tpu.memory_space<vmem>>, vector<512x1024xf32>
      tpu.vector_store %arg11[%swap3A_19, %swap3A_20], %broadcast_in_dim3A_18 {strides = array<i32>} : memref<512x1024xf32, #tpu.memory_space<vmem>>, vector<512x1024xf32>,
    } else {
    }
    %get3A = arith.constant 0 : index
    %get3A_2 = arith.constant 0 : index
    %get3A_3 = vector.load %arg11[%get3A, %get3A_2] : memref<512x1024xf32, #tpu.memory_space<vmem>>, vector<512x1024xf32>
    %get3A_4 = arith.constant 0 : index
    %get3A_5 = arith.constant 0 : index
    %get3A_6 = vector.load %arg2[%get3A_4, %get3A_5] : memref<512x1024xf32, #tpu.memory_space<vmem>>, vector<512x1024xf32>
    %get3A_7 = arith.constant 0 : index
    %get3A_8 = arith.constant 0 : index
    %get3A_9 = vector.load %arg3[%get3A_7, %get3A_8] : memref<1024x1024xi32, #tpu.memory_space<vmem>>, vector<1024x1024xi32>
    %dot_general3A = arith.constant dense<0.000000e+00> : vector<512x1024xf32>
    %dot_general3A_10 = tpu.matmul %get3A_6, %get3A_9, %dot_general3A {dimension_numbers = #tpu.dot_dimension_numbers<[1], [0], [0], [1], [0, 0, 1, 1], [], []>, transpose_lhs_hint = false} : vector<512x1024xf32>, vector<1024x1024xi32>, vector<512x1024xf32> -> vector<512x1024xf32>
    %add3A = arith.addf %get3A_3, %dot_general3A_10 : vector<512x1024xf32>
    %swap3A = arith.constant 0 : index
    %swap3A_11 = arith.constant 0 : index
    %swap3A_12 = vector.load %arg11[%swap3A, %swap3A_11] : memref<512x1024xf32, #tpu.memory_space<vmem>>, vector<512x1024xf32>
    tpu.vector_store %arg11[%swap3A, %swap3A_11], %add3A {strides = array<i32>} : memref<512x1024xf32, #tpu.memory_space<vmem>>, vector<512x1024xf32>,
    %eq3A_13 = arith.constant 3 : i32
    %eq3A_14 = arith.cmpi eq, %arg1, %eq3A_13 : i32
    %convert_element_type3A_15 = arith.extui %eq3A_14 : i1 to i32
    %cond3A_16 = arith.constant 0 : i32
    %cond3A_17 = arith.cmpi ne, %convert_element_type3A_15, %cond3A_16 : i32
    scf.if %cond3A_17 {
      %get3A_18 = arith.constant 0 : index
      %get3A_19 = arith.constant 0 : index
      %get3A_20 = vector.load %arg4[%get3A_18, %get3A_19] : memref<512x1024xi32, #tpu.memory_space<vmem>>, vector<512x1024xi32>
      %get3A_21 = arith.constant 0 : index
      %get3A_22 = arith.constant 0 : index
      %get3A_23 = vector.load %arg11[%get3A_21, %get3A_22] : memref<512x1024xf32, #tpu.memory_space<vmem>>, vector<512x1024xf32>
      %get3A_24 = arith.constant 0 : index
      %get3A_25 = arith.constant 0 : index
      %get3A_26 = vector.load %arg5[%get3A_24, %get3A_25] : memref<1024x1024xf32, #tpu.memory_space<vmem>>, vector<1024x1024xf32>
      %dot_general3A_27 = arith.constant dense<0.000000e+00> : vector<512x1024xf32>
      %dot_general3A_28 = tpu.matmul %get3A_23, %get3A_26, %dot_general3A_27 {dimension_numbers = #tpu.dot_dimension_numbers<[1], [0], [0], [1], [0, 0, 1, 1], [], []>, transpose_lhs_hint = false} : vector<512x1024xf32>, vector<1024x1024xf32>, vector<512x1024xf32> -> vector<512x1024xf32>
      %get3A_29 = arith.constant 0 : index
      %get3A_30 = arith.constant 0 : index
      %get3A_31 = vector.load %arg6[%get3A_29, %get3A_30] : memref<1024x1024xf32, #tpu.memory_space<vmem>>, vector<1024x1024xf32>
      %dot_general3A_32 = arith.constant dense<0.000000e+00> : vector<512x1024xf32>
      %dot_general3A_33 = tpu.matmul %get3A_20, %get3A_31, %dot_general3A_32 {dimension_numbers = #tpu.dot_dimension_numbers<[1], [0], [0], [1], [0, 0, 1, 1], [], []>, transpose_lhs_hint = false} : vector<512x1024xi32>, vector<1024x1024xf32>, vector<512x1024xf32> -> vector<512x1024xf32>
      %add3A_34 = arith.addf %dot_general3A_28, %dot_general3A_33 : vector<512x1024xf32>
      %max3A = arith.constant 0.000000e+00 : f32
      %max3A_35 = vector.broadcast %max3A : f32 to vector<512x1024xf32>
      %max3A_36 = arith.maximumf %add3A_34, %max3A_35 : vector<512x1024xf32>
      %convert_element_type3A_37 = arith.sitofp %get3A_20 : vector<512x1024xi32> to vector<512x1024xf32>
      %add3A_38 = arith.addf %convert_element_type3A_37, %max3A_36 : vector<512x1024xf32>
      %get3A_39 = arith.constant 0 : index
      %get3A_40 = arith.constant 0 : index
      %get3A_41 = vector.load %arg7[%get3A_39, %get3A_40] : memref<1024x1024xf32, #tpu.memory_space<vmem>>, vector<1024x1024xf32>
      %dot_general3A_42 = arith.constant dense<0.000000e+00> : vector<512x1024xf32>
      %dot_general3A_43 = tpu.matmul %add3A_38, %get3A_41, %dot_general3A_42 {dimension_numbers = #tpu.dot_dimension_numbers<[1], [0], [0], [1], [0, 0, 1, 1], [], []>, transpose_lhs_hint = false} : vector<512x1024xf32>, vector<1024x1024xf32>, vector<512x1024xf32> -> vector<512x1024xf32>
      %get3A_44 = arith.constant 0 : index
      %get3A_45 = arith.constant 0 : index
      %get3A_46 = vector.load %arg8[%get3A_44, %get3A_45] : memref<1x1024xf32, #tpu.memory_space<vmem>>, vector<1x1024xf32>
      %add3A_47 = vector.broadcast %get3A_46 : vector<1x1024xf32> to vector<512x1024xf32>
      %add3A_48 = arith.addf %dot_general3A_43, %add3A_47 : vector<512x1024xf32>
      %swap3A_49 = arith.constant 0 : index
      %swap3A_50 = arith.constant 0 : index
      %swap3A_51 = vector.load %arg9[%swap3A_49, %swap3A_50] : memref<512x1024xf32, #tpu.memory_space<vmem>>, vector<512x1024xf32>
      tpu.vector_store %arg9[%swap3A_49, %swap3A_50], %add3A_48 {strides = array<i32>} : memref<512x1024xf32, #tpu.memory_space<vmem>>, vector<512x1024xf32>,
      %reduce_sum3A = arith.constant dense<0.000000e+00> : vector<1024xf32>
      %reduce_sum3A_52 = vector.multi_reduction <add>, %add3A_48, %reduce_sum3A [0] : vector<512x1024xf32> to vector<1024xf32>
      %broadcast_in_dim3A = vector.shape_cast %reduce_sum3A_52 : vector<1024xf32> to vector<1x1024xf32>
      %mul3A = arith.mulf %add3A_48, %add3A_48 : vector<512x1024xf32>
      %reduce_sum3A_53 = arith.constant dense<0.000000e+00> : vector<1024xf32>
      %reduce_sum3A_54 = vector.multi_reduction <add>, %mul3A, %reduce_sum3A_53 [0] : vector<512x1024xf32> to vector<1024xf32>
      %broadcast_in_dim3A_55 = vector.shape_cast %reduce_sum3A_54 : vector<1024xf32> to vector<1x1024xf32>
      %concatenate3A = tpu.concatenate %broadcast_in_dim3A, %broadcast_in_dim3A_55 in 0 : vector<1x1024xf32>, vector<1x1024xf32> -> vector<2x1024xf32>
      %eq3A_56 = arith.constant 0 : i32
      %eq3A_57 = arith.cmpi eq, %arg0, %eq3A_56 : i32
      %convert_element_type3A_58 = arith.extui %eq3A_57 : i1 to i32
      %cond3A_59 = arith.constant 0 : i32
      %cond3A_60 = arith.cmpi ne, %convert_element_type3A_58, %cond3A_59 : i32
      scf.if %cond3A_60 {
        %swap3A_65 = arith.constant 0 : index
        %swap3A_66 = arith.constant 0 : index
        %swap3A_67 = vector.load %arg10[%swap3A_65, %swap3A_66] : memref<2x1024xf32, #tpu.memory_space<vmem>>, vector<2x1024xf32>
        tpu.vector_store %arg10[%swap3A_65, %swap3A_66], %concatenate3A {strides = array<i32>} : memref<2x1024xf32, #tpu.memory_space<vmem>>, vector<2x1024xf32>,
      } else {
      }
      %gt3A = arith.constant 0 : i32
      %gt3A_61 = arith.cmpi sgt, %arg0, %gt3A : i32
      %convert_element_type3A_62 = arith.extui %gt3A_61 : i1 to i32
      %cond3A_63 = arith.constant 0 : i32
      %cond3A_64 = arith.cmpi ne, %convert_element_type3A_62, %cond3A_63 : i32
      scf.if %cond3A_64 {
        %get3A_65 = arith.constant 0 : index
        %get3A_66 = arith.constant 0 : index
        %get3A_67 = vector.load %arg10[%get3A_65, %get3A_66] : memref<2x1024xf32, #tpu.memory_space<vmem>>, vector<2x1024xf32>
        %add3A_68 = arith.addf %get3A_67, %concatenate3A : vector<2x1024xf32>
        %swap3A_69 = arith.constant 0 : index
        %swap3A_70 = arith.constant 0 : index
        %swap3A_71 = vector.load %arg10[%swap3A_69, %swap3A_70] : memref<2x1024xf32, #tpu.memory_space<vmem>>, vector<2x1024xf32>
        tpu.vector_store %arg10[%swap3A_69, %swap3A_70], %add3A_68 {strides = array<i32>} : memref<2x1024xf32, #tpu.memory_space<vmem>>, vector<2x1024xf32>,
      } else {
      }
    } else {
    }
    return
  }
  func.func @transform_0(%arg0: i32, %arg1: i32) -> (i32, i32) {
    %c0_i32 = arith.constant 0 : i32
    return %arg0, %arg1 : i32, i32
  }
  func.func @transform_1(%arg0: i32, %arg1: i32) -> (i32, i32) {
    %c0_i32 = arith.constant 0 : i32
    %c0_i32_0 = arith.constant 0 : i32
    return %arg1, %c0_i32 : i32, i32
  }
  func.func @transform_2(%arg0: i32, %arg1: i32) -> (i32, i32) {
    %c0_i32 = arith.constant 0 : i32
    %c0_i32_0 = arith.constant 0 : i32
    return %arg0, %c0_i32 : i32, i32
  }
  func.func @transform_3(%arg0: i32, %arg1: i32) -> (i32, i32) {
    %c0_i32 = arith.constant 0 : i32
    %c0_i32_0 = arith.constant 0 : i32
    %c0_i32_1 = arith.constant 0 : i32
    return %c0_i32, %c0_i32_0 : i32, i32
  }
  func.func @transform_4(%arg0: i32, %arg1: i32) -> (i32, i32) {
    %c0_i32 = arith.constant 0 : i32
    %c0_i32_0 = arith.constant 0 : i32
    %c0_i32_1 = arith.constant 0 : i32
    return %c0_i32, %c0_i32_0 : i32, i32
  }
  func.func @transform_5(%arg0: i32, %arg1: i32) -> (i32, i32) {
    %c0_i32 = arith.constant 0 : i32
    %c0_i32_0 = arith.constant 0 : i32
    %c0_i32_1 = arith.constant 0 : i32
    return %c0_i32, %c0_i32_0 : i32, i32
  }
  func.func @transform_6(%arg0: i32, %arg1: i32) -> (i32, i32) {
    %c0_i32 = arith.constant 0 : i32
    %c0_i32_0 = arith.constant 0 : i32
    %c0_i32_1 = arith.constant 0 : i32
    return %c0_i32, %c0_i32_0 : i32, i32
  }
  func.func @transform_7(%arg0: i32, %arg1: i32) -> (i32, i32) {
    %c0_i32 = arith.constant 0 : i32
    %c0_i32_0 = arith.constant 0 : i32
    return %arg0, %c0_i32 : i32, i32
  }
  func.func @transform_8(%arg0: i32, %arg1: i32) -> (i32, i32) {
    %c0_i32 = arith.constant 0 : i32
    %c0_i32_0 = arith.constant 0 : i32
    %c0_i32_1 = arith.constant 0 : i32
    return %c0_i32, %c0_i32_0 : i32, i32
  }
}

module attributes {stable_mosaic.version = 14 : i64} {
  func.func @_normaff_body(%arg0: i32, %arg1: i32, %arg2: memref<512x256xf32, #tpu.memory_space<vmem>>, %arg3: memref<2x256xf32, #tpu.memory_space<vmem>>, %arg4: memref<512x256xf32, #tpu.memory_space<vmem>>, %arg5: memref<2x256xf32, #tpu.memory_space<vmem>>, %arg6: memref<1x256xf32, #tpu.memory_space<vmem>>, %arg7: memref<1x256xf32, #tpu.memory_space<vmem>>, %arg8: memref<512x512xf32, #tpu.memory_space<vmem>>) attributes {dimension_semantics = [#tpu.dimension_semantics<arbitrary>, #tpu.dimension_semantics<arbitrary>], iteration_bounds = array<i64: 8, 8>, scalar_prefetch = 0 : i64, scratch_operands = 0 : i64, tpu.core_type = #tpu.core_type<tc>, window_params = [{transform_indices = @transform_0, window_bounds = array<i64: 512, 256>}, {pipeline_mode = #tpu.pipeline_mode<synchronous>, transform_indices = @transform_1, window_bounds = array<i64: 2, 256>}, {transform_indices = @transform_2, window_bounds = array<i64: 512, 256>}, {pipeline_mode = #tpu.pipeline_mode<synchronous>, transform_indices = @transform_3, window_bounds = array<i64: 2, 256>}, {pipeline_mode = #tpu.pipeline_mode<synchronous>, transform_indices = @transform_4, window_bounds = array<i64: 1, 256>}, {pipeline_mode = #tpu.pipeline_mode<synchronous>, transform_indices = @transform_5, window_bounds = array<i64: 1, 256>}, {transform_indices = @transform_6, window_bounds = array<i64: 512, 512>}]} {
    %get3A = arith.constant 0 : index
    %get3A_0 = arith.constant 0 : index
    %get3A_1 = vector.load %arg2[%get3A, %get3A_0] : memref<512x256xf32, #tpu.memory_space<vmem>>, vector<512x256xf32>
    %get3A_2 = arith.constant 0 : index
    %get3A_3 = arith.constant 0 : index
    %get3A_4 = vector.load %arg3[%get3A_2, %get3A_3] : memref<2x256xf32, #tpu.memory_space<vmem>>, vector<2x256xf32>
    %get3A_5 = arith.constant 0 : index
    %get3A_6 = arith.constant 0 : index
    %get3A_7 = vector.load %arg6[%get3A_5, %get3A_6] : memref<1x256xf32, #tpu.memory_space<vmem>>, vector<1x256xf32>
    %get3A_8 = arith.constant 0 : index
    %get3A_9 = arith.constant 0 : index
    %get3A_10 = vector.load %arg7[%get3A_8, %get3A_9] : memref<1x256xf32, #tpu.memory_space<vmem>>, vector<1x256xf32>
    %slice3A = vector.extract_strided_slice %get3A_4 {offsets = [0, 0], sizes = [1, 256], strides = [1, 1]} : vector<2x256xf32> to vector<1x256xf32>
    %mul3A = arith.constant 2.44140625E-4 : f32
    %mul3A_11 = vector.broadcast %mul3A : f32 to vector<1x256xf32>
    %mul3A_12 = arith.mulf %slice3A, %mul3A_11 : vector<1x256xf32>
    %slice3A_13 = vector.extract_strided_slice %get3A_4 {offsets = [1, 0], sizes = [1, 256], strides = [1, 1]} : vector<2x256xf32> to vector<1x256xf32>
    %mul3A_14 = arith.constant 2.44140625E-4 : f32
    %mul3A_15 = vector.broadcast %mul3A_14 : f32 to vector<1x256xf32>
    %mul3A_16 = arith.mulf %slice3A_13, %mul3A_15 : vector<1x256xf32>
    %mul3A_17 = arith.mulf %mul3A_12, %mul3A_12 : vector<1x256xf32>
    %sub3A = arith.subf %mul3A_16, %mul3A_17 : vector<1x256xf32>
    %sub3A_18 = vector.broadcast %mul3A_12 : vector<1x256xf32> to vector<512x256xf32>
    %sub3A_19 = arith.subf %get3A_1, %sub3A_18 : vector<512x256xf32>
    %mul3A_20 = vector.broadcast %get3A_7 : vector<1x256xf32> to vector<512x256xf32>
    %mul3A_21 = arith.mulf %mul3A_20, %sub3A_19 : vector<512x256xf32>
    %add3A = arith.constant 9.99999974E-6 : f32
    %add3A_22 = vector.broadcast %add3A : f32 to vector<1x256xf32>
    %add3A_23 = arith.addf %sub3A, %add3A_22 : vector<1x256xf32>
    %rsqrt3A = math.rsqrt %add3A_23 : vector<1x256xf32>
    %mul3A_24 = vector.broadcast %rsqrt3A : vector<1x256xf32> to vector<512x256xf32>
    %mul3A_25 = arith.mulf %mul3A_21, %mul3A_24 : vector<512x256xf32>
    %add3A_26 = vector.broadcast %get3A_10 : vector<1x256xf32> to vector<512x256xf32>
    %add3A_27 = arith.addf %mul3A_25, %add3A_26 : vector<512x256xf32>
    %max3A = arith.constant 0.000000e+00 : f32
    %max3A_28 = vector.broadcast %max3A : f32 to vector<512x256xf32>
    %max3A_29 = arith.maximumf %add3A_27, %max3A_28 : vector<512x256xf32>
    %mul3A_30 = arith.mulf %max3A_29, %max3A_29 : vector<512x256xf32>
    %reduce_sum3A = arith.constant dense<0.000000e+00> : vector<512xf32>
    %reduce_sum3A_31 = vector.multi_reduction <add>, %mul3A_30, %reduce_sum3A [1] : vector<512x256xf32> to vector<512xf32>
    %broadcast_in_dim3A = vector.shape_cast %reduce_sum3A_31 : vector<512xf32> to vector<512x1xf32>
    %sqrt3A = math.sqrt %broadcast_in_dim3A : vector<512x1xf32>
    %max3A_32 = arith.constant 9.99999996E-13 : f32
    %max3A_33 = vector.broadcast %max3A_32 : f32 to vector<512x1xf32>
    %max3A_34 = arith.maximumf %sqrt3A, %max3A_33 : vector<512x1xf32>
    %div3A = vector.broadcast %max3A_34 : vector<512x1xf32> to vector<512x256xf32>
    %div3A_35 = arith.divf %max3A_29, %div3A : vector<512x256xf32>
    %get3A_36 = arith.constant 0 : index
    %get3A_37 = arith.constant 0 : index
    %get3A_38 = vector.load %arg4[%get3A_36, %get3A_37] : memref<512x256xf32, #tpu.memory_space<vmem>>, vector<512x256xf32>
    %get3A_39 = arith.constant 0 : index
    %get3A_40 = arith.constant 0 : index
    %get3A_41 = vector.load %arg5[%get3A_39, %get3A_40] : memref<2x256xf32, #tpu.memory_space<vmem>>, vector<2x256xf32>
    %get3A_42 = arith.constant 0 : index
    %get3A_43 = arith.constant 0 : index
    %get3A_44 = vector.load %arg6[%get3A_42, %get3A_43] : memref<1x256xf32, #tpu.memory_space<vmem>>, vector<1x256xf32>
    %get3A_45 = arith.constant 0 : index
    %get3A_46 = arith.constant 0 : index
    %get3A_47 = vector.load %arg7[%get3A_45, %get3A_46] : memref<1x256xf32, #tpu.memory_space<vmem>>, vector<1x256xf32>
    %slice3A_48 = vector.extract_strided_slice %get3A_41 {offsets = [0, 0], sizes = [1, 256], strides = [1, 1]} : vector<2x256xf32> to vector<1x256xf32>
    %mul3A_49 = arith.constant 2.44140625E-4 : f32
    %mul3A_50 = vector.broadcast %mul3A_49 : f32 to vector<1x256xf32>
    %mul3A_51 = arith.mulf %slice3A_48, %mul3A_50 : vector<1x256xf32>
    %slice3A_52 = vector.extract_strided_slice %get3A_41 {offsets = [1, 0], sizes = [1, 256], strides = [1, 1]} : vector<2x256xf32> to vector<1x256xf32>
    %mul3A_53 = arith.constant 2.44140625E-4 : f32
    %mul3A_54 = vector.broadcast %mul3A_53 : f32 to vector<1x256xf32>
    %mul3A_55 = arith.mulf %slice3A_52, %mul3A_54 : vector<1x256xf32>
    %mul3A_56 = arith.mulf %mul3A_51, %mul3A_51 : vector<1x256xf32>
    %sub3A_57 = arith.subf %mul3A_55, %mul3A_56 : vector<1x256xf32>
    %sub3A_58 = vector.broadcast %mul3A_51 : vector<1x256xf32> to vector<512x256xf32>
    %sub3A_59 = arith.subf %get3A_38, %sub3A_58 : vector<512x256xf32>
    %mul3A_60 = vector.broadcast %get3A_44 : vector<1x256xf32> to vector<512x256xf32>
    %mul3A_61 = arith.mulf %mul3A_60, %sub3A_59 : vector<512x256xf32>
    %add3A_62 = arith.constant 9.99999974E-6 : f32
    %add3A_63 = vector.broadcast %add3A_62 : f32 to vector<1x256xf32>
    %add3A_64 = arith.addf %sub3A_57, %add3A_63 : vector<1x256xf32>
    %rsqrt3A_65 = math.rsqrt %add3A_64 : vector<1x256xf32>
    %mul3A_66 = vector.broadcast %rsqrt3A_65 : vector<1x256xf32> to vector<512x256xf32>
    %mul3A_67 = arith.mulf %mul3A_61, %mul3A_66 : vector<512x256xf32>
    %add3A_68 = vector.broadcast %get3A_47 : vector<1x256xf32> to vector<512x256xf32>
    %add3A_69 = arith.addf %mul3A_67, %add3A_68 : vector<512x256xf32>
    %max3A_70 = arith.constant 0.000000e+00 : f32
    %max3A_71 = vector.broadcast %max3A_70 : f32 to vector<512x256xf32>
    %max3A_72 = arith.maximumf %add3A_69, %max3A_71 : vector<512x256xf32>
    %mul3A_73 = arith.mulf %max3A_72, %max3A_72 : vector<512x256xf32>
    %reduce_sum3A_74 = arith.constant dense<0.000000e+00> : vector<512xf32>
    %reduce_sum3A_75 = vector.multi_reduction <add>, %mul3A_73, %reduce_sum3A_74 [1] : vector<512x256xf32> to vector<512xf32>
    %broadcast_in_dim3A_76 = vector.shape_cast %reduce_sum3A_75 : vector<512xf32> to vector<512x1xf32>
    %sqrt3A_77 = math.sqrt %broadcast_in_dim3A_76 : vector<512x1xf32>
    %max3A_78 = arith.constant 9.99999996E-13 : f32
    %max3A_79 = vector.broadcast %max3A_78 : f32 to vector<512x1xf32>
    %max3A_80 = arith.maximumf %sqrt3A_77, %max3A_79 : vector<512x1xf32>
    %div3A_81 = vector.broadcast %max3A_80 : vector<512x1xf32> to vector<512x256xf32>
    %div3A_82 = arith.divf %max3A_72, %div3A_81 : vector<512x256xf32>
    %dot_general3A = arith.constant dense<0.000000e+00> : vector<512x512xf32>
    %dot_general3A_83 = tpu.matmul %div3A_35, %div3A_82, %dot_general3A {dimension_numbers = #tpu.dot_dimension_numbers<[1], [1], [0], [0], [0, 0, 1, 0], [], []>, transpose_lhs_hint = false} : vector<512x256xf32>, vector<512x256xf32>, vector<512x512xf32> -> vector<512x512xf32>
    %swap3A = arith.constant 0 : index
    %swap3A_84 = arith.constant 0 : index
    %swap3A_85 = vector.load %arg8[%swap3A, %swap3A_84] : memref<512x512xf32, #tpu.memory_space<vmem>>, vector<512x512xf32>
    tpu.vector_store %arg8[%swap3A, %swap3A_84], %dot_general3A_83 {strides = array<i32>} : memref<512x512xf32, #tpu.memory_space<vmem>>, vector<512x512xf32>,
    return
  }
  func.func @transform_0(%arg0: i32, %arg1: i32) -> (i32, i32) {
    %c0_i32 = arith.constant 0 : i32
    %c0_i32_0 = arith.constant 0 : i32
    return %arg0, %c0_i32 : i32, i32
  }
  func.func @transform_1(%arg0: i32, %arg1: i32) -> (i32, i32) {
    %c0_i32 = arith.constant 0 : i32
    %c0_i32_0 = arith.constant 0 : i32
    %c0_i32_1 = arith.constant 0 : i32
    return %c0_i32, %c0_i32_0 : i32, i32
  }
  func.func @transform_2(%arg0: i32, %arg1: i32) -> (i32, i32) {
    %c0_i32 = arith.constant 0 : i32
    %c0_i32_0 = arith.constant 0 : i32
    return %arg1, %c0_i32 : i32, i32
  }
  func.func @transform_3(%arg0: i32, %arg1: i32) -> (i32, i32) {
    %c0_i32 = arith.constant 0 : i32
    %c0_i32_0 = arith.constant 0 : i32
    %c0_i32_1 = arith.constant 0 : i32
    return %c0_i32, %c0_i32_0 : i32, i32
  }
  func.func @transform_4(%arg0: i32, %arg1: i32) -> (i32, i32) {
    %c0_i32 = arith.constant 0 : i32
    %c0_i32_0 = arith.constant 0 : i32
    %c0_i32_1 = arith.constant 0 : i32
    return %c0_i32, %c0_i32_0 : i32, i32
  }
  func.func @transform_5(%arg0: i32, %arg1: i32) -> (i32, i32) {
    %c0_i32 = arith.constant 0 : i32
    %c0_i32_0 = arith.constant 0 : i32
    %c0_i32_1 = arith.constant 0 : i32
    return %c0_i32, %c0_i32_0 : i32, i32
  }
  func.func @transform_6(%arg0: i32, %arg1: i32) -> (i32, i32) {
    %c0_i32 = arith.constant 0 : i32
    return %arg0, %arg1 : i32, i32
  }
}

</mosaic_0001>

<sc_bundles>
// kernel: kernel.12.cloned.1.call-start
scs
__scs_entry_jumppad:
0x0: {  	(pc) =	sbr.rel $0x88, $3  }
0x1: {  	(tag) =	ssettag $0x0;
	lr =	simm.s32 $0x1  }
0x2: {  	[smem:$0x3F93] =	sst lr;
	_ =	strace $0xD0000000  }
0x3: {  	_ = 	snop  }
0x4: {  	_ = 	snop  }
0x5: {  	_ = 	snop  }
0x6: {  	_ = 	snop  }
0x7: {  	_ = 	snop  }
__scs_overlays_trampoline_lowered:
0x8: {  	[smem:$0x3FA2] =	sst s0  }
0x9: {  	[smem:$0x3FA3] =	sst s1  }
0xa: {  	[smem:$0x3FA4] =	sst s2  }
0xb: {  	[smem:$0x3FA5] =	sst s3  }
0xc: {  	[smem:$0x3FA6] =	sst s4  }
0xd: {  	[smem:$0x3FA7] =	sst s5  }
0xe: {  	[smem:$0x3FA8] =	sst s6  }
0xf: {  	[smem:$0x3FA9] =	sst s7  }
0x10: {  	[smem:$0x3FAA] =	sst s8  }
0x11: {  	[smem:$0x3FAB] =	sst s9;
	s0 =	simm.s32 @!p0 $0x0  }
0x12: {  	s1 =	sld [smem:$0x3F91];
	s0 =	simm.s32 @p0 $0x1  }
0x13: {  	[smem:$0x3FAC] =	sst s0;
	s0 =	simm.s32 @!p1 $0x0  }
0x14: {  	s2 =	sld [smem:$0x3F90];
	s0 =	simm.s32 @p1 $0x1  }
0x15: {  	[smem:$0x3FAD] =	sst s0;
	s0 =	simm.s32 @!p2 $0x0  }
0x16: {  	s3 =	sld [smem:$0x3FDB];
	s0 =	simm.s32 @p2 $0x1  }
0x17: {  	s4 =	simm.s32 $0x1BF5;
	[smem:$0x3FAF] =	sst s0  }
0x18: {  	s0 =	sld [smem:$0x3F92];
	_ =	swait.ge [sflag:s4], $0x0  }
0x19: {  	s7 =	sld [smem:$0x3F93]  }
0x1a: {  	s8 =	sadd.s32 $0xFFFFE003, lr  }
0x1b: {  	s9 =	sadd.s32 $0xFFFFFEF7, lr;
	s5 =	simm.s32 $0xFFFFFFFF;
	p2 =	slt.u32 s8, $0xFFFFF086  }
0x1c: {  	p1 =	slt.u32 s9, $0xF7A;
	s5 =	simm.s32 @!p2 $0x0  }
0x1d: {  	s5 =	simm.s32 @p1 $0x1;
	p0 =	seq.s32 s7, s2  }
0x1e: {  	s7 =	smul.u32 @!p0 $0xF7A, s2;
	p2 =	seq.s32 @!p0 s5, $0x0  }
0x1f: {  	s9 =	smul.u32 $0xF7A, s1;
	s8 =	simm.s32 @!p0 $0x1BF5;
	p2 =	por !p2, p0  }
0x20: {  	[sflag:s8] =	ssyncset.s32 @!p0 $0xFFFFF086;
	s6 =	sadd.s32 @!p0 s3, s7;
	s7 =	simm.s32 @!p0 $0x108  }
0x21: {  	s3 =	sadd.s32 s3, s9;
	s6 =	sadd.s32 @!p0 $0x88, s6;
	s7 =	simm.s32 @p2 $0x1082  }
0x22: {  	[simem:s7], [sflag:s8] =	dma.local @!p0 [hbm:s6], $0xF7A  }
0x23: {  	s9 =	sor.u32 $0xD0000000, s2;
	s6 =	simm.s32 $0x108;
	_ =	swait.ge @!p0 [sflag:s8], $0x0  }
0x24: {  	s3 =	sadd.s32 $0x88, s3;
	s6 =	simm.s32 @!p1 $0x1082;
	[sflag:s4] =	ssyncset.s32 $0xFFFFF086  }
0x25: {  	[simem:s6], [sflag:s4] =	dma.local [hbm:s3], $0xF7A  }
0x26: {  	[smem:$0x3F93] =	sst s1;
	(tag) =	ssettag s2;
	_ =	strace s9  }
0x27: {  	s1 =	sld [smem:$0x3FA3]  }
0x28: {  	s2 =	sld [smem:$0x3FA4]  }
0x29: {  	s4 =	sld [smem:$0x3FA6]  }
0x2a: {  	p0 =	seq.s32 s5, $0x0;
	s5 =	sld [smem:$0x3FA7]  }
0x2b: {  	s6 =	sld [smem:$0x3FA8]  }
0x2c: {  	s7 =	sld [smem:$0x3FA9]  }
0x2d: {  	s3 =	simm.s32 $0x108;
	s8 =	sld [smem:$0x3FAA]  }
0x2e: {  	s3 =	simm.s32 @!p0 $0x1082;
	s9 =	sld [smem:$0x3FAB]  }
0x2f: {  	lr =	sadd.s32 s0, s3;
	s0 =	sld [smem:$0x3FA2]  }
0x30: {  	s3 =	sld [smem:$0x3FA5]  }
0x31: {  	[smem:$0x3FAE] =	sst s10  }
0x32: {  	s10 =	sld [smem:$0x3FAC];
	_ =	sdelay $0x3  }
0x33: {  	p0 =	seq.s32 s10, $0x1;
	s10 =	sld [smem:$0x3FAE];
	_ =	sdelay $0x3  }
0x34: {  	[smem:$0x3FAE] =	sst s10  }
0x35: {  	s10 =	sld [smem:$0x3FAD];
	_ =	sdelay $0x3  }
0x36: {  	p1 =	seq.s32 s10, $0x1;
	s10 =	sld [smem:$0x3FAE];
	_ =	sdelay $0x3  }
0x37: {  	[smem:$0x3FAE] =	sst s10  }
0x38: {  	s10 =	sld [smem:$0x3FAF]  }
0x39: {  	_ = 	snop;
	(pc) =	sbr.ind lr, $3  }
0x3a: {  	_ = 	snop  }
0x3b: {  	_ = 	snop  }
0x3c: {  	p2 =	seq.s32 s10, $0x1;
	s10 =	sld [smem:$0x3FAE]  }
0x3d: {  	_ =	shalt  }
0x3e: {  	_ =	shalt  }
0x3f: {  	_ =	shalt  }
0x40: {  	_ =	shalt  }
0x41: {  	_ =	shalt  }
0x42: {  	_ =	shalt  }
0x43: {  	_ =	shalt  }
0x44: {  	_ =	shalt  }
0x45: {  	_ =	shalt  }
0x46: {  	_ =	shalt  }
0x47: {  	_ =	shalt  }
0x48: {  	_ =	shalt  }
0x49: {  	_ =	shalt  }
0x4a: {  	_ =	shalt  }
0x4b: {  	_ =	shalt  }
0x4c: {  	_ =	shalt  }
0x4d: {  	_ =	shalt  }
0x4e: {  	_ =	shalt  }
0x4f: {  	_ =	shalt  }
0x50: {  	_ =	shalt  }
0x51: {  	_ =	shalt  }
0x52: {  	_ =	shalt  }
0x53: {  	_ =	shalt  }
0x54: {  	_ =	shalt  }
0x55: {  	_ =	shalt  }
0x56: {  	_ =	shalt  }
0x57: {  	_ =	shalt  }
0x58: {  	_ =	shalt  }
0x59: {  	_ =	shalt  }
0x5a: {  	_ =	shalt  }
0x5b: {  	_ =	shalt  }
0x5c: {  	_ =	shalt  }
0x5d: {  	_ =	shalt  }
0x5e: {  	_ =	shalt  }
0x5f: {  	_ =	shalt  }
0x60: {  	_ =	shalt  }
0x61: {  	_ =	shalt  }
0x62: {  	_ =	shalt  }
0x63: {  	_ =	shalt  }
0x64: {  	_ =	shalt  }
0x65: {  	_ =	shalt  }
0x66: {  	_ =	shalt  }
0x67: {  	_ =	shalt  }
0x68: {  	_ =	shalt  }
0x69: {  	_ =	shalt  }
0x6a: {  	_ =	shalt  }
0x6b: {  	_ =	shalt  }
0x6c: {  	_ =	shalt  }
0x6d: {  	_ =	shalt  }
0x6e: {  	_ =	shalt  }
0x6f: {  	_ =	shalt  }
0x70: {  	_ =	shalt  }
0x71: {  	_ =	shalt  }
0x72: {  	_ =	shalt  }
0x73: {  	_ =	shalt  }
0x74: {  	_ =	shalt  }
0x75: {  	_ =	shalt  }
0x76: {  	_ =	shalt  }
0x77: {  	_ =	shalt  }
0x78: {  	_ =	shalt  }
0x79: {  	_ =	shalt  }
0x7a: {  	_ =	shalt  }
0x7b: {  	_ =	shalt  }
0x7c: {  	_ =	shalt  }
0x7d: {  	_ =	shalt  }
0x7e: {  	_ =	shalt  }
0x7f: {  	_ =	shalt  }
0x80: {  	_ =	shalt  }
0x81: {  	_ =	shalt  }
0x82: {  	_ =	shalt  }
0x83: {  	_ =	shalt  }
0x84: {  	_ =	shalt  }
0x85: {  	_ =	shalt  }
0x86: {  	_ =	shalt  }
0x87: {  	_ =	shalt  }
.Lfunc_end0:
.L_simem_size_0:
called_computation.1_lowered:
.L_overlay_start_0:
0x88: {  	s2 =	sld [smem:$0x3FD9]  }
0x89: {  	s3 =	sld [smem:$0x3FFE];
	_ =	sdelay $0x1  }
0x8a: {  	s1 =	srdreg.scid  }
0x8b: {  	s0 =	sand.u32 $0x1, s1  }
0x8c: {  	s16 =	sshll.u32 s0, $0xA;
	s2 =	sadd.s32 s3, s2  }
0x8d: {  	s2 =	sadd.s32 s2, s16  }
0x8e: {  	[smem:$0x3FBA] =	sst s2  }
0x8f: {  	_ = 	snop  }
0x90: {  	(tm) =	ssettm $0x1  }
0x91: {  	s17 =	sld [smem:$0x3FFB];
	_ =	sdelay $0x3  }
0x92: {  	_ =	strace s17  }
0x93: {  	s2 =	sld [smem:$0x3FFC];
	_ =	sdelay $0x3  }
0x94: {  	_ =	strace s2  }
0x95: {  	s2 =	sld [smem:$0x3FFD];
	_ =	sdelay $0x3  }
0x96: {  	_ =	strace s2  }
0x97: {  	_ =	strace $0x8FFFFFFF  }
0x98: {  	s18 =	sld [smem:$0x3FDB];
	_ =	sdelay $0x1  }
0x99: {  	s19 =	simm.s32 $_scs_section_size  }
0x9a: {  	s4 =	simm.s32 $_size__tile_overlayer_lowered;
	s5 =	simm.s32 $_tile_overlayer_lowered  }
0x9b: {  	s22 =	simm.s32 $0x1BFF;
	s21 =	sshll.u32 s5, $0x1;
	s2 =	sadd.s32 s19, s18  }
0x9c: {  	s6 =	simm.s32 $0x0;
	s20 =	sshll.u32 s4, $0x1;
	s4 =	sadd.s32 s21, s2  }
0x9d: {  	[timem:s6], [sflag:s22] =	dma.local [hbm:s4], s20  }
0x9e: {  	_ =	swait.ge [sflag:s22], s20  }
0x9f: {  	s3 =	ssub.s32 $0x0, s20;
	[sflag:s22] =	ssyncset.done $0x0  }
0xa0: {  	[sflag:s22] =	ssyncadd.s32 s3;
	_ =	sdelay $0x1  }
0xa1: {  	s23 =	simm.s32 $0x1B8B  }
0xa2: {  	_ =	swait.ge [sflag:s23], $0x1  }
0xa3: {  	[sflag:s23] =	ssyncset.done $0x0  }
0xa4: {  	s25 =	simm.s32 $0x1B8E;
	s24 =	sld [smem:$0x3FFE];
	[sflag:s23] =	ssyncadd.s32 $0xFFFFFFFF  }
0xa5: {  	s26 =	simm.s32 $execute0_lowered;
	[smem:$0x3FD2] =	sst s25  }
0xa6: {  	s4 =	sshll.u32 s26, $0x1;
	_ =	strace $0x80000049;
	[dreg:$0x1] =	wrdreg $0xFFFFFFFF  }
0xa7: {  	s28 =	simm.s32 $_size_execute0_lowered;
	s2 =	sadd.s32 s2, s4;
	[dreg:$0x0] =	wrdreg $0x0  }
0xa8: {  	s4 =	sshll.u32 s28, $0x1;
	[dreg:$0x2] =	wrdreg s2  }
0xa9: {  	[dreg:$0x3] =	wrdreg s4  }
0xaa: {  	[dreg:$0x4] =	wrdreg $0xC0  }
0xab: {  	_ =	task [dreg:s6], $0x5FFFF  }
0xac: {  	[dreg:$0x1] =	wrdreg $0xFFFFFFFF  }
0xad: {  	[dreg:$0x0] =	wrdreg $0x60  }
0xae: {  	[dreg:$0x2] =	wrdreg s24  }
0xaf: {  	[dreg:$0x3] =	wrdreg $0x168000  }
0xb0: {  	[dreg:$0x4] =	wrdreg $0x9  }
0xb1: {  	_ =	task.clear_ibuf [dreg:s6], $0x5FFFF;
	_ =	strace $0x90000049  }
0xb2: {  	s29 =	simm.s32 $0x9;
	_ =	strace $0x8000004B  }
0xb3: {  	_ =	swait.ge [sflag:s29], $0x1  }
0xb4: {  	[sflag:s29] =	ssyncadd.s32 $0xFFFFFFFF  }
0xb5: {  	_ =	strace $0x9000004B  }
0xb6: {  	_ =	sfence  }
0xb7: {  	s30 =	sld [smem:$0x0];
	_ =	sdelay $0x2  }
0xb8: {  	s31 =	sshll.u32 s1, $0xD;
	s1 =	sshrl.u32 s1, $0x2  }
0xb9: {  	s3 =	sand.u32 $0x4000, s31;
	s1 =	sadd.s32 s1, s30  }
0xba: {  	s0 =	sor.u32 s3, s0;
	s1 =	sshll.u32 s1, $0x11  }
0xbb: {  	s0 =	sor.u32 s1, s0  }
0xbc: {  	s0 =	sadd.s32 $0x8F2B, s0  }
0xbd: {  	[sflag:s0] =	ssyncadd.remote.s32 $0x1  }
0xbe: {  	_ =	sfence.sel $0xFFFF  }
0xbf: {  	[dreg:$0x0] =	wrdreg $0xFFFFFFFF;
	(pc) =	sbr.abs _section_cstart, $3  }
0xc0: {  	[dreg:$0x1] =	wrdreg $0xFFFFFFFF  }
0xc1: {  	_ =	task.clear_ibuf [dreg:s6], $0x2FFFF;
	_ =	strace $0x9FFFFFFF  }
0xc2: {  	(tm) =	ssettm $0x7FFFFFFF  }
0xc3: {  	_ =	shalt  }
tec
execute0_lowered:
.L_overlay_start_1:
0x0: {  	(tag) =	ssettag $0x1  }
0x1: {  	s0 =	rddreg [dreg:$0x0]  }
0x2: {  	s1 =	rddreg [dreg:$0x1];
	s3 =	simm.s32 $0x0  }
0x3: {  	s2 =	srdreg.scid;
	s9 =	stileid.u32;
	s19 =	simm.s32 $0x1  }
0x4: {  	s21 =	simm.s32 $0x12000;
	s22 =	simm.s32 $0x80;
	s23 =	simm.s32 $0x400  }
0x5: {  	s28 =	simm.s32 $0x12C00;
	s29 =	simm.s32 $0x12F00;
	s30 =	simm.s32 $0x13200  }
0x6: {  	s31 =	simm.s32 $0x13500;
	[smem:$0x7FF] =	sst s3;
	s4 =	sand.u32 $0x1, s2  }
0x7: {  	s24 =	sshll.u32 s9, $0x9;
	s7 =	smul.u32 $0x6000, s9;
	s5 =	sadd.s32 $0x3A00, s0  }
0x8: {  	s6 =	ssub.s32 $0x2, s4;
	_ =	strace $0x8000004A;
	s2 =	sadd.s32 s24, s0  }
0x9: {  	s0 =	simm.s32 $0x13800;
	s8 =	sshrl.u32 s6, $0x1;
	s26 =	sshrl.u32 s7, $0x2  }
0xa: {  	s7 =	sadd.s32 $0x205C00, s2;
	s25 =	ssub.s32 s6, s8;
	s6 =	sshll.u32 s9, $0x1  }
0xb: {  	s8 =	sadd.s32 s26, s1;
	s9 =	sadd.s32 $0x203C00, s2;
	s26 =	simm.s32 $0x12900  }
0xc: {  	s2 =	simm.s32 $0x0;
	s10 =	sadd.s32 $0x80, s8;
	s11 =	sadd.s32 $0x100, s8  }
0xd: {  	s12 =	sadd.s32 $0x180, s8;
	s13 =	sadd.s32 $0x200, s8;
	s14 =	sadd.s32 $0x280, s8  }
0xe: {  	v0 =	vimm.s32 $0xFFFFFFFF;
	v1 =	vimm.s32 $0x0;
	v2 =	vimm.f32 $0.0e+00;
	s15 =	sadd.s32 $0x300, s8;
	s16 =	sadd.s32 $0x380, s8;
	s17 =	smax.u32 s25, $0x1  }
.LBB2_1:
0xf: {  	s18 =	simm.s32 $0x40;
	s20 =	simm.s32 $0x0  }
.LBB2_2:
0x10: {  	p0 =	sne.s32 s18, $0x5FC0;
	[tilespmem:s20+$0x12000] =	vst v0;
	s20 =	smov.u32 s18;
	s18 =	sadd.s32 $0x40, s18  }
.Ltmp0:
0x11: {  	(pc) =	sbr.rel @p0 .LBB2_2-.Ltmp0, $2  }
0x12: {  	_ =	sdelay $0x2  }
0x13: {  	s20 =	sshra.s32 s20, $0x2  }
0x14: {  	[tilespmem:s20+$0x12000] =	vst v0;
	s18 =	simm.s32 $0x0;
	s25 =	simm.s32 $0x10000  }
0x15: {  	[tilespmem:s25], [sflag:$0x1] =	stream.linear.gather [hbm4b:s7+s18], $0x1000, $0x38;
	[tilespmem:$0x18000] =	vst v63  }
0x16: {  	_ =	swait.ge [sflag:s19], $0x1000  }
0x17: {  	[sflag:s19] =	ssyncset.done $0x0  }
0x18: {  	s24 =	simm.s32 $0x11000;
	[sflag:s19] =	ssyncadd.s32 $0xFFFFF000  }
0x19: {  	[tilespmem:s24], [sflag:$0x1] =	stream.linear.gather [hbm4b:s9+s18], $0x1000, $0x38;
	[tilespmem:$0x18000] =	vst v63  }
0x1a: {  	_ =	swait.ge [sflag:s19], $0x1000  }
0x1b: {  	[sflag:s19] =	ssyncset.done $0x0  }
0x1c: {  	s25 =	simm.s32 $0x0;
	[sflag:s19] =	ssyncadd.s32 $0xFFFFF000  }
0x1d: {  	v4 =	vld [tilespmem:s25+$0x11000];
	_ =	sdelay $0x4  }
0x1e: {  	v10 =	vshrl.u32 v4, $0x9  }
0x1f: {  	v3 =	vimm.s32 $0x0;
	v4 =	vshll.u32 v4, $0xC;
	vm5 =	veq.s32 v10, $0x2  }
0x20: {  	v5 =	vld [tilespmem:s25+$0x10000];
	vm6 =	veq.s32 v10, $0x1;
	vm7 =	veq.s32 v10, $0x0;
	v6 =	vsel vm5, $0x1, v1  }
0x21: {  	vm0 =	veq.s32 v10, $0x3;
	vm1 =	veq.s32 v10, $0x4;
	v9 =	vsel vm6, $0x1, v1;
	(xrf0) =	vadd.scan.msk.s32 $0xffff, v6  }
0x22: {  	vm2 =	veq.s32 v10, $0x5;
	vm3 =	veq.s32 v10, $0x6;
	v6 =	vsel vm7, $0x1, v1;
	(xrf0) =	vadd.scan.msk.s32 $0xffff, v9  }
0x23: {  	vm4 =	veq.s32 v10, $0x7;
	v8 =	vmpcnt.ones.xlane vm6;
	v7 =	vmpcnt.ones.xlane vm5;
	(xrf0) =	vadd.scan.msk.s32 $0xffff, v6  }
0x24: {  	v12 =	vmpcnt.ones.xlane vm7;
	v11 =	vsel vm0, $0x1, v1;
	v13 =	vmpcnt.ones.xlane vm0  }
0x25: {  	v14 =	vsel vm4, $0x1, v1;
	v20 =	vmpcnt.ones.xlane vm4;
	v9 =	vadd.s32 v5, v4;
	(xrf0) =	vadd.scan.msk.s32 $0xffff, v11  }
0x26: {  	v5 =	vsel vm1, $0x1, v1;
	v4 =	vadd.s32 v3, v13;
	v13 =	vsel vm2, $0x1, v1  }
0x27: {  	v6 =	vmpcnt.ones.xlane vm1;
	v11 =	vmpcnt.ones.xlane vm2;
	(xrf0) =	vadd.scan.msk.s32 $0xffff, v5;
	v5 =	vadd.s32 v3, v12;
	v10, _, _ =	vpop (xrf0)  }
0x28: {  	v12 =	vsel vm3, $0x1, v1;
	(xrf0) =	vadd.scan.msk.s32 $0xffff, v13;
	v13 =	vmpcnt.ones.xlane vm3;
	v10 =	vadd.s32 v10, v3;
	v15, _, _ =	vpop (xrf0)  }
0x29: {  	v6 =	vadd.s32 v3, v6;
	(xrf0) =	vadd.scan.msk.s32 $0xffff, v12;
	v15 =	vadd.s32 v15, v3;
	v16 =	vadd.s32 $0xFFFFFFFF, v10;
	v17, _, _ =	vpop (xrf0)  }
0x2a: {  	v10 =	vadd.s32 v3, v13;
	v12 =	vadd.s32 v17, v3;
	v13 =	vadd.s32 $0xFFFFFFFF, v15  }
0x2b: {  	(xrf0) =	vadd.scan.msk.s32 $0xffff, v14;
	vm8 =	vlt.s32 v16, $0x2FF;
	v14, _, _ =	vpop (xrf0);
	v12 =	vadd.s32 $0xFFFFFFFF, v12;
	vm9 =	vlt.s32 v13, $0x2FF  }
0x2c: {  	v15 =	vnsel vm8, $0x2FF, v16;
	v14 =	vadd.s32 v14, v3;
	v13 =	vnsel vm9, $0x2FF, v13  }
0x2d: {  	v16, _, _ =	vpop (xrf0);
	vm15 =	vlt.s32 v12, $0x2FF;
	v21 =	vadd.s32 $0x600, v15;
	v14 =	vadd.s32 $0xFFFFFFFF, v14  }
0x2e: {  	v16 =	vadd.s32 v16, v3;
	v13 =	vadd.s32 $0x300, v13;
	v17, _, _ =	vpop (xrf0);
	v12 =	vnsel vm15, $0x2FF, v12  }
0x2f: {  	vm13 =	vlt.s32 v14, $0x2FF;
	v15 =	vadd.s32 $0xFFFFFFFF, v16;
	v16 =	vadd.s32 v17, v3;
	v17, _, _ =	vpop (xrf0)  }
0x30: {  	v14 =	vnsel vm13, $0x2FF, v14;
	vm12 =	vlt.s32 v15, $0x2FF;
	v17 =	vadd.s32 v17, v3  }
0x31: {  	v18 =	vadd.s32 $0xFFFFFFFF, v16;
	v15 =	vnsel vm12, $0x2FF, v15;
	v17 =	vadd.s32 $0xFFFFFFFF, v17  }
0x32: {  	vm14 =	vlt.s32 v18, $0x2FF;
	v16, _, _ =	vpop (xrf0);
	v15 =	vadd.s32 $0xC00, v15;
	vm15 =	vlt.s32 v17, $0x2FF  }
0x33: {  	v19 =	vadd.s32 v16, v3;
	v16 =	vadd.s32 $0x900, v14;
	[tilespmem:v12+s21+$0x0] =	vst.idx.msk vm7, v9;
	v12 =	vnsel vm14, $0x2FF, v18  }
0x34: {  	v18 =	vnsel vm15, $0x2FF, v17;
	v14 =	vadd.s32 $0xFFFFFFFF, v19;
	v17 =	vadd.s32 $0xF00, v12  }
0x35: {  	[tilespmem:v13+s21+$0x0] =	vst.idx.msk vm6, v9;
	v18 =	vadd.s32 $0x1200, v18;
	v12 =	vadd.s32 v3, v20;
	vm7 =	vlt.s32 v14, $0x2FF  }
0x36: {  	s18 =	simm.s32 $0x40;
	v13 =	vimm.s32 $0x0;
	[tilespmem:v21+s21+$0x0] =	vst.idx.msk vm5, v9;
	v19 =	vnsel vm7, $0x2FF, v14;
	v14 =	vimm.s32 $0x0  }
.LBB2_4:
0x37: {  	p0 =	sne.s32 s18, $0x3FC0;
	v3 =	vadd.s32 v3, v8;
	v13 =	vadd.s32 v13, v11;
	v8 =	vadd.s32 $0x1500, v19;
	v19 =	vmovc v4;
	v20 =	vmovc v5;
	s20 =	smov.u32 s18;
	s18 =	sadd.s32 $0x40, s18  }
0x38: {  	v14 =	vadd.s32 v14, v7;
	v21 =	vmov v10;
	[tilespmem:v16+s21+$0x0] =	vst.idx.msk vm0, v9;
	v16 =	vmov v6  }
0x39: {  	[tilespmem:v15+s21+$0x0] =	vst.idx.msk vm1, v9  }
0x3a: {  	[tilespmem:v17+s21+$0x0] =	vst.idx.msk vm2, v9  }
0x3b: {  	s20 =	sshra.s32 s20, $0x2;
	[tilespmem:v18+s21+$0x0] =	vst.idx.msk vm3, v9  }
0x3c: {  	[tilespmem:v8+s21+$0x0] =	vst.idx.msk vm4, v9  }
0x3d: {  	v7 =	vld [tilespmem:s20+$0x11000];
	_ =	sdelay $0x4  }
0x3e: {  	v9 =	vld [tilespmem:s20+$0x10000];
	v11 =	vshll.u32 v7, $0xC;
	v15 =	vshrl.u32 v7, $0x9  }
0x3f: {  	vm6 =	veq.s32 v15, $0x1;
	vm5 =	veq.s32 v15, $0x2  }
0x40: {  	v8 =	vmpcnt.ones.xlane vm6;
	v17 =	vsel vm5, $0x1, v1;
	v7 =	vmpcnt.ones.xlane vm5  }
0x41: {  	vm7 =	veq.s32 v15, $0x0;
	vm0 =	veq.s32 v15, $0x3;
	v18 =	vsel vm6, $0x1, v1;
	(xrf0) =	vadd.scan.msk.s32 $0xffff, v17  }
0x42: {  	v22 =	vmpcnt.ones.xlane vm7;
	v23 =	vsel vm0, $0x1, v1;
	v17 =	vsel vm7, $0x1, v1;
	(xrf0) =	vadd.scan.msk.s32 $0xffff, v18  }
0x43: {  	vm1 =	veq.s32 v15, $0x4;
	v9 =	vadd.s32 v9, v11;
	v11 =	vmpcnt.ones.xlane vm0;
	(xrf0) =	vadd.scan.msk.s32 $0xffff, v17  }
0x44: {  	vm2 =	veq.s32 v15, $0x5;
	v18 =	vmpcnt.ones.xlane vm1;
	v17 =	vsel vm1, $0x1, v1;
	(xrf0) =	vadd.scan.msk.s32 $0xffff, v23  }
0x45: {  	v23 =	vsel vm2, $0x1, v1;
	v4 =	vadd.s32 v4, v11;
	v11 =	vmpcnt.ones.xlane vm2;
	(xrf0) =	vadd.scan.msk.s32 $0xffff, v17  }
0x46: {  	vm3 =	veq.s32 v15, $0x6;
	v5 =	vadd.s32 v5, v22;
	v6 =	vadd.s32 v6, v18;
	(xrf0) =	vadd.scan.msk.s32 $0xffff, v23  }
0x47: {  	vm4 =	veq.s32 v15, $0x7;
	v25 =	vmpcnt.ones.xlane vm3;
	v17 =	vsel vm3, $0x1, v1;
	v15, _, _ =	vpop (xrf0)  }
0x48: {  	v22 =	vsel vm4, $0x1, v1;
	v23 =	vmpcnt.ones.xlane vm4;
	v15 =	vadd.s32 v15, v14;
	v24, _, _ =	vpop (xrf0);
	(xrf0) =	vadd.scan.msk.s32 $0xffff, v17  }
0x49: {  	v10 =	vadd.s32 v10, v25;
	v17 =	vadd.s32 v24, v3;
	v15 =	vadd.s32 $0xFFFFFFFF, v15;
	v18, _, _ =	vpop (xrf0);
	(xrf0) =	vadd.scan.msk.s32 $0xffff, v22  }
0x4a: {  	v18 =	vadd.s32 v18, v20;
	v17 =	vadd.s32 $0xFFFFFFFF, v17;
	vm8 =	vlt.s32 v15, $0x2FF;
	v20, _, _ =	vpop (xrf0)  }
0x4b: {  	v18 =	vadd.s32 $0xFFFFFFFF, v18;
	vm9 =	vlt.s32 v17, $0x2FF;
	v15 =	vnsel vm8, $0x2FF, v15;
	v22, _, _ =	vpop (xrf0)  }
0x4c: {  	v19 =	vadd.s32 v20, v19;
	v17 =	vnsel vm9, $0x2FF, v17;
	v16 =	vadd.s32 v22, v16;
	v20, _, _ =	vpop (xrf0)  }
0x4d: {  	vm8 =	vlt.s32 v18, $0x2FF;
	v22 =	vadd.s32 $0x600, v15;
	v17 =	vadd.s32 $0x300, v17  }
0x4e: {  	v18 =	vnsel vm8, $0x2FF, v18;
	v15 =	vadd.s32 $0xFFFFFFFF, v16;
	v16 =	vadd.s32 v20, v13;
	v20, _, _ =	vpop (xrf0)  }
0x4f: {  	v19 =	vadd.s32 $0xFFFFFFFF, v19;
	vm8 =	vlt.s32 v15, $0x2FF;
	v24 =	vadd.s32 $0xFFFFFFFF, v16;
	v25, _, _ =	vpop (xrf0)  }
0x50: {  	vm9 =	vlt.s32 v19, $0x2FF;
	v15 =	vnsel vm8, $0x2FF, v15;
	vm8 =	vlt.s32 v24, $0x2FF  }
.Ltmp1:
0x51: {  	v16 =	vnsel vm9, $0x2FF, v19;
	v19 =	vadd.s32 v20, v21;
	v15 =	vadd.s32 $0xC00, v15;
	(pc) =	sbr.rel @p0 .LBB2_4-.Ltmp1, $4  }
0x52: {  	v16 =	vadd.s32 $0x900, v16;
	v19 =	vadd.s32 $0xFFFFFFFF, v19;
	v20 =	vadd.s32 v25, v12  }
0x53: {  	v20 =	vadd.s32 $0xFFFFFFFF, v20;
	[tilespmem:v18+s21+$0x0] =	vst.idx.msk vm7, v9;
	v18 =	vnsel vm8, $0x2FF, v24;
	vm7 =	vlt.s32 v19, $0x2FF  }
0x54: {  	[tilespmem:v17+s21+$0x0] =	vst.idx.msk vm6, v9;
	v17 =	vadd.s32 $0xF00, v18;
	v18 =	vnsel vm7, $0x2FF, v19;
	vm6 =	vlt.s32 v20, $0x2FF  }
0x55: {  	v12 =	vadd.s32 v12, v23;
	[tilespmem:v22+s21+$0x0] =	vst.idx.msk vm5, v9;
	v18 =	vadd.s32 $0x1200, v18;
	v19 =	vnsel vm6, $0x2FF, v20  }
0x56: {  	_ =	sdelay $0x3  }
0x57: {  	v3 =	vadd.s32 $0x1500, v19  }
0x58: {  	[tilespmem:v16+s21+$0x0] =	vst.idx.msk vm0, v9  }
0x59: {  	[tilespmem:v15+s21+$0x0] =	vst.idx.msk vm1, v9  }
0x5a: {  	[tilespmem:v17+s21+$0x0] =	vst.idx.msk vm2, v9  }
0x5b: {  	[tilespmem:v18+s21+$0x0] =	vst.idx.msk vm3, v9  }
0x5c: {  	[tilespmem:v3+s21+$0x0] =	vst.idx.msk vm4, v9  }
0x5d: {  	[spmem:s8] =	stream.strided.scatter [tilespmem:s21], [sflag:$0x1], $0x300, s23, s22, $0x38;
	[tilespmem:$0x18000] =	vst v63  }
0x5e: {  	_ =	swait.ge [sflag:s19], $0x300  }
0x5f: {  	[sflag:s19] =	ssyncset.done $0x0  }
0x60: {  	s18 =	simm.s32 $0x12300;
	[sflag:s19] =	ssyncadd.s32 $0xFFFFFD00  }
0x61: {  	[spmem:s10] =	stream.strided.scatter [tilespmem:s18], [sflag:$0x1], $0x300, s23, s22, $0x38;
	[tilespmem:$0x18000] =	vst v63  }
0x62: {  	_ =	swait.ge [sflag:s19], $0x300  }
0x63: {  	[sflag:s19] =	ssyncset.done $0x0  }
0x64: {  	s25 =	simm.s32 $0x12600;
	[sflag:s19] =	ssyncadd.s32 $0xFFFFFD00  }
0x65: {  	[spmem:s11] =	stream.strided.scatter [tilespmem:s25], [sflag:$0x1], $0x300, s23, s22, $0x38;
	[tilespmem:$0x18000] =	vst v63  }
0x66: {  	_ =	swait.ge [sflag:s19], $0x300  }
0x67: {  	[sflag:s19] =	ssyncset.done $0x0  }
0x68: {  	[sflag:s19] =	ssyncadd.s32 $0xFFFFFD00  }
0x69: {  	[spmem:s12] =	stream.strided.scatter [tilespmem:s26], [sflag:$0x1], $0x300, s23, s22, $0x38;
	[tilespmem:$0x18000] =	vst v63  }
0x6a: {  	_ =	swait.ge [sflag:s19], $0x300  }
0x6b: {  	[sflag:s19] =	ssyncset.done $0x0  }
0x6c: {  	[sflag:s19] =	ssyncadd.s32 $0xFFFFFD00  }
0x6d: {  	[spmem:s13] =	stream.strided.scatter [tilespmem:s28], [sflag:$0x1], $0x300, s23, s22, $0x38;
	[tilespmem:$0x18000] =	vst v63  }
0x6e: {  	_ =	swait.ge [sflag:s19], $0x300  }
0x6f: {  	[sflag:s19] =	ssyncset.done $0x0  }
0x70: {  	[sflag:s19] =	ssyncadd.s32 $0xFFFFFD00  }
0x71: {  	[spmem:s14] =	stream.strided.scatter [tilespmem:s29], [sflag:$0x1], $0x300, s23, s22, $0x38;
	[tilespmem:$0x18000] =	vst v63  }
0x72: {  	_ =	swait.ge [sflag:s19], $0x300  }
0x73: {  	[sflag:s19] =	ssyncset.done $0x0  }
0x74: {  	[sflag:s19] =	ssyncadd.s32 $0xFFFFFD00  }
0x75: {  	[spmem:s15] =	stream.strided.scatter [tilespmem:s30], [sflag:$0x1], $0x300, s23, s22, $0x38;
	[tilespmem:$0x18000] =	vst v63  }
0x76: {  	_ =	swait.ge [sflag:s19], $0x300  }
0x77: {  	[sflag:s19] =	ssyncset.done $0x0  }
0x78: {  	[sflag:s19] =	ssyncadd.s32 $0xFFFFFD00  }
0x79: {  	[spmem:s16] =	stream.strided.scatter [tilespmem:s31], [sflag:$0x1], $0x300, s23, s22, $0x38;
	[tilespmem:$0x18000] =	vst v63  }
0x7a: {  	_ =	swait.ge [sflag:s19], $0x300  }
0x7b: {  	[sflag:s19] =	ssyncset.done $0x0  }
0x7c: {  	[sflag:s19] =	ssyncadd.s32 $0xFFFFFD00  }
0x7d: {  	s18 =	simm.s32 $0x0;
	[bflag:$0x0] =	sbarrier.arrive $0xFFFF  }
.LBB2_6:
0x7e: {  	s20 =	sshll.u32 s18, $0x7  }
0x7f: {  	s20 =	sand.u32 $0x3FFFFF80, s20  }
0x80: {  	s20 =	sadd.s32 s20, s1  }
0x81: {  	[tilespmem:s0], [sflag:$0x1] =	stream.strided.gather [spmem:s20], $0x3000, s23, s22, $0x38;
	[tilespmem:$0x18000] =	vst v63  }
0x82: {  	_ =	swait.ge [sflag:s19], $0x3000  }
0x83: {  	[sflag:s19] =	ssyncset.done $0x0  }
0x84: {  	s24 =	simm.s32 $0x200;
	s20 =	simm.s32 $0x0;
	[sflag:s19] =	ssyncadd.s32 $0xFFFFD000  }
.LBB2_7:
0x85: {  	p0 =	seq.s32 s24, $0x3FE00;
	[tilespmem:s20+$0x70] =	vst v2  }
0x86: {  	[tilespmem:s20+$0x0] =	vst v2  }
0x87: {  	[tilespmem:s20+$0x10] =	vst v2  }
.Ltmp2:
0x88: {  	[tilespmem:s20+$0x20] =	vst v2;
	(pc) =	sbr.rel @!p0 .LBB2_7-.Ltmp2, $4  }
0x89: {  	[tilespmem:s20+$0x30] =	vst v2  }
0x8a: {  	[tilespmem:s20+$0x40] =	vst v2  }
0x8b: {  	[tilespmem:s20+$0x50] =	vst v2  }
0x8c: {  	[tilespmem:s20+$0x60] =	vst v2;
	s20 =	sshra.s32 s24, $0x2;
	s24 =	sadd.s32 $0x200, s24  }
0x8d: {  	[tilespmem:s20+$0x70] =	vst v2  }
0x8e: {  	[tilespmem:s20+$0x0] =	vst v2  }
0x8f: {  	[tilespmem:s20+$0x10] =	vst v2  }
0x90: {  	[tilespmem:s20+$0x20] =	vst v2  }
0x91: {  	[tilespmem:s20+$0x30] =	vst v2  }
0x92: {  	[tilespmem:s20+$0x40] =	vst v2  }
0x93: {  	[tilespmem:s20+$0x50] =	vst v2;
	s25 =	sshll.u32 s18, $0x5  }
0x94: {  	[tilespmem:s20+$0x60] =	vst v2;
	s20 =	sor.u32 s25, s6  }
0x95: {  	s20 =	sor.u32 s4, s20  }
0x96: {  	s24 =	sshll.u32 s20, $0x4  }
0x97: {  	v3 =	vmov s24;
	s24 =	simm.s32 $0x0  }
.LBB2_9:
0x98: {  	s25 =	sshra.s32 s24, $0x2  }
0x99: {  	v4 =	vld [tilespmem:s25+$0x13800];
	_ =	sdelay $0x4  }
0x9a: {  	v5 =	vshra.s32 v4, $0xC  }
0x9b: {  	v5 =	vsub.s32 v5, v3  }
0x9c: {  	v6 =	vor.u32 v4, v5;
	vm1 =	vlt.s32 v5, $0x10  }
0x9d: {  	v5 =	vshll.u32 v5, $0xC;
	v4 =	vand.u32 $0xFFF, v4;
	vm0 =	vgt.s32 v6, $0xFFFFFFFF  }
0x9e: {  	v4 =	vor.u32 v4, v5;
	vm0 =	vmand vm1, vm0  }
0x9f: {  	v4 =	vnsel vm0, $0x0, v4;
	_ =	sdelay $0x3  }
0xa0: {  	v5 =	vsel vm0, $0x3F800000, v2  }
0xa1: {  	[tilespmem:v4+s3+$0x0] =	vst.idx.add.f32.msk $0xffff, v5  }
0xa2: {  	v4 =	vld [tilespmem:s25+$0x13810];
	_ =	sdelay $0x4  }
0xa3: {  	v5 =	vshra.s32 v4, $0xC  }
0xa4: {  	v5 =	vsub.s32 v5, v3  }
0xa5: {  	v57 =	vor.u32 v4, v5;
	vm15 =	vlt.s32 v5, $0x10  }
0xa6: {  	v5 =	vshll.u32 v5, $0xC;
	v4 =	vand.u32 $0xFFF, v4;
	vm14 =	vgt.s32 v57, $0xFFFFFFFF  }
0xa7: {  	v4 =	vor.u32 v4, v5;
	vm0 =	vmand vm15, vm14  }
0xa8: {  	v4 =	vnsel vm0, $0x0, v4;
	_ =	sdelay $0x3  }
0xa9: {  	v5 =	vsel vm0, $0x3F800000, v2  }
0xaa: {  	[tilespmem:v4+s3+$0x0] =	vst.idx.add.f32.msk $0xffff, v5  }
0xab: {  	v4 =	vld [tilespmem:s25+$0x13820];
	_ =	sdelay $0x4  }
0xac: {  	v5 =	vshra.s32 v4, $0xC  }
0xad: {  	v5 =	vsub.s32 v5, v3  }
0xae: {  	v58 =	vor.u32 v4, v5;
	vm5 =	vlt.s32 v5, $0x10  }
0xaf: {  	v5 =	vshll.u32 v5, $0xC;
	v4 =	vand.u32 $0xFFF, v4;
	vm4 =	vgt.s32 v58, $0xFFFFFFFF  }
0xb0: {  	v4 =	vor.u32 v4, v5;
	vm0 =	vmand vm5, vm4  }
0xb1: {  	v4 =	vnsel vm0, $0x0, v4;
	_ =	sdelay $0x3  }
0xb2: {  	v5 =	vsel vm0, $0x3F800000, v2  }
0xb3: {  	[tilespmem:v4+s3+$0x0] =	vst.idx.add.f32.msk $0xffff, v5  }
0xb4: {  	v4 =	vld [tilespmem:s25+$0x13830];
	_ =	sdelay $0x4  }
0xb5: {  	v5 =	vshra.s32 v4, $0xC  }
0xb6: {  	v5 =	vsub.s32 v5, v3  }
0xb7: {  	v59 =	vor.u32 v4, v5;
	vm7 =	vlt.s32 v5, $0x10  }
0xb8: {  	v5 =	vshll.u32 v5, $0xC;
	v4 =	vand.u32 $0xFFF, v4;
	vm6 =	vgt.s32 v59, $0xFFFFFFFF  }
0xb9: {  	v4 =	vor.u32 v4, v5;
	vm0 =	vmand vm7, vm6  }
0xba: {  	v4 =	vnsel vm0, $0x0, v4;
	_ =	sdelay $0x3  }
0xbb: {  	v5 =	vsel vm0, $0x3F800000, v2  }
0xbc: {  	[tilespmem:v4+s3+$0x0] =	vst.idx.add.f32.msk $0xffff, v5  }
0xbd: {  	v4 =	vld [tilespmem:s25+$0x13840];
	_ =	sdelay $0x4  }
0xbe: {  	v5 =	vshra.s32 v4, $0xC  }
0xbf: {  	v5 =	vsub.s32 v5, v3  }
0xc0: {  	v60 =	vor.u32 v4, v5;
	vm9 =	vlt.s32 v5, $0x10  }
0xc1: {  	v5 =	vshll.u32 v5, $0xC;
	v4 =	vand.u32 $0xFFF, v4;
	vm8 =	vgt.s32 v60, $0xFFFFFFFF  }
0xc2: {  	v4 =	vor.u32 v4, v5;
	vm0 =	vmand vm9, vm8  }
0xc3: {  	v4 =	vnsel vm0, $0x0, v4;
	_ =	sdelay $0x3  }
0xc4: {  	v5 =	vsel vm0, $0x3F800000, v2  }
0xc5: {  	[tilespmem:v4+s3+$0x0] =	vst.idx.add.f32.msk $0xffff, v5  }
0xc6: {  	v4 =	vld [tilespmem:s25+$0x13850];
	_ =	sdelay $0x4  }
0xc7: {  	v5 =	vshra.s32 v4, $0xC  }
0xc8: {  	v5 =	vsub.s32 v5, v3  }
0xc9: {  	v61 =	vor.u32 v4, v5;
	vm11 =	vlt.s32 v5, $0x10  }
0xca: {  	v5 =	vshll.u32 v5, $0xC;
	v4 =	vand.u32 $0xFFF, v4;
	vm10 =	vgt.s32 v61, $0xFFFFFFFF  }
0xcb: {  	v4 =	vor.u32 v4, v5;
	vm0 =	vmand vm11, vm10  }
0xcc: {  	v4 =	vnsel vm0, $0x0, v4;
	_ =	sdelay $0x3  }
0xcd: {  	v5 =	vsel vm0, $0x3F800000, v2  }
0xce: {  	[tilespmem:v4+s3+$0x0] =	vst.idx.add.f32.msk $0xffff, v5  }
0xcf: {  	v4 =	vld [tilespmem:s25+$0x13860];
	_ =	sdelay $0x4  }
0xd0: {  	v5 =	vshra.s32 v4, $0xC  }
0xd1: {  	v5 =	vsub.s32 v5, v3  }
0xd2: {  	v62 =	vor.u32 v4, v5;
	vm13 =	vlt.s32 v5, $0x10  }
0xd3: {  	v5 =	vshll.u32 v5, $0xC;
	v4 =	vand.u32 $0xFFF, v4;
	vm12 =	vgt.s32 v62, $0xFFFFFFFF  }
0xd4: {  	v4 =	vor.u32 v4, v5;
	vm0 =	vmand vm13, vm12  }
0xd5: {  	v4 =	vnsel vm0, $0x0, v4;
	_ =	sdelay $0x3  }
0xd6: {  	v5 =	vsel vm0, $0x3F800000, v2  }
0xd7: {  	[tilespmem:v4+s3+$0x0] =	vst.idx.add.f32.msk $0xffff, v5  }
0xd8: {  	v4 =	vld [tilespmem:s25+$0x13870];
	_ =	sdelay $0x4  }
0xd9: {  	v5 =	vshra.s32 v4, $0xC  }
0xda: {  	v5 =	vsub.s32 v5, v3  }
0xdb: {  	v63 =	vor.u32 v4, v5;
	vm15 =	vlt.s32 v5, $0x10  }
0xdc: {  	v5 =	vshll.u32 v5, $0xC;
	v4 =	vand.u32 $0xFFF, v4;
	vm14 =	vgt.s32 v63, $0xFFFFFFFF  }
0xdd: {  	v4 =	vor.u32 v4, v5;
	vm0 =	vmand vm15, vm14  }
0xde: {  	p0 =	sne.s32 s24, $0xBE00;
	v4 =	vnsel vm0, $0x0, v4  }
.Ltmp3:
0xdf: {  	_ = 	snop;
	(pc) =	sbr.rel @p0 .LBB2_9-.Ltmp3, $3  }
0xe0: {  	_ =	sdelay $0x1  }
0xe1: {  	v5 =	vsel vm0, $0x3F800000, v2  }
0xe2: {  	s24 =	sadd.s32 $0x200, s24;
	[tilespmem:v4+s3+$0x0] =	vst.idx.add.f32.msk $0xffff, v5  }
0xe3: {  	s18 =	sadd.s32 $0x1, s18  }
0xe4: {  	s20 =	sshll.u32 s20, $0xD;
	p0 =	sne.s32 s18, $0x8  }
.Ltmp4:
0xe5: {  	s20 =	sadd.s32 s5, s20;
	(pc) =	sbr.rel @p0 .LBB2_6-.Ltmp4, $4  }
0xe6: {  	[hbm4b:s20+s3] =	stream.linear.scatter [tilespmem:s3], [sflag:$0x1], $0x10000, $0x38;
	[tilespmem:$0x18000] =	vst v63  }
0xe7: {  	_ =	swait.ge [sflag:s19], $0x10000  }
0xe8: {  	[sflag:s19] =	ssyncset.done $0x0  }
0xe9: {  	[sflag:s19] =	ssyncadd.s32 $0xFFFF0000  }
0xea: {  	s2 =	sadd.s32 $0x1, s2  }
0xeb: {  	p0 =	sne.s32 s2, s17  }
.Ltmp5:
0xec: {  	_ = 	snop;
	(pc) =	sbr.rel @p0 .LBB2_1-.Ltmp5, $1  }
0xed: {  	_ =	sdelay $0x3  }
0xee: {  	_ =	sfence.sel $0x180000  }
0xef: {  	[bflag:$0x0] =	sbarrier.arrive $0xFFFF  }
0xf0: {  	_ =	strace $0x9000004A  }
0xf1: {  	s0 =	stileid.u32;
	[bflag:$0x2] =	sbarrier.arrive $0xFFFF  }
0xf2: {  	p0 =	sne.s32 s0, $0x0;
	s0 =	rddreg [dreg:$0x2]  }
0xf3: {  	s0 =	sadd.s32 @!p0 $0x100000, s0  }
0xf4: {  	[sflag:s0] =	ssyncadd.tile.s32 @!p0 $0x1;
	_ =	shalt  }
.Lfunc_end2:
_tile_overlayer_lowered:
.L_overlay_start_2:
0xf5: {  	(tag) =	ssettag $0x2  }
0xf6: {  	s0 =	rddreg [dreg:$0x0];
	s2 =	stileid.u32  }
0xf7: {  	s1 =	rddreg [dreg:$0x1];
	p0 =	sne.s32 s2, $0x0  }
0xf8: {  	s3 =	rddreg [dreg:$0x2];
	[bflag:$0x3] =	sbarrier.arrive $0xFFFF;
	s2 =	simm.s32 @!p0 $0x1C01  }
0xf9: {  	[timem:s3], [sflag:s2] =	dma.local @!p0 [hbm:s0], s1  }
0xfa: {  	s0 =	simm.s32 @!p0 $0x1  }
0xfb: {  	_ =	swait.ge @!p0 [sflag:s0], s1  }
0xfc: {  	s1 =	ssub.s32 @!p0 $0x0, s1;
	[sflag:s0] =	ssyncset.done @!p0 $0x0  }
0xfd: {  	[sflag:s0] =	ssyncadd.s32 @!p0 s1  }
0xfe: {  	[bflag:$0x3] =	sbarrier.arrive $0xFFFF  }
0xff: {  	_ =	shalt  }

// kernel: kernel.9.cloned.1.call-start
scs
__scs_entry_jumppad:
0x0: {  	(pc) =	sbr.rel $0x88, $3  }
0x1: {  	(tag) =	ssettag $0x0;
	lr =	simm.s32 $0x1  }
0x2: {  	[smem:$0x3F93] =	sst lr;
	_ =	strace $0xD0000000  }
0x3: {  	_ = 	snop  }
0x4: {  	_ = 	snop  }
0x5: {  	_ = 	snop  }
0x6: {  	_ = 	snop  }
0x7: {  	_ = 	snop  }
__scs_overlays_trampoline_lowered:
0x8: {  	[smem:$0x3FA2] =	sst s0  }
0x9: {  	[smem:$0x3FA3] =	sst s1  }
0xa: {  	[smem:$0x3FA4] =	sst s2  }
0xb: {  	[smem:$0x3FA5] =	sst s3  }
0xc: {  	[smem:$0x3FA6] =	sst s4  }
0xd: {  	[smem:$0x3FA7] =	sst s5  }
0xe: {  	[smem:$0x3FA8] =	sst s6  }
0xf: {  	[smem:$0x3FA9] =	sst s7  }
0x10: {  	[smem:$0x3FAA] =	sst s8  }
0x11: {  	[smem:$0x3FAB] =	sst s9;
	s0 =	simm.s32 @!p0 $0x0  }
0x12: {  	s1 =	sld [smem:$0x3F91];
	s0 =	simm.s32 @p0 $0x1  }
0x13: {  	[smem:$0x3FAC] =	sst s0;
	s0 =	simm.s32 @!p1 $0x0  }
0x14: {  	s2 =	sld [smem:$0x3F90];
	s0 =	simm.s32 @p1 $0x1  }
0x15: {  	[smem:$0x3FAD] =	sst s0;
	s0 =	simm.s32 @!p2 $0x0  }
0x16: {  	s3 =	sld [smem:$0x3FDB];
	s0 =	simm.s32 @p2 $0x1  }
0x17: {  	s4 =	simm.s32 $0x1BF5;
	[smem:$0x3FAF] =	sst s0  }
0x18: {  	s0 =	sld [smem:$0x3F92];
	_ =	swait.ge [sflag:s4], $0x0  }
0x19: {  	s7 =	sld [smem:$0x3F93]  }
0x1a: {  	s8 =	sadd.s32 $0xFFFFE003, lr  }
0x1b: {  	s9 =	sadd.s32 $0xFFFFFEF7, lr;
	s5 =	simm.s32 $0xFFFFFFFF;
	p2 =	slt.u32 s8, $0xFFFFF086  }
0x1c: {  	p1 =	slt.u32 s9, $0xF7A;
	s5 =	simm.s32 @!p2 $0x0  }
0x1d: {  	s5 =	simm.s32 @p1 $0x1;
	p0 =	seq.s32 s7, s2  }
0x1e: {  	s7 =	smul.u32 @!p0 $0xF7A, s2;
	p2 =	seq.s32 @!p0 s5, $0x0  }
0x1f: {  	s9 =	smul.u32 $0xF7A, s1;
	s8 =	simm.s32 @!p0 $0x1BF5;
	p2 =	por !p2, p0  }
0x20: {  	[sflag:s8] =	ssyncset.s32 @!p0 $0xFFFFF086;
	s6 =	sadd.s32 @!p0 s3, s7;
	s7 =	simm.s32 @!p0 $0x108  }
0x21: {  	s3 =	sadd.s32 s3, s9;
	s6 =	sadd.s32 @!p0 $0x88, s6;
	s7 =	simm.s32 @p2 $0x1082  }
0x22: {  	[simem:s7], [sflag:s8] =	dma.local @!p0 [hbm:s6], $0xF7A  }
0x23: {  	s9 =	sor.u32 $0xD0000000, s2;
	s6 =	simm.s32 $0x108;
	_ =	swait.ge @!p0 [sflag:s8], $0x0  }
0x24: {  	s3 =	sadd.s32 $0x88, s3;
	s6 =	simm.s32 @!p1 $0x1082;
	[sflag:s4] =	ssyncset.s32 $0xFFFFF086  }
0x25: {  	[simem:s6], [sflag:s4] =	dma.local [hbm:s3], $0xF7A  }
0x26: {  	[smem:$0x3F93] =	sst s1;
	(tag) =	ssettag s2;
	_ =	strace s9  }
0x27: {  	s1 =	sld [smem:$0x3FA3]  }
0x28: {  	s2 =	sld [smem:$0x3FA4]  }
0x29: {  	s4 =	sld [smem:$0x3FA6]  }
0x2a: {  	p0 =	seq.s32 s5, $0x0;
	s5 =	sld [smem:$0x3FA7]  }
0x2b: {  	s6 =	sld [smem:$0x3FA8]  }
0x2c: {  	s7 =	sld [smem:$0x3FA9]  }
0x2d: {  	s3 =	simm.s32 $0x108;
	s8 =	sld [smem:$0x3FAA]  }
0x2e: {  	s3 =	simm.s32 @!p0 $0x1082;
	s9 =	sld [smem:$0x3FAB]  }
0x2f: {  	lr =	sadd.s32 s0, s3;
	s0 =	sld [smem:$0x3FA2]  }
0x30: {  	s3 =	sld [smem:$0x3FA5]  }
0x31: {  	[smem:$0x3FAE] =	sst s10  }
0x32: {  	s10 =	sld [smem:$0x3FAC];
	_ =	sdelay $0x3  }
0x33: {  	p0 =	seq.s32 s10, $0x1;
	s10 =	sld [smem:$0x3FAE];
	_ =	sdelay $0x3  }
0x34: {  	[smem:$0x3FAE] =	sst s10  }
0x35: {  	s10 =	sld [smem:$0x3FAD];
	_ =	sdelay $0x3  }
0x36: {  	p1 =	seq.s32 s10, $0x1;
	s10 =	sld [smem:$0x3FAE];
	_ =	sdelay $0x3  }
0x37: {  	[smem:$0x3FAE] =	sst s10  }
0x38: {  	s10 =	sld [smem:$0x3FAF]  }
0x39: {  	_ = 	snop;
	(pc) =	sbr.ind lr, $3  }
0x3a: {  	_ = 	snop  }
0x3b: {  	_ = 	snop  }
0x3c: {  	p2 =	seq.s32 s10, $0x1;
	s10 =	sld [smem:$0x3FAE]  }
0x3d: {  	_ =	shalt  }
0x3e: {  	_ =	shalt  }
0x3f: {  	_ =	shalt  }
0x40: {  	_ =	shalt  }
0x41: {  	_ =	shalt  }
0x42: {  	_ =	shalt  }
0x43: {  	_ =	shalt  }
0x44: {  	_ =	shalt  }
0x45: {  	_ =	shalt  }
0x46: {  	_ =	shalt  }
0x47: {  	_ =	shalt  }
0x48: {  	_ =	shalt  }
0x49: {  	_ =	shalt  }
0x4a: {  	_ =	shalt  }
0x4b: {  	_ =	shalt  }
0x4c: {  	_ =	shalt  }
0x4d: {  	_ =	shalt  }
0x4e: {  	_ =	shalt  }
0x4f: {  	_ =	shalt  }
0x50: {  	_ =	shalt  }
0x51: {  	_ =	shalt  }
0x52: {  	_ =	shalt  }
0x53: {  	_ =	shalt  }
0x54: {  	_ =	shalt  }
0x55: {  	_ =	shalt  }
0x56: {  	_ =	shalt  }
0x57: {  	_ =	shalt  }
0x58: {  	_ =	shalt  }
0x59: {  	_ =	shalt  }
0x5a: {  	_ =	shalt  }
0x5b: {  	_ =	shalt  }
0x5c: {  	_ =	shalt  }
0x5d: {  	_ =	shalt  }
0x5e: {  	_ =	shalt  }
0x5f: {  	_ =	shalt  }
0x60: {  	_ =	shalt  }
0x61: {  	_ =	shalt  }
0x62: {  	_ =	shalt  }
0x63: {  	_ =	shalt  }
0x64: {  	_ =	shalt  }
0x65: {  	_ =	shalt  }
0x66: {  	_ =	shalt  }
0x67: {  	_ =	shalt  }
0x68: {  	_ =	shalt  }
0x69: {  	_ =	shalt  }
0x6a: {  	_ =	shalt  }
0x6b: {  	_ =	shalt  }
0x6c: {  	_ =	shalt  }
0x6d: {  	_ =	shalt  }
0x6e: {  	_ =	shalt  }
0x6f: {  	_ =	shalt  }
0x70: {  	_ =	shalt  }
0x71: {  	_ =	shalt  }
0x72: {  	_ =	shalt  }
0x73: {  	_ =	shalt  }
0x74: {  	_ =	shalt  }
0x75: {  	_ =	shalt  }
0x76: {  	_ =	shalt  }
0x77: {  	_ =	shalt  }
0x78: {  	_ =	shalt  }
0x79: {  	_ =	shalt  }
0x7a: {  	_ =	shalt  }
0x7b: {  	_ =	shalt  }
0x7c: {  	_ =	shalt  }
0x7d: {  	_ =	shalt  }
0x7e: {  	_ =	shalt  }
0x7f: {  	_ =	shalt  }
0x80: {  	_ =	shalt  }
0x81: {  	_ =	shalt  }
0x82: {  	_ =	shalt  }
0x83: {  	_ =	shalt  }
0x84: {  	_ =	shalt  }
0x85: {  	_ =	shalt  }
0x86: {  	_ =	shalt  }
0x87: {  	_ =	shalt  }
.Lfunc_end0:
.L_simem_size_0:
called_computation_lowered:
.L_overlay_start_0:
0x88: {  	s2 =	sld [smem:$0x3FD9]  }
0x89: {  	s3 =	sld [smem:$0x3FFE];
	_ =	sdelay $0x1  }
0x8a: {  	s1 =	srdreg.scid  }
0x8b: {  	s0 =	sand.u32 $0x1, s1  }
0x8c: {  	s17 =	sshll.u32 s0, $0xA;
	s2 =	sadd.s32 s3, s2  }
0x8d: {  	s2 =	sadd.s32 s2, s17  }
0x8e: {  	[smem:$0x3FBA] =	sst s2  }
0x8f: {  	_ = 	snop  }
0x90: {  	s2 =	sld [smem:$0x3FD0];
	(tm) =	ssettm $0x1  }
0x91: {  	s18 =	sld [smem:$0x3FFB];
	_ =	sdelay $0x3  }
0x92: {  	_ =	strace s18  }
0x93: {  	s3 =	sld [smem:$0x3FFC];
	_ =	sdelay $0x3  }
0x94: {  	_ =	strace s3  }
0x95: {  	s3 =	sld [smem:$0x3FFD];
	_ =	sdelay $0x3  }
0x96: {  	_ =	strace s3  }
0x97: {  	_ =	strace $0x8FFFFFFF  }
0x98: {  	s19 =	sld [smem:$0x3FDB];
	_ =	sdelay $0x1  }
0x99: {  	s4 =	simm.s32 $_scs_section_size  }
0x9a: {  	s5 =	simm.s32 $_size__tile_overlayer_lowered;
	s6 =	simm.s32 $_tile_overlayer_lowered  }
0x9b: {  	s22 =	simm.s32 $0x1BFF;
	s21 =	sshll.u32 s6, $0x1;
	s3 =	sadd.s32 s4, s19  }
0x9c: {  	s7 =	simm.s32 $0x0;
	s20 =	sshll.u32 s5, $0x1;
	s5 =	sadd.s32 s21, s3  }
0x9d: {  	[timem:s7], [sflag:s22] =	dma.local [hbm:s5], s20  }
0x9e: {  	_ =	swait.ge [sflag:s22], s20  }
0x9f: {  	s4 =	ssub.s32 $0x0, s20;
	[sflag:s22] =	ssyncset.done $0x0  }
0xa0: {  	[sflag:s22] =	ssyncadd.s32 s4;
	_ =	sdelay $0x1  }
0xa1: {  	s23 =	simm.s32 $0x1B8B  }
0xa2: {  	_ =	swait.ge [sflag:s23], $0x1  }
0xa3: {  	[sflag:s23] =	ssyncset.done $0x0  }
0xa4: {  	s25 =	simm.s32 $0x1B8E;
	s24 =	sld [smem:$0x3FFE];
	[sflag:s23] =	ssyncadd.s32 $0xFFFFFFFF  }
0xa5: {  	s26 =	simm.s32 $execute0_lowered;
	[smem:$0x3FD2] =	sst s25  }
0xa6: {  	s5 =	sshll.u32 s26, $0x1;
	_ =	strace $0x80000046;
	[dreg:$0x1] =	wrdreg $0xFFFFFFFF  }
0xa7: {  	s28 =	simm.s32 $_size_execute0_lowered;
	s3 =	sadd.s32 s3, s5;
	[dreg:$0x0] =	wrdreg $0x0  }
0xa8: {  	s5 =	sshll.u32 s28, $0x1;
	[dreg:$0x2] =	wrdreg s3  }
0xa9: {  	[dreg:$0x3] =	wrdreg s5  }
0xaa: {  	[dreg:$0x4] =	wrdreg $0xC0  }
0xab: {  	_ =	task [dreg:s7], $0x5FFFF  }
0xac: {  	[dreg:$0x1] =	wrdreg $0xFFFFFFFF  }
0xad: {  	[dreg:$0x0] =	wrdreg $0x60  }
0xae: {  	[dreg:$0x2] =	wrdreg s24  }
0xaf: {  	[dreg:$0x3] =	wrdreg s2  }
0xb0: {  	[dreg:$0x4] =	wrdreg $0x168000  }
0xb1: {  	[dreg:$0x5] =	wrdreg $0x9  }
0xb2: {  	_ =	task.clear_ibuf [dreg:s7], $0x6FFFF;
	_ =	strace $0x90000046  }
0xb3: {  	s29 =	simm.s32 $0x9;
	_ =	strace $0x80000048  }
0xb4: {  	_ =	swait.ge [sflag:s29], $0x1  }
0xb5: {  	[sflag:s29] =	ssyncadd.s32 $0xFFFFFFFF  }
0xb6: {  	_ =	strace $0x90000048  }
0xb7: {  	_ =	sfence  }
0xb8: {  	s30 =	sld [smem:$0x0];
	_ =	sdelay $0x2  }
0xb9: {  	s31 =	sshll.u32 s1, $0xD;
	s1 =	sshrl.u32 s1, $0x2  }
0xba: {  	s3 =	sand.u32 $0x4000, s31;
	s1 =	sadd.s32 s1, s30  }
0xbb: {  	s0 =	sor.u32 s3, s0;
	s1 =	sshll.u32 s1, $0x11  }
0xbc: {  	s0 =	sor.u32 s1, s0  }
0xbd: {  	s0 =	sadd.s32 $0x8F2B, s0  }
0xbe: {  	[sflag:s0] =	ssyncadd.remote.s32 $0x1  }
0xbf: {  	_ =	sfence.sel $0xFFFF  }
0xc0: {  	[dreg:$0x0] =	wrdreg $0xFFFFFFFF;
	(pc) =	sbr.abs _section_cstart, $3  }
0xc1: {  	[dreg:$0x1] =	wrdreg $0xFFFFFFFF  }
0xc2: {  	_ =	task.clear_ibuf [dreg:s7], $0x2FFFF;
	_ =	strace $0x9FFFFFFF  }
0xc3: {  	(tm) =	ssettm $0x7FFFFFFF  }
tec
execute0_lowered:
.L_overlay_start_1:
0x0: {  	(tag) =	ssettag $0x1  }
0x1: {  	s0 =	rddreg [dreg:$0x0]  }
0x2: {  	s2 =	rddreg [dreg:$0x1]  }
0x3: {  	s1 =	rddreg [dreg:$0x2];
	s3 =	simm.s32 $0x0  }
0x4: {  	s4 =	srdreg.scid;
	s11 =	stileid.u32;
	s19 =	simm.s32 $0x1  }
0x5: {  	s21 =	simm.s32 $0x12000;
	s22 =	simm.s32 $0x80;
	s23 =	simm.s32 $0x400  }
0x6: {  	s28 =	simm.s32 $0x12C00;
	s29 =	simm.s32 $0x12F00;
	s30 =	simm.s32 $0x13200  }
0x7: {  	s31 =	simm.s32 $0x13500;
	[smem:$0x7FF] =	sst s3;
	s4 =	sand.u32 $0x1, s4  }
0x8: {  	s9 =	sshll.u32 s11, $0x9;
	s7 =	smul.u32 $0x6000, s11;
	s5 =	sadd.s32 $0x3C00, s0  }
0x9: {  	s6 =	ssub.s32 $0x2, s4;
	_ =	strace $0x80000047;
	s8 =	sadd.s32 s9, s0  }
0xa: {  	s9 =	sadd.s32 s2, s9;
	s0 =	simm.s32 $0x13800;
	s2 =	simm.s32 $0x0  }
0xb: {  	s10 =	sshrl.u32 s6, $0x1;
	s26 =	sshrl.u32 s7, $0x2;
	s7 =	sadd.s32 $0x3800, s8  }
0xc: {  	s25 =	ssub.s32 s6, s10;
	s6 =	sshll.u32 s11, $0x1;
	s8 =	sadd.s32 s26, s1  }
0xd: {  	s26 =	simm.s32 $0x12900;
	s10 =	sadd.s32 $0x80, s8;
	s11 =	sadd.s32 $0x100, s8  }
0xe: {  	s12 =	sadd.s32 $0x180, s8;
	s13 =	sadd.s32 $0x200, s8;
	s14 =	sadd.s32 $0x280, s8  }
0xf: {  	v0 =	vimm.s32 $0xFFFFFFFF;
	v1 =	vimm.s32 $0x0;
	v2 =	vimm.f32 $0.0e+00;
	s15 =	sadd.s32 $0x300, s8;
	s16 =	sadd.s32 $0x380, s8;
	s17 =	smax.u32 s25, $0x1  }
.LBB2_1:
0x10: {  	s18 =	simm.s32 $0x40;
	s20 =	simm.s32 $0x0  }
.LBB2_2:
0x11: {  	p0 =	sne.s32 s18, $0x5FC0;
	[tilespmem:s20+$0x12000] =	vst v0;
	s20 =	smov.u32 s18;
	s18 =	sadd.s32 $0x40, s18  }
.Ltmp0:
0x12: {  	(pc) =	sbr.rel @p0 .LBB2_2-.Ltmp0, $2  }
0x13: {  	_ =	sdelay $0x2  }
0x14: {  	s20 =	sshra.s32 s20, $0x2  }
0x15: {  	[tilespmem:s20+$0x12000] =	vst v0;
	s18 =	simm.s32 $0x0;
	s25 =	simm.s32 $0x10000  }
0x16: {  	[tilespmem:s25], [sflag:$0x1] =	stream.linear.gather [hbm4b:s7+s18], $0x1000, $0x38;
	[tilespmem:$0x18000] =	vst v63  }
0x17: {  	_ =	swait.ge [sflag:s19], $0x1000  }
0x18: {  	[sflag:s19] =	ssyncset.done $0x0  }
0x19: {  	s24 =	simm.s32 $0x11000;
	[sflag:s19] =	ssyncadd.s32 $0xFFFFF000  }
0x1a: {  	[tilespmem:s24], [sflag:$0x1] =	stream.linear.gather [hbm4b:s9+s18], $0x1000, $0x38;
	[tilespmem:$0x18000] =	vst v63  }
0x1b: {  	_ =	swait.ge [sflag:s19], $0x1000  }
0x1c: {  	[sflag:s19] =	ssyncset.done $0x0  }
0x1d: {  	s25 =	simm.s32 $0x0;
	[sflag:s19] =	ssyncadd.s32 $0xFFFFF000  }
0x1e: {  	v4 =	vld [tilespmem:s25+$0x11000];
	_ =	sdelay $0x4  }
0x1f: {  	v10 =	vshrl.u32 v4, $0x9  }
0x20: {  	v3 =	vimm.s32 $0x0;
	v4 =	vshll.u32 v4, $0xC;
	vm5 =	veq.s32 v10, $0x2  }
0x21: {  	v5 =	vld [tilespmem:s25+$0x10000];
	vm6 =	veq.s32 v10, $0x1;
	vm7 =	veq.s32 v10, $0x0;
	v6 =	vsel vm5, $0x1, v1  }
0x22: {  	vm0 =	veq.s32 v10, $0x3;
	vm1 =	veq.s32 v10, $0x4;
	v9 =	vsel vm6, $0x1, v1;
	(xrf0) =	vadd.scan.msk.s32 $0xffff, v6  }
0x23: {  	vm2 =	veq.s32 v10, $0x5;
	vm3 =	veq.s32 v10, $0x6;
	v6 =	vsel vm7, $0x1, v1;
	(xrf0) =	vadd.scan.msk.s32 $0xffff, v9  }
0x24: {  	vm4 =	veq.s32 v10, $0x7;
	v8 =	vmpcnt.ones.xlane vm6;
	v7 =	vmpcnt.ones.xlane vm5;
	(xrf0) =	vadd.scan.msk.s32 $0xffff, v6  }
0x25: {  	v12 =	vmpcnt.ones.xlane vm7;
	v11 =	vsel vm0, $0x1, v1;
	v13 =	vmpcnt.ones.xlane vm0  }
0x26: {  	v14 =	vsel vm4, $0x1, v1;
	v20 =	vmpcnt.ones.xlane vm4;
	v9 =	vadd.s32 v5, v4;
	(xrf0) =	vadd.scan.msk.s32 $0xffff, v11  }
0x27: {  	v5 =	vsel vm1, $0x1, v1;
	v4 =	vadd.s32 v3, v13;
	v13 =	vsel vm2, $0x1, v1  }
0x28: {  	v6 =	vmpcnt.ones.xlane vm1;
	v11 =	vmpcnt.ones.xlane vm2;
	(xrf0) =	vadd.scan.msk.s32 $0xffff, v5;
	v5 =	vadd.s32 v3, v12;
	v10, _, _ =	vpop (xrf0)  }
0x29: {  	v12 =	vsel vm3, $0x1, v1;
	(xrf0) =	vadd.scan.msk.s32 $0xffff, v13;
	v13 =	vmpcnt.ones.xlane vm3;
	v10 =	vadd.s32 v10, v3;
	v15, _, _ =	vpop (xrf0)  }
0x2a: {  	v6 =	vadd.s32 v3, v6;
	(xrf0) =	vadd.scan.msk.s32 $0xffff, v12;
	v15 =	vadd.s32 v15, v3;
	v16 =	vadd.s32 $0xFFFFFFFF, v10;
	v17, _, _ =	vpop (xrf0)  }
0x2b: {  	v10 =	vadd.s32 v3, v13;
	v12 =	vadd.s32 v17, v3;
	v13 =	vadd.s32 $0xFFFFFFFF, v15  }
0x2c: {  	(xrf0) =	vadd.scan.msk.s32 $0xffff, v14;
	vm8 =	vlt.s32 v16, $0x2FF;
	v14, _, _ =	vpop (xrf0);
	v12 =	vadd.s32 $0xFFFFFFFF, v12;
	vm9 =	vlt.s32 v13, $0x2FF  }
0x2d: {  	v15 =	vnsel vm8, $0x2FF, v16;
	v14 =	vadd.s32 v14, v3;
	v13 =	vnsel vm9, $0x2FF, v13  }
0x2e: {  	v16, _, _ =	vpop (xrf0);
	vm15 =	vlt.s32 v12, $0x2FF;
	v21 =	vadd.s32 $0x600, v15;
	v14 =	vadd.s32 $0xFFFFFFFF, v14  }
0x2f: {  	v16 =	vadd.s32 v16, v3;
	v13 =	vadd.s32 $0x300, v13;
	v17, _, _ =	vpop (xrf0);
	v12 =	vnsel vm15, $0x2FF, v12  }
0x30: {  	vm13 =	vlt.s32 v14, $0x2FF;
	v15 =	vadd.s32 $0xFFFFFFFF, v16;
	v16 =	vadd.s32 v17, v3;
	v17, _, _ =	vpop (xrf0)  }
0x31: {  	v14 =	vnsel vm13, $0x2FF, v14;
	vm12 =	vlt.s32 v15, $0x2FF;
	v17 =	vadd.s32 v17, v3  }
0x32: {  	v18 =	vadd.s32 $0xFFFFFFFF, v16;
	v15 =	vnsel vm12, $0x2FF, v15;
	v17 =	vadd.s32 $0xFFFFFFFF, v17  }
0x33: {  	vm14 =	vlt.s32 v18, $0x2FF;
	v16, _, _ =	vpop (xrf0);
	v15 =	vadd.s32 $0xC00, v15;
	vm15 =	vlt.s32 v17, $0x2FF  }
0x34: {  	v19 =	vadd.s32 v16, v3;
	v16 =	vadd.s32 $0x900, v14;
	[tilespmem:v12+s21+$0x0] =	vst.idx.msk vm7, v9;
	v12 =	vnsel vm14, $0x2FF, v18  }
0x35: {  	v18 =	vnsel vm15, $0x2FF, v17;
	v14 =	vadd.s32 $0xFFFFFFFF, v19;
	v17 =	vadd.s32 $0xF00, v12  }
0x36: {  	[tilespmem:v13+s21+$0x0] =	vst.idx.msk vm6, v9;
	v18 =	vadd.s32 $0x1200, v18;
	v12 =	vadd.s32 v3, v20;
	vm7 =	vlt.s32 v14, $0x2FF  }
0x37: {  	s18 =	simm.s32 $0x40;
	v13 =	vimm.s32 $0x0;
	[tilespmem:v21+s21+$0x0] =	vst.idx.msk vm5, v9;
	v19 =	vnsel vm7, $0x2FF, v14;
	v14 =	vimm.s32 $0x0  }
.LBB2_4:
0x38: {  	p0 =	sne.s32 s18, $0x3FC0;
	v3 =	vadd.s32 v3, v8;
	v13 =	vadd.s32 v13, v11;
	v8 =	vadd.s32 $0x1500, v19;
	v19 =	vmovc v4;
	v20 =	vmovc v5;
	s20 =	smov.u32 s18;
	s18 =	sadd.s32 $0x40, s18  }
0x39: {  	v14 =	vadd.s32 v14, v7;
	v21 =	vmov v10;
	[tilespmem:v16+s21+$0x0] =	vst.idx.msk vm0, v9;
	v16 =	vmov v6  }
0x3a: {  	[tilespmem:v15+s21+$0x0] =	vst.idx.msk vm1, v9  }
0x3b: {  	[tilespmem:v17+s21+$0x0] =	vst.idx.msk vm2, v9  }
0x3c: {  	s20 =	sshra.s32 s20, $0x2;
	[tilespmem:v18+s21+$0x0] =	vst.idx.msk vm3, v9  }
0x3d: {  	[tilespmem:v8+s21+$0x0] =	vst.idx.msk vm4, v9  }
0x3e: {  	v7 =	vld [tilespmem:s20+$0x11000];
	_ =	sdelay $0x4  }
0x3f: {  	v9 =	vld [tilespmem:s20+$0x10000];
	v11 =	vshll.u32 v7, $0xC;
	v15 =	vshrl.u32 v7, $0x9  }
0x40: {  	vm6 =	veq.s32 v15, $0x1;
	vm5 =	veq.s32 v15, $0x2  }
0x41: {  	v8 =	vmpcnt.ones.xlane vm6;
	v17 =	vsel vm5, $0x1, v1;
	v7 =	vmpcnt.ones.xlane vm5  }
0x42: {  	vm7 =	veq.s32 v15, $0x0;
	vm0 =	veq.s32 v15, $0x3;
	v18 =	vsel vm6, $0x1, v1;
	(xrf0) =	vadd.scan.msk.s32 $0xffff, v17  }
0x43: {  	v22 =	vmpcnt.ones.xlane vm7;
	v23 =	vsel vm0, $0x1, v1;
	v17 =	vsel vm7, $0x1, v1;
	(xrf0) =	vadd.scan.msk.s32 $0xffff, v18  }
0x44: {  	vm1 =	veq.s32 v15, $0x4;
	v9 =	vadd.s32 v9, v11;
	v11 =	vmpcnt.ones.xlane vm0;
	(xrf0) =	vadd.scan.msk.s32 $0xffff, v17  }
0x45: {  	vm2 =	veq.s32 v15, $0x5;
	v18 =	vmpcnt.ones.xlane vm1;
	v17 =	vsel vm1, $0x1, v1;
	(xrf0) =	vadd.scan.msk.s32 $0xffff, v23  }
0x46: {  	v23 =	vsel vm2, $0x1, v1;
	v4 =	vadd.s32 v4, v11;
	v11 =	vmpcnt.ones.xlane vm2;
	(xrf0) =	vadd.scan.msk.s32 $0xffff, v17  }
0x47: {  	vm3 =	veq.s32 v15, $0x6;
	v5 =	vadd.s32 v5, v22;
	v6 =	vadd.s32 v6, v18;
	(xrf0) =	vadd.scan.msk.s32 $0xffff, v23  }
0x48: {  	vm4 =	veq.s32 v15, $0x7;
	v25 =	vmpcnt.ones.xlane vm3;
	v17 =	vsel vm3, $0x1, v1;
	v15, _, _ =	vpop (xrf0)  }
0x49: {  	v22 =	vsel vm4, $0x1, v1;
	v23 =	vmpcnt.ones.xlane vm4;
	v15 =	vadd.s32 v15, v14;
	v24, _, _ =	vpop (xrf0);
	(xrf0) =	vadd.scan.msk.s32 $0xffff, v17  }
0x4a: {  	v10 =	vadd.s32 v10, v25;
	v17 =	vadd.s32 v24, v3;
	v15 =	vadd.s32 $0xFFFFFFFF, v15;
	v18, _, _ =	vpop (xrf0);
	(xrf0) =	vadd.scan.msk.s32 $0xffff, v22  }
0x4b: {  	v18 =	vadd.s32 v18, v20;
	v17 =	vadd.s32 $0xFFFFFFFF, v17;
	vm8 =	vlt.s32 v15, $0x2FF;
	v20, _, _ =	vpop (xrf0)  }
0x4c: {  	v18 =	vadd.s32 $0xFFFFFFFF, v18;
	vm9 =	vlt.s32 v17, $0x2FF;
	v15 =	vnsel vm8, $0x2FF, v15;
	v22, _, _ =	vpop (xrf0)  }
0x4d: {  	v19 =	vadd.s32 v20, v19;
	v17 =	vnsel vm9, $0x2FF, v17;
	v16 =	vadd.s32 v22, v16;
	v20, _, _ =	vpop (xrf0)  }
0x4e: {  	vm8 =	vlt.s32 v18, $0x2FF;
	v22 =	vadd.s32 $0x600, v15;
	v17 =	vadd.s32 $0x300, v17  }
0x4f: {  	v18 =	vnsel vm8, $0x2FF, v18;
	v15 =	vadd.s32 $0xFFFFFFFF, v16;
	v16 =	vadd.s32 v20, v13;
	v20, _, _ =	vpop (xrf0)  }
0x50: {  	v19 =	vadd.s32 $0xFFFFFFFF, v19;
	vm8 =	vlt.s32 v15, $0x2FF;
	v24 =	vadd.s32 $0xFFFFFFFF, v16;
	v25, _, _ =	vpop (xrf0)  }
0x51: {  	vm9 =	vlt.s32 v19, $0x2FF;
	v15 =	vnsel vm8, $0x2FF, v15;
	vm8 =	vlt.s32 v24, $0x2FF  }
.Ltmp1:
0x52: {  	v16 =	vnsel vm9, $0x2FF, v19;
	v19 =	vadd.s32 v20, v21;
	v15 =	vadd.s32 $0xC00, v15;
	(pc) =	sbr.rel @p0 .LBB2_4-.Ltmp1, $4  }
0x53: {  	v16 =	vadd.s32 $0x900, v16;
	v19 =	vadd.s32 $0xFFFFFFFF, v19;
	v20 =	vadd.s32 v25, v12  }
0x54: {  	v20 =	vadd.s32 $0xFFFFFFFF, v20;
	[tilespmem:v18+s21+$0x0] =	vst.idx.msk vm7, v9;
	v18 =	vnsel vm8, $0x2FF, v24;
	vm7 =	vlt.s32 v19, $0x2FF  }
0x55: {  	[tilespmem:v17+s21+$0x0] =	vst.idx.msk vm6, v9;
	v17 =	vadd.s32 $0xF00, v18;
	v18 =	vnsel vm7, $0x2FF, v19;
	vm6 =	vlt.s32 v20, $0x2FF  }
0x56: {  	v12 =	vadd.s32 v12, v23;
	[tilespmem:v22+s21+$0x0] =	vst.idx.msk vm5, v9;
	v18 =	vadd.s32 $0x1200, v18;
	v19 =	vnsel vm6, $0x2FF, v20  }
0x57: {  	_ =	sdelay $0x3  }
0x58: {  	v3 =	vadd.s32 $0x1500, v19  }
0x59: {  	[tilespmem:v16+s21+$0x0] =	vst.idx.msk vm0, v9  }
0x5a: {  	[tilespmem:v15+s21+$0x0] =	vst.idx.msk vm1, v9  }
0x5b: {  	[tilespmem:v17+s21+$0x0] =	vst.idx.msk vm2, v9  }
0x5c: {  	[tilespmem:v18+s21+$0x0] =	vst.idx.msk vm3, v9  }
0x5d: {  	[tilespmem:v3+s21+$0x0] =	vst.idx.msk vm4, v9  }
0x5e: {  	[spmem:s8] =	stream.strided.scatter [tilespmem:s21], [sflag:$0x1], $0x300, s23, s22, $0x38;
	[tilespmem:$0x18000] =	vst v63  }
0x5f: {  	_ =	swait.ge [sflag:s19], $0x300  }
0x60: {  	[sflag:s19] =	ssyncset.done $0x0  }
0x61: {  	s18 =	simm.s32 $0x12300;
	[sflag:s19] =	ssyncadd.s32 $0xFFFFFD00  }
0x62: {  	[spmem:s10] =	stream.strided.scatter [tilespmem:s18], [sflag:$0x1], $0x300, s23, s22, $0x38;
	[tilespmem:$0x18000] =	vst v63  }
0x63: {  	_ =	swait.ge [sflag:s19], $0x300  }
0x64: {  	[sflag:s19] =	ssyncset.done $0x0  }
0x65: {  	s25 =	simm.s32 $0x12600;
	[sflag:s19] =	ssyncadd.s32 $0xFFFFFD00  }
0x66: {  	[spmem:s11] =	stream.strided.scatter [tilespmem:s25], [sflag:$0x1], $0x300, s23, s22, $0x38;
	[tilespmem:$0x18000] =	vst v63  }
0x67: {  	_ =	swait.ge [sflag:s19], $0x300  }
0x68: {  	[sflag:s19] =	ssyncset.done $0x0  }
0x69: {  	[sflag:s19] =	ssyncadd.s32 $0xFFFFFD00  }
0x6a: {  	[spmem:s12] =	stream.strided.scatter [tilespmem:s26], [sflag:$0x1], $0x300, s23, s22, $0x38;
	[tilespmem:$0x18000] =	vst v63  }
0x6b: {  	_ =	swait.ge [sflag:s19], $0x300  }
0x6c: {  	[sflag:s19] =	ssyncset.done $0x0  }
0x6d: {  	[sflag:s19] =	ssyncadd.s32 $0xFFFFFD00  }
0x6e: {  	[spmem:s13] =	stream.strided.scatter [tilespmem:s28], [sflag:$0x1], $0x300, s23, s22, $0x38;
	[tilespmem:$0x18000] =	vst v63  }
0x6f: {  	_ =	swait.ge [sflag:s19], $0x300  }
0x70: {  	[sflag:s19] =	ssyncset.done $0x0  }
0x71: {  	[sflag:s19] =	ssyncadd.s32 $0xFFFFFD00  }
0x72: {  	[spmem:s14] =	stream.strided.scatter [tilespmem:s29], [sflag:$0x1], $0x300, s23, s22, $0x38;
	[tilespmem:$0x18000] =	vst v63  }
0x73: {  	_ =	swait.ge [sflag:s19], $0x300  }
0x74: {  	[sflag:s19] =	ssyncset.done $0x0  }
0x75: {  	[sflag:s19] =	ssyncadd.s32 $0xFFFFFD00  }
0x76: {  	[spmem:s15] =	stream.strided.scatter [tilespmem:s30], [sflag:$0x1], $0x300, s23, s22, $0x38;
	[tilespmem:$0x18000] =	vst v63  }
0x77: {  	_ =	swait.ge [sflag:s19], $0x300  }
0x78: {  	[sflag:s19] =	ssyncset.done $0x0  }
0x79: {  	[sflag:s19] =	ssyncadd.s32 $0xFFFFFD00  }
0x7a: {  	[spmem:s16] =	stream.strided.scatter [tilespmem:s31], [sflag:$0x1], $0x300, s23, s22, $0x38;
	[tilespmem:$0x18000] =	vst v63  }
0x7b: {  	_ =	swait.ge [sflag:s19], $0x300  }
0x7c: {  	[sflag:s19] =	ssyncset.done $0x0  }
0x7d: {  	[sflag:s19] =	ssyncadd.s32 $0xFFFFFD00  }
0x7e: {  	s18 =	simm.s32 $0x0;
	[bflag:$0x0] =	sbarrier.arrive $0xFFFF  }
.LBB2_6:
0x7f: {  	s20 =	sshll.u32 s18, $0x7  }
0x80: {  	s20 =	sand.u32 $0x3FFFFF80, s20  }
0x81: {  	s20 =	sadd.s32 s20, s1  }
0x82: {  	[tilespmem:s0], [sflag:$0x1] =	stream.strided.gather [spmem:s20], $0x3000, s23, s22, $0x38;
	[tilespmem:$0x18000] =	vst v63  }
0x83: {  	_ =	swait.ge [sflag:s19], $0x3000  }
0x84: {  	[sflag:s19] =	ssyncset.done $0x0  }
0x85: {  	s24 =	simm.s32 $0x200;
	s20 =	simm.s32 $0x0;
	[sflag:s19] =	ssyncadd.s32 $0xFFFFD000  }
.LBB2_7:
0x86: {  	p0 =	seq.s32 s24, $0x3FE00;
	[tilespmem:s20+$0x70] =	vst v2  }
0x87: {  	[tilespmem:s20+$0x0] =	vst v2  }
0x88: {  	[tilespmem:s20+$0x10] =	vst v2  }
.Ltmp2:
0x89: {  	[tilespmem:s20+$0x20] =	vst v2;
	(pc) =	sbr.rel @!p0 .LBB2_7-.Ltmp2, $4  }
0x8a: {  	[tilespmem:s20+$0x30] =	vst v2  }
0x8b: {  	[tilespmem:s20+$0x40] =	vst v2  }
0x8c: {  	[tilespmem:s20+$0x50] =	vst v2  }
0x8d: {  	[tilespmem:s20+$0x60] =	vst v2;
	s20 =	sshra.s32 s24, $0x2;
	s24 =	sadd.s32 $0x200, s24  }
0x8e: {  	[tilespmem:s20+$0x70] =	vst v2  }
0x8f: {  	[tilespmem:s20+$0x0] =	vst v2  }
0x90: {  	[tilespmem:s20+$0x10] =	vst v2  }
0x91: {  	[tilespmem:s20+$0x20] =	vst v2  }
0x92: {  	[tilespmem:s20+$0x30] =	vst v2  }
0x93: {  	[tilespmem:s20+$0x40] =	vst v2  }
0x94: {  	[tilespmem:s20+$0x50] =	vst v2;
	s25 =	sshll.u32 s18, $0x5  }
0x95: {  	[tilespmem:s20+$0x60] =	vst v2;
	s20 =	sor.u32 s25, s6  }
0x96: {  	s20 =	sor.u32 s4, s20  }
0x97: {  	s24 =	sshll.u32 s20, $0x4  }
0x98: {  	v3 =	vmov s24;
	s24 =	simm.s32 $0x0  }
.LBB2_9:
0x99: {  	s25 =	sshra.s32 s24, $0x2  }
0x9a: {  	v4 =	vld [tilespmem:s25+$0x13800];
	_ =	sdelay $0x4  }
0x9b: {  	v5 =	vshra.s32 v4, $0xC  }
0x9c: {  	v5 =	vsub.s32 v5, v3  }
0x9d: {  	v6 =	vor.u32 v4, v5;
	vm1 =	vlt.s32 v5, $0x10  }
0x9e: {  	v5 =	vshll.u32 v5, $0xC;
	v4 =	vand.u32 $0xFFF, v4;
	vm0 =	vgt.s32 v6, $0xFFFFFFFF  }
0x9f: {  	v4 =	vor.u32 v4, v5;
	vm0 =	vmand vm1, vm0  }
0xa0: {  	v4 =	vnsel vm0, $0x0, v4;
	_ =	sdelay $0x3  }
0xa1: {  	v5 =	vsel vm0, $0x3F800000, v2  }
0xa2: {  	[tilespmem:v4+s3+$0x0] =	vst.idx.add.f32.msk $0xffff, v5  }
0xa3: {  	v4 =	vld [tilespmem:s25+$0x13810];
	_ =	sdelay $0x4  }
0xa4: {  	v5 =	vshra.s32 v4, $0xC  }
0xa5: {  	v5 =	vsub.s32 v5, v3  }
0xa6: {  	v57 =	vor.u32 v4, v5;
	vm15 =	vlt.s32 v5, $0x10  }
0xa7: {  	v5 =	vshll.u32 v5, $0xC;
	v4 =	vand.u32 $0xFFF, v4;
	vm14 =	vgt.s32 v57, $0xFFFFFFFF  }
0xa8: {  	v4 =	vor.u32 v4, v5;
	vm0 =	vmand vm15, vm14  }
0xa9: {  	v4 =	vnsel vm0, $0x0, v4;
	_ =	sdelay $0x3  }
0xaa: {  	v5 =	vsel vm0, $0x3F800000, v2  }
0xab: {  	[tilespmem:v4+s3+$0x0] =	vst.idx.add.f32.msk $0xffff, v5  }
0xac: {  	v4 =	vld [tilespmem:s25+$0x13820];
	_ =	sdelay $0x4  }
0xad: {  	v5 =	vshra.s32 v4, $0xC  }
0xae: {  	v5 =	vsub.s32 v5, v3  }
0xaf: {  	v58 =	vor.u32 v4, v5;
	vm5 =	vlt.s32 v5, $0x10  }
0xb0: {  	v5 =	vshll.u32 v5, $0xC;
	v4 =	vand.u32 $0xFFF, v4;
	vm4 =	vgt.s32 v58, $0xFFFFFFFF  }
0xb1: {  	v4 =	vor.u32 v4, v5;
	vm0 =	vmand vm5, vm4  }
0xb2: {  	v4 =	vnsel vm0, $0x0, v4;
	_ =	sdelay $0x3  }
0xb3: {  	v5 =	vsel vm0, $0x3F800000, v2  }
0xb4: {  	[tilespmem:v4+s3+$0x0] =	vst.idx.add.f32.msk $0xffff, v5  }
0xb5: {  	v4 =	vld [tilespmem:s25+$0x13830];
	_ =	sdelay $0x4  }
0xb6: {  	v5 =	vshra.s32 v4, $0xC  }
0xb7: {  	v5 =	vsub.s32 v5, v3  }
0xb8: {  	v59 =	vor.u32 v4, v5;
	vm7 =	vlt.s32 v5, $0x10  }
0xb9: {  	v5 =	vshll.u32 v5, $0xC;
	v4 =	vand.u32 $0xFFF, v4;
	vm6 =	vgt.s32 v59, $0xFFFFFFFF  }
0xba: {  	v4 =	vor.u32 v4, v5;
	vm0 =	vmand vm7, vm6  }
0xbb: {  	v4 =	vnsel vm0, $0x0, v4;
	_ =	sdelay $0x3  }
0xbc: {  	v5 =	vsel vm0, $0x3F800000, v2  }
0xbd: {  	[tilespmem:v4+s3+$0x0] =	vst.idx.add.f32.msk $0xffff, v5  }
0xbe: {  	v4 =	vld [tilespmem:s25+$0x13840];
	_ =	sdelay $0x4  }
0xbf: {  	v5 =	vshra.s32 v4, $0xC  }
0xc0: {  	v5 =	vsub.s32 v5, v3  }
0xc1: {  	v60 =	vor.u32 v4, v5;
	vm9 =	vlt.s32 v5, $0x10  }
0xc2: {  	v5 =	vshll.u32 v5, $0xC;
	v4 =	vand.u32 $0xFFF, v4;
	vm8 =	vgt.s32 v60, $0xFFFFFFFF  }
0xc3: {  	v4 =	vor.u32 v4, v5;
	vm0 =	vmand vm9, vm8  }
0xc4: {  	v4 =	vnsel vm0, $0x0, v4;
	_ =	sdelay $0x3  }
0xc5: {  	v5 =	vsel vm0, $0x3F800000, v2  }
0xc6: {  	[tilespmem:v4+s3+$0x0] =	vst.idx.add.f32.msk $0xffff, v5  }
0xc7: {  	v4 =	vld [tilespmem:s25+$0x13850];
	_ =	sdelay $0x4  }
0xc8: {  	v5 =	vshra.s32 v4, $0xC  }
0xc9: {  	v5 =	vsub.s32 v5, v3  }
0xca: {  	v61 =	vor.u32 v4, v5;
	vm11 =	vlt.s32 v5, $0x10  }
0xcb: {  	v5 =	vshll.u32 v5, $0xC;
	v4 =	vand.u32 $0xFFF, v4;
	vm10 =	vgt.s32 v61, $0xFFFFFFFF  }
0xcc: {  	v4 =	vor.u32 v4, v5;
	vm0 =	vmand vm11, vm10  }
0xcd: {  	v4 =	vnsel vm0, $0x0, v4;
	_ =	sdelay $0x3  }
0xce: {  	v5 =	vsel vm0, $0x3F800000, v2  }
0xcf: {  	[tilespmem:v4+s3+$0x0] =	vst.idx.add.f32.msk $0xffff, v5  }
0xd0: {  	v4 =	vld [tilespmem:s25+$0x13860];
	_ =	sdelay $0x4  }
0xd1: {  	v5 =	vshra.s32 v4, $0xC  }
0xd2: {  	v5 =	vsub.s32 v5, v3  }
0xd3: {  	v62 =	vor.u32 v4, v5;
	vm13 =	vlt.s32 v5, $0x10  }
0xd4: {  	v5 =	vshll.u32 v5, $0xC;
	v4 =	vand.u32 $0xFFF, v4;
	vm12 =	vgt.s32 v62, $0xFFFFFFFF  }
0xd5: {  	v4 =	vor.u32 v4, v5;
	vm0 =	vmand vm13, vm12  }
0xd6: {  	v4 =	vnsel vm0, $0x0, v4;
	_ =	sdelay $0x3  }
0xd7: {  	v5 =	vsel vm0, $0x3F800000, v2  }
0xd8: {  	[tilespmem:v4+s3+$0x0] =	vst.idx.add.f32.msk $0xffff, v5  }
0xd9: {  	v4 =	vld [tilespmem:s25+$0x13870];
	_ =	sdelay $0x4  }
0xda: {  	v5 =	vshra.s32 v4, $0xC  }
0xdb: {  	v5 =	vsub.s32 v5, v3  }
0xdc: {  	v63 =	vor.u32 v4, v5;
	vm15 =	vlt.s32 v5, $0x10  }
0xdd: {  	v5 =	vshll.u32 v5, $0xC;
	v4 =	vand.u32 $0xFFF, v4;
	vm14 =	vgt.s32 v63, $0xFFFFFFFF  }
0xde: {  	v4 =	vor.u32 v4, v5;
	vm0 =	vmand vm15, vm14  }
0xdf: {  	p0 =	sne.s32 s24, $0xBE00;
	v4 =	vnsel vm0, $0x0, v4  }
.Ltmp3:
0xe0: {  	_ = 	snop;
	(pc) =	sbr.rel @p0 .LBB2_9-.Ltmp3, $3  }
0xe1: {  	_ =	sdelay $0x1  }
0xe2: {  	v5 =	vsel vm0, $0x3F800000, v2  }
0xe3: {  	s24 =	sadd.s32 $0x200, s24;
	[tilespmem:v4+s3+$0x0] =	vst.idx.add.f32.msk $0xffff, v5  }
0xe4: {  	s18 =	sadd.s32 $0x1, s18  }
0xe5: {  	s20 =	sshll.u32 s20, $0xD;
	p0 =	sne.s32 s18, $0x8  }
.Ltmp4:
0xe6: {  	s20 =	sadd.s32 s5, s20;
	(pc) =	sbr.rel @p0 .LBB2_6-.Ltmp4, $4  }
0xe7: {  	[hbm4b:s20+s3] =	stream.linear.scatter [tilespmem:s3], [sflag:$0x1], $0x10000, $0x38;
	[tilespmem:$0x18000] =	vst v63  }
0xe8: {  	_ =	swait.ge [sflag:s19], $0x10000  }
0xe9: {  	[sflag:s19] =	ssyncset.done $0x0  }
0xea: {  	[sflag:s19] =	ssyncadd.s32 $0xFFFF0000  }
0xeb: {  	s2 =	sadd.s32 $0x1, s2  }
0xec: {  	p0 =	sne.s32 s2, s17  }
.Ltmp5:
0xed: {  	_ = 	snop;
	(pc) =	sbr.rel @p0 .LBB2_1-.Ltmp5, $1  }
0xee: {  	_ =	sdelay $0x3  }
0xef: {  	_ =	sfence.sel $0x180000  }
0xf0: {  	[bflag:$0x0] =	sbarrier.arrive $0xFFFF  }
0xf1: {  	_ =	strace $0x90000047  }
0xf2: {  	s0 =	stileid.u32;
	[bflag:$0x2] =	sbarrier.arrive $0xFFFF  }
0xf3: {  	p0 =	sne.s32 s0, $0x0;
	s0 =	rddreg [dreg:$0x3]  }
0xf4: {  	s0 =	sadd.s32 @!p0 $0x100000, s0  }
0xf5: {  	[sflag:s0] =	ssyncadd.tile.s32 @!p0 $0x1;
	_ =	shalt  }
.Lfunc_end2:
_tile_overlayer_lowered:
.L_overlay_start_2:
0xf6: {  	(tag) =	ssettag $0x2  }
0xf7: {  	s0 =	rddreg [dreg:$0x0];
	s2 =	stileid.u32  }
0xf8: {  	s1 =	rddreg [dreg:$0x1];
	p0 =	sne.s32 s2, $0x0  }
0xf9: {  	s3 =	rddreg [dreg:$0x2];
	[bflag:$0x3] =	sbarrier.arrive $0xFFFF;
	s2 =	simm.s32 @!p0 $0x1C01  }
0xfa: {  	[timem:s3], [sflag:s2] =	dma.local @!p0 [hbm:s0], s1  }
0xfb: {  	s0 =	simm.s32 @!p0 $0x1  }
0xfc: {  	_ =	swait.ge @!p0 [sflag:s0], s1  }
0xfd: {  	s1 =	ssub.s32 @!p0 $0x0, s1;
	[sflag:s0] =	ssyncset.done @!p0 $0x0  }
0xfe: {  	[sflag:s0] =	ssyncadd.s32 @!p0 s1  }
0xff: {  	[bflag:$0x3] =	sbarrier.arrive $0xFFFF  }
0x100: {  	_ =	shalt  }

</sc_bundles>
